<compile_context>
chip_gen: v7x
topology: tpu7x:2x2x1
jax: 0.10.2.dev20260603
libtpu: 0.0.44.dev20260713+nightly
codegen_flags: <defaults>
</compile_context>

<pallas_src>
import functools

import jax
import jax.numpy as jnp
from jax import lax
from jax.experimental import pallas as pl
from jax.experimental.pallas import tpu as pltpu
from jax.experimental.pallas import tpu_sc as plsc

_NC = 2
_NS = 16
_NW = _NC * _NS
_LANES = 16

_F32 = jnp.float32
_CH = 80


def _zero16():
    return jnp.zeros((_LANES,), _F32)


def _zero_acc(z_hbm, acc_sh, s, rpt, tail):
    pltpu.sync_copy(z_hbm.at[pl.ds(s * rpt, rpt)],
                    acc_sh.at[pl.ds(s * rpt, rpt)])
    if tail:
        @pl.when(s == 0)
        def _():
            pltpu.sync_copy(z_hbm.at[pl.ds(_NS * rpt, tail)],
                            acc_sh.at[pl.ds(_NS * rpt, tail)])


def _read_out(acc_sh, out, c, s, rpt, tail):
    pltpu.sync_copy(acc_sh.at[pl.ds(s * rpt, rpt)],
                    out.at[c, pl.ds(s * rpt, rpt)])
    if tail:
        @pl.when(s == 0)
        def _():
            pltpu.sync_copy(acc_sh.at[pl.ds(_NS * rpt, tail)],
                            out.at[c, pl.ds(_NS * rpt, tail)])




def _edge_agg_body(N, D, E, ea_hbm, dst_hbm, w0b_hbm, z_hbm, out_ea, out_s0,
                   idxa, idxb, rowsa, rowsb, acc_sh,
                   sia, sib, sga, sgb, ssa, ssb):
    c = lax.axis_index("c")
    s = lax.axis_index("s")
    wid = s * _NC + c
    ept = E // _NW
    nch = ept // _CH
    npairs = nch // 2
    rpt = (N // _NS) & ~7
    tail = N - rpt * _NS

    def idx_start(i, idxv, sem):
        base = wid * ept + i * _CH
        pltpu.async_copy(dst_hbm.at[pl.ds(base, _CH)], idxv, sem)

    def idx_wait(idxv, sem):
        pltpu.make_async_copy(dst_hbm.at[pl.ds(0, _CH)], idxv, sem).wait()

    def fetch_start(i, rowsv, sem):
        base = wid * ept + i * _CH
        pltpu.async_copy(ea_hbm.at[pl.ds(base, _CH)], rowsv, sem)

    def rows_wait(rowsv, sem):
        pltpu.make_async_copy(ea_hbm.at[pl.ds(0, _CH)], rowsv, sem).wait()

    def scat_start(idxv, rowsv, sem):
        pltpu.async_copy(rowsv, acc_sh.at[idxv], sem, add=True)

    _zero_acc(z_hbm, acc_sh, s, rpt, tail)
    plsc.subcore_barrier()

    fetch_start(0, rowsa, sga)
    idx_start(0, idxa, sia)
    fetch_start(1, rowsb, sgb)
    idx_start(1, idxb, sib)

    def pair1(j, _):
        i = 2 * j
        rows_wait(rowsa, sga)
        idx_wait(idxa, sia)
        scat_start(idxa, rowsa, ssa)
        rows_wait(rowsb, sgb)
        idx_wait(idxb, sib)
        scat_start(idxb, rowsb, ssb)
        rows_wait(rowsa, ssa)
        fetch_start(i + 2, rowsa, sga)
        idx_start(i + 2, idxa, sia)
        rows_wait(rowsb, ssb)

        @pl.when(i + 3 < nch)
        def _():
            fetch_start(i + 3, rowsb, sgb)
            idx_start(i + 3, idxb, sib)
        return 0
    lax.fori_loop(0, npairs, pair1, 0)
    rows_wait(rowsa, sga)
    idx_wait(idxa, sia)
    scat_start(idxa, rowsa, ssa)
    rows_wait(rowsa, ssa)
    plsc.subcore_barrier()

    _read_out(acc_sh, out_ea, c, s, rpt, tail)
    _zero_acc(z_hbm, acc_sh, s, rpt, tail)
    plsc.subcore_barrier()

    pltpu.sync_copy(w0b_hbm, rowsa)
    idx_start(0, idxa, sia)
    idx_start(1, idxb, sib)

    def pair2(j, _):
        i = 2 * j
        idx_wait(idxa, sia)
        scat_start(idxa, rowsa, ssa)
        idx_wait(idxb, sib)
        scat_start(idxb, rowsa, ssb)
        rows_wait(rowsa, ssa)
        idx_start(i + 2, idxa, sia)
        rows_wait(rowsa, ssb)

        @pl.when(i + 3 < nch)
        def _():
            idx_start(i + 3, idxb, sib)
        return 0
    lax.fori_loop(0, npairs, pair2, 0)
    idx_wait(idxa, sia)
    scat_start(idxa, rowsa, ssa)
    rows_wait(rowsa, ssa)
    plsc.subcore_barrier()

    _read_out(acc_sh, out_s0, c, s, rpt, tail)


def _edge_agg_call(edge_attr, dst, w0b, zeros_nd, N):
    E, D = edge_attr.shape
    nch = (E // _NW) // _CH
    assert E % (_NW * _CH) == 0 and N % _NS == 0 and nch % 2 == 1 and nch >= 3
    mesh = plsc.VectorSubcoreMesh(core_axis_name="c", subcore_axis_name="s")
    f = pl.kernel(
        functools.partial(_edge_agg_body, N, D, E),
        out_type=(
            jax.ShapeDtypeStruct((_NC, N, D), _F32),
            jax.ShapeDtypeStruct((_NC, N, D), _F32),
        ),
        mesh=mesh,
        scratch_types=[
            pltpu.VMEM((_CH,), jnp.int32),
            pltpu.VMEM((_CH,), jnp.int32),
            pltpu.VMEM((_CH, D), _F32),
            pltpu.VMEM((_CH, D), _F32),
            pltpu.VMEM_SHARED((N, D), _F32),
            pltpu.SemaphoreType.DMA,
            pltpu.SemaphoreType.DMA,
            pltpu.SemaphoreType.DMA,
            pltpu.SemaphoreType.DMA,
            pltpu.SemaphoreType.DMA,
            pltpu.SemaphoreType.DMA,
        ],
    )
    return f(edge_attr, dst, w0b, zeros_nd)




def _spmv_body(N, D, E, hw_hbm, src_hbm, dst_hbm, z_hbm, out_s,
               sidxa, didxa, sidxb, didxb, rowsa, rowsb, acc_sh,
               sia, sib, sga, sgb, ssa, ssb):
    c = lax.axis_index("c")
    s = lax.axis_index("s")
    wid = s * _NC + c
    ept = E // _NW
    nch = ept // _CH
    npairs = nch // 2
    rpt = (N // _NS) & ~7
    tail = N - rpt * _NS

    def idx_start(i, sidxv, didxv, sem):
        base = wid * ept + i * _CH
        pltpu.async_copy(src_hbm.at[pl.ds(base, _CH)], sidxv, sem)
        pltpu.async_copy(dst_hbm.at[pl.ds(base, _CH)], didxv, sem)

    def idx_wait(sidxv, didxv, sem):
        pltpu.make_async_copy(src_hbm.at[pl.ds(0, _CH)], sidxv, sem).wait()
        pltpu.make_async_copy(dst_hbm.at[pl.ds(0, _CH)], didxv, sem).wait()

    def gather_start(sidxv, rowsv, sem):
        pltpu.async_copy(hw_hbm.at[sidxv], rowsv, sem)

    def rows_wait(rowsv, sem):
        pltpu.make_async_copy(hw_hbm.at[pl.ds(0, _CH)], rowsv, sem).wait()

    def scat_start(didxv, rowsv, sem):
        pltpu.async_copy(rowsv, acc_sh.at[didxv], sem, add=True)

    _zero_acc(z_hbm, acc_sh, s, rpt, tail)
    plsc.subcore_barrier()

    idx_start(0, sidxa, didxa, sia)
    idx_wait(sidxa, didxa, sia)
    gather_start(sidxa, rowsa, sga)
    idx_start(1, sidxb, didxb, sib)
    idx_wait(sidxb, didxb, sib)
    gather_start(sidxb, rowsb, sgb)

    def pair(j, _):
        i = 2 * j
        rows_wait(rowsa, sga)
        scat_start(didxa, rowsa, ssa)
        rows_wait(rowsb, sgb)
        scat_start(didxb, rowsb, ssb)
        rows_wait(rowsa, ssa)

        @pl.when(i + 2 < nch)
        def _():
            idx_start(i + 2, sidxa, didxa, sia)
            idx_wait(sidxa, didxa, sia)
            gather_start(sidxa, rowsa, sga)

        rows_wait(rowsb, ssb)

        @pl.when(i + 3 < nch)
        def _():
            idx_start(i + 3, sidxb, didxb, sib)
            idx_wait(sidxb, didxb, sib)
            gather_start(sidxb, rowsb, sgb)
        return 0
    lax.fori_loop(0, npairs, pair, 0)
    rows_wait(rowsa, sga)
    scat_start(didxa, rowsa, ssa)
    rows_wait(rowsa, ssa)
    plsc.subcore_barrier()

    _read_out(acc_sh, out_s, c, s, rpt, tail)


def _spmv(hw, src, dst, zeros_nd):
    N, D = hw.shape
    E = src.shape[0]
    nch = (E // _NW) // _CH
    assert E % (_NW * _CH) == 0 and N % _NS == 0 and nch % 2 == 1 and nch >= 3
    mesh = plsc.VectorSubcoreMesh(core_axis_name="c", subcore_axis_name="s")
    f = pl.kernel(
        functools.partial(_spmv_body, N, D, E),
        out_type=jax.ShapeDtypeStruct((_NC, N, D), _F32),
        mesh=mesh,
        scratch_types=[
            pltpu.VMEM((_CH,), jnp.int32),
            pltpu.VMEM((_CH,), jnp.int32),
            pltpu.VMEM((_CH,), jnp.int32),
            pltpu.VMEM((_CH,), jnp.int32),
            pltpu.VMEM((_CH, D), _F32),
            pltpu.VMEM((_CH, D), _F32),
            pltpu.VMEM_SHARED((N, D), _F32),
            pltpu.SemaphoreType.DMA,
            pltpu.SemaphoreType.DMA,
            pltpu.SemaphoreType.DMA,
            pltpu.SemaphoreType.DMA,
            pltpu.SemaphoreType.DMA,
            pltpu.SemaphoreType.DMA,
        ],
    )
    return f(hw, src, dst, zeros_nd)



_BN = 1000


def _tc1_body(nt_ref, w0_ref, b0_ref, w1_ref, b1_ref, ea_ref, s0_ref, out_ref):
    w0 = (jnp.dot(nt_ref[...], w0_ref[...], preferred_element_type=_F32)
          + b0_ref[...])
    h1 = jnp.maximum(
        s0_ref[0] + s0_ref[1] + ea_ref[0] + ea_ref[1] + w0, 0.0)
    out_ref[...] = (jnp.dot(h1, w1_ref[...], preferred_element_type=_F32)
                    + b1_ref[...])


def _tc1(node_table, W0, b0, W1, b1, ea_part, s0_part):
    _, N, D = ea_part.shape
    grid = (N // _BN,)
    return pl.pallas_call(
        _tc1_body,
        grid=grid,
        in_specs=[
            pl.BlockSpec((1, D), lambda i: (0, 0)),
            pl.BlockSpec((D, D), lambda i: (0, 0)),
            pl.BlockSpec((1, D), lambda i: (0, 0)),
            pl.BlockSpec((D, D), lambda i: (0, 0)),
            pl.BlockSpec((1, D), lambda i: (0, 0)),
            pl.BlockSpec((_NC, _BN, D), lambda i: (0, i, 0)),
            pl.BlockSpec((_NC, _BN, D), lambda i: (0, i, 0)),
        ],
        out_specs=pl.BlockSpec((_BN, D), lambda i: (i, 0)),
        out_shape=jax.ShapeDtypeStruct((N, D), _F32),
    )(node_table, W0, b0, W1, b1, ea_part, s0_part)


def _tc_mid_body(s_ref, ea_ref, hw_ref, w_ref, b_ref, out_ref):
    h = jnp.maximum(s_ref[0] + s_ref[1] + ea_ref[0] + ea_ref[1] + hw_ref[...],
                    0.0)
    out_ref[...] = (jnp.dot(h, w_ref[...], preferred_element_type=_F32)
                    + b_ref[...])


def _tc_mid(s_part, ea_part, hw, W, b):
    N, D = hw.shape
    grid = (N // _BN,)
    return pl.pallas_call(
        _tc_mid_body,
        grid=grid,
        in_specs=[
            pl.BlockSpec((_NC, _BN, D), lambda i: (0, i, 0)),
            pl.BlockSpec((_NC, _BN, D), lambda i: (0, i, 0)),
            pl.BlockSpec((_BN, D), lambda i: (i, 0)),
            pl.BlockSpec((D, D), lambda i: (0, 0)),
            pl.BlockSpec((1, D), lambda i: (0, 0)),
        ],
        out_specs=pl.BlockSpec((_BN, D), lambda i: (i, 0)),
        out_shape=jax.ShapeDtypeStruct((N, D), _F32),
    )(s_part, ea_part, hw, W, b)


def _tc_final_body(G, C, nblocks, s_ref, ea_ref, hw_ref, batch_ref, pw_ref,
                   pb_ref, out_ref, sums_acc, cnt_acc):
    i = pl.program_id(0)

    @pl.when(i == 0)
    def _():
        sums_acc[...] = jnp.zeros_like(sums_acc)
        cnt_acc[...] = jnp.zeros_like(cnt_acc)

    h3 = s_ref[0] + s_ref[1] + ea_ref[0] + ea_ref[1] + hw_ref[...]
    b = batch_ref[...]
    onehot = (b == lax.broadcasted_iota(jnp.int32, (_BN, G), 1)).astype(_F32)
    dn = (((0,), (0,)), ((), ()))
    sums_acc[...] += lax.dot_general(onehot, h3, dn,
                                     preferred_element_type=_F32)
    cnt_acc[...] += lax.dot_general(onehot, jnp.ones_like(h3), dn,
                                    preferred_element_type=_F32)

    @pl.when(i == nblocks - 1)
    def _():
        pooled = sums_acc[...] / jnp.maximum(cnt_acc[...], 1.0)
        out_ref[...] = (jnp.dot(pooled, pw_ref[...],
                                preferred_element_type=_F32) + pb_ref[...])


def _tc_final(s_part, ea_part, hw, batch_col, perc_W, perc_b, G):
    N, D = hw.shape
    C = perc_W.shape[1]
    nblocks = N // _BN
    return pl.pallas_call(
        functools.partial(_tc_final_body, G, C, nblocks),
        grid=(nblocks,),
        in_specs=[
            pl.BlockSpec((_NC, _BN, D), lambda i: (0, i, 0)),
            pl.BlockSpec((_NC, _BN, D), lambda i: (0, i, 0)),
            pl.BlockSpec((_BN, D), lambda i: (i, 0)),
            pl.BlockSpec((_BN, 1), lambda i: (i, 0)),
            pl.BlockSpec((D, C), lambda i: (0, 0)),
            pl.BlockSpec((1, C), lambda i: (0, 0)),
        ],
        out_specs=pl.BlockSpec((G, C), lambda i: (0, 0)),
        out_shape=jax.ShapeDtypeStruct((G, C), _F32),
        scratch_shapes=[
            pltpu.VMEM((G, D), _F32),
            pltpu.VMEM((G, D), _F32),
        ],
    )(s_part, ea_part, hw, batch_col, perc_W, perc_b)




def kernel(x, edge_index, edge_attr, batch, node_table, layer_W, layer_b,
           perc_W, perc_b):
    N = x.shape[0]
    E, D = edge_attr.shape
    L = layer_W.shape[0]
    C = perc_W.shape[1]
    G = 128

    batch_col = batch.reshape(N, 1)
    b_rows = layer_b.reshape(L, 1, D)
    pb_row = perc_b.reshape(1, C)

    w0 = node_table[0] @ layer_W[0] + layer_b[0]
    w0b = jnp.broadcast_to(w0.reshape(1, D), (_CH, D))
    zeros_nd = jnp.zeros((N, D), _F32)

    src = edge_index[0]
    dst = edge_index[1]

    ea_part, s0_part = _edge_agg_call(edge_attr, dst, w0b, zeros_nd, N)

    hw = _tc1(node_table, layer_W[0], b_rows[0], layer_W[1], b_rows[1],
              ea_part, s0_part)

    for l in range(2, L):
        s_part = _spmv(hw, src, dst, zeros_nd)
        hw = _tc_mid(s_part, ea_part, hw, layer_W[l], b_rows[l])

    s_part = _spmv(hw, src, dst, zeros_nd)
    return _tc_final(s_part, ea_part, hw, batch_col, perc_W, pb_row, G)

# --- scband reference (transcript-rebuilt; emitter-appended) ---
"""Pipeline reference for scband-gcn-46188078301659 (READ-ONLY COPY).

The authoritative reference and input builder live on the scoring server;
editing this copy changes nothing except your own understanding.
"""

import jax, jax.numpy as jnp
import numpy as np

N = 10000      # n_nodes
E = 320000     # n_edges
D = 128        # dim_repr_nodo
C = 40         # num_clases
L = 3          # num_capas
G = 128        # num graphs in batch


def setup_inputs(seed: int = 0) -> dict:
    key = jax.random.key(seed)
    ks = jax.random.split(key, 10)
    x = jnp.zeros((N,), dtype=jnp.int32)  # node_encoder is Embedding(1, D), so all indices are 0
    edge_index = jax.random.randint(ks[0], (2, E), 0, N, dtype=jnp.int32)
    edge_attr = jax.random.normal(ks[1], (E, D), dtype=jnp.float32)
    batch = jnp.sort(jax.random.randint(ks[2], (N,), 0, G, dtype=jnp.int32))
    node_table = jax.random.normal(ks[3], (1, D), dtype=jnp.float32)
    layer_W = jax.random.normal(ks[4], (L, D, D), dtype=jnp.float32) * 0.05
    layer_b = jnp.zeros((L, D), dtype=jnp.float32)
    perc_W = jax.random.normal(ks[5], (D, C), dtype=jnp.float32) * 0.05
    perc_b = jnp.zeros((C,), dtype=jnp.float32)
    return {"x": x, "edge_index": edge_index, "edge_attr": edge_attr, "batch": batch,
            "node_table": node_table, "layer_W": layer_W, "layer_b": layer_b,
            "perc_W": perc_W, "perc_b": perc_b}


def reference(x, edge_index, edge_attr, batch, node_table, layer_W, layer_b, perc_W, perc_b):
    # node encoder: embedding lookup
    h = jnp.take(node_table, x, axis=0)                       # [N, D]
    src = edge_index[0]
    dst = edge_index[1]
    for l in range(L):
        # GraphConvolution: linear transform, gather src, add edge features,
        # scatter-add to dst (metodo_agregacion='add'), plus root/self term.
        hw = h @ layer_W[l] + layer_b[l]                      # [N, D]
        msg = jnp.take(hw, src, axis=0) + edge_attr           # [E, D]
        agg = jax.ops.segment_sum(msg, dst, num_segments=N)   # [N, D]
        h = agg + hw
        if l < L - 1:
            h = jax.nn.relu(h)
        # dropout is identity in eval mode
    # global_mean_pool over graphs
    sums = jax.ops.segment_sum(h, batch, num_segments=G)      # [G, D]
    cnt = jax.ops.segment_sum(jnp.ones((N, 1), dtype=h.dtype), batch, num_segments=G)
    pooled = sums / jnp.maximum(cnt, 1.0)
    out = pooled @ perc_W + perc_b                            # [G, C]
    return out

if __name__ == "__main__":
    import jax
    _d = setup_inputs()
    print(jax.jit(kernel)(*tuple(_d.values())))

</pallas_src>

<mosaic_0001>
#map = affine_map<(d0, d1) -> (0, 0)>
#map1 = affine_map<(d0, d1) -> (0)>
#map2 = affine_map<(d0, d1) -> (0, 0, 0)>
module attributes {stable_mosaic.version = 14 : i64} {
  func.func @_spmv_body(%arg0: i32, %arg1: i32, %arg2: memref<10000x128xf32, #tpu.memory_space<hbm>>, %arg3: memref<320000xi32, #tpu.memory_space<hbm>>, %arg4: memref<320000xi32, #tpu.memory_space<hbm>>, %arg5: memref<10000x128xf32, #tpu.memory_space<hbm>>, %arg6: memref<2x10000x128xf32, #tpu.memory_space<hbm>>, %arg7: memref<80xi32, #tpu.memory_space<vmem>>, %arg8: memref<80xi32, #tpu.memory_space<vmem>>, %arg9: memref<80xi32, #tpu.memory_space<vmem>>, %arg10: memref<80xi32, #tpu.memory_space<vmem>>, %arg11: memref<80x128xf32, #tpu.memory_space<vmem>>, %arg12: memref<80x128xf32, #tpu.memory_space<vmem>>, %arg13: memref<10000x128xf32, #tpu.memory_space<vmem_shared>>, %arg14: memref<!tpu.dma_semaphore, #tpu.memory_space<semaphore_mem>>, %arg15: memref<!tpu.dma_semaphore, #tpu.memory_space<semaphore_mem>>, %arg16: memref<!tpu.dma_semaphore, #tpu.memory_space<semaphore_mem>>, %arg17: memref<!tpu.dma_semaphore, #tpu.memory_space<semaphore_mem>>, %arg18: memref<!tpu.dma_semaphore, #tpu.memory_space<semaphore_mem>>, %arg19: memref<!tpu.dma_semaphore, #tpu.memory_space<semaphore_mem>>) attributes {dimension_semantics = [#tpu.dimension_semantics<core_parallel>, #tpu.dimension_semantics<subcore_parallel>], iteration_bounds = array<i64: 2, 16>, scalar_prefetch = 0 : i64, scratch_operands = 13 : i64, tpu.core_type = #tpu.core_type<sc_vector_subcore>, window_params = [{transform_indices = #map}, {transform_indices = #map1}, {transform_indices = #map1}, {transform_indices = #map}, {transform_indices = #map2}]} {
    %mul3A = arith.constant 2 : i32
    %mul3A_0 = arith.muli %arg1, %mul3A : i32
    %add3A = arith.addi %mul3A_0, %arg0 : i32
    %mul3A_1 = arith.constant 624 : i32
    %mul3A_2 = arith.muli %arg1, %mul3A_1 : i32
    %mul3A_3 = arith.constant 624 : i32
    %mul3A_4 = arith.muli %arg1, %mul3A_3 : i32
    "tpu.region"() ({
      %run_scoped3A = tpu.sem_alloc : memref<!tpu.dma_semaphore, #tpu.memory_space<semaphore_mem>>
      %dma_start3A_74 = arith.constant 0 : i32
      %dma_start3A_75 = tpu.memref_slice %arg13[%mul3A_4, %dma_start3A_74] : memref<10000x128xf32, #tpu.memory_space<vmem_shared>> -> memref<624x128xf32, #tpu.memory_space<vmem_shared>>
      %dma_start3A_76 = arith.constant 0 : i32
      %dma_start3A_77 = tpu.memref_slice %arg5[%mul3A_2, %dma_start3A_76] : memref<10000x128xf32, #tpu.memory_space<hbm>> -> memref<624x128xf32, #tpu.memory_space<hbm>>
      tpu.enqueue_dma source(%dma_start3A_77 : memref<624x128xf32, #tpu.memory_space<hbm>>) target(%dma_start3A_75 : memref<624x128xf32, #tpu.memory_space<vmem_shared>>) target_semaphore(%run_scoped3A : memref<!tpu.dma_semaphore, #tpu.memory_space<semaphore_mem>>)
      %dma_wait3A_78 = arith.constant 0 : i32
      %dma_wait3A_79 = tpu.memref_slice %arg13[%mul3A_4, %dma_wait3A_78] : memref<10000x128xf32, #tpu.memory_space<vmem_shared>> -> memref<624x128xf32, #tpu.memory_space<vmem_shared>>
      %dma_wait3A_80 = arith.constant 0 : i32
      %dma_wait3A_81 = tpu.memref_slice %arg5[%mul3A_2, %dma_wait3A_80] : memref<10000x128xf32, #tpu.memory_space<hbm>> -> memref<624x128xf32, #tpu.memory_space<hbm>>
      tpu.wait_dma2 semaphore(%run_scoped3A : memref<!tpu.dma_semaphore, #tpu.memory_space<semaphore_mem>>) src(%dma_wait3A_81 : memref<624x128xf32, #tpu.memory_space<hbm>>) dst(%dma_wait3A_79 : memref<624x128xf32, #tpu.memory_space<vmem_shared>>)
      tpu.yield
    }) : () -> ()
    %eq3A = arith.constant 0 : i32
    %eq3A_5 = arith.cmpi eq, %arg1, %eq3A : i32
    %convert_element_type3A = arith.extui %eq3A_5 : i1 to i32
    %cond3A = arith.constant 0 : i32
    %cond3A_6 = arith.cmpi ne, %convert_element_type3A, %cond3A : i32
    scf.if %cond3A_6 {
      "tpu.region"() ({
        %run_scoped3A = tpu.sem_alloc : memref<!tpu.dma_semaphore, #tpu.memory_space<semaphore_mem>>
        %dma_start3A_74 = arith.constant 9984 : i32
        %dma_start3A_75 = arith.constant 0 : i32
        %dma_start3A_76 = tpu.memref_slice %arg13[%dma_start3A_74, %dma_start3A_75] : memref<10000x128xf32, #tpu.memory_space<vmem_shared>> -> memref<16x128xf32, #tpu.memory_space<vmem_shared>>
        %dma_start3A_77 = arith.constant 9984 : i32
        %dma_start3A_78 = arith.constant 0 : i32
        %dma_start3A_79 = tpu.memref_slice %arg5[%dma_start3A_77, %dma_start3A_78] : memref<10000x128xf32, #tpu.memory_space<hbm>> -> memref<16x128xf32, #tpu.memory_space<hbm>>
        tpu.enqueue_dma source(%dma_start3A_79 : memref<16x128xf32, #tpu.memory_space<hbm>>) target(%dma_start3A_76 : memref<16x128xf32, #tpu.memory_space<vmem_shared>>) target_semaphore(%run_scoped3A : memref<!tpu.dma_semaphore, #tpu.memory_space<semaphore_mem>>)
        %dma_wait3A_80 = arith.constant 9984 : i32
        %dma_wait3A_81 = arith.constant 0 : i32
        %dma_wait3A_82 = tpu.memref_slice %arg13[%dma_wait3A_80, %dma_wait3A_81] : memref<10000x128xf32, #tpu.memory_space<vmem_shared>> -> memref<16x128xf32, #tpu.memory_space<vmem_shared>>
        %dma_wait3A_83 = arith.constant 9984 : i32
        %dma_wait3A_84 = arith.constant 0 : i32
        %dma_wait3A_85 = tpu.memref_slice %arg5[%dma_wait3A_83, %dma_wait3A_84] : memref<10000x128xf32, #tpu.memory_space<hbm>> -> memref<16x128xf32, #tpu.memory_space<hbm>>
        tpu.wait_dma2 semaphore(%run_scoped3A : memref<!tpu.dma_semaphore, #tpu.memory_space<semaphore_mem>>) src(%dma_wait3A_85 : memref<16x128xf32, #tpu.memory_space<hbm>>) dst(%dma_wait3A_82 : memref<16x128xf32, #tpu.memory_space<vmem_shared>>)
        tpu.yield
      }) : () -> ()
    } else {
    }
    %barrier3A = arith.constant 0 : index
    tpu.barrier barrier_id(%barrier3A)
    %mul3A_7 = arith.constant 10000 : i32
    %mul3A_8 = arith.muli %add3A, %mul3A_7 : i32
    %add3A_9 = arith.constant 0 : i32
    %add3A_10 = arith.addi %mul3A_8, %add3A_9 : i32
    %dma_start3A = tpu.memref_slice %arg3[%add3A_10] : memref<320000xi32, #tpu.memory_space<hbm>> -> memref<80xi32, #tpu.memory_space<hbm>>
    %dma_start3A_11 = tpu.memref_slice %arg3[%add3A_10] : memref<320000xi32, #tpu.memory_space<hbm>> -> memref<80xi32, #tpu.memory_space<hbm>>
    tpu.enqueue_dma source(%dma_start3A_11 : memref<80xi32, #tpu.memory_space<hbm>>) target(%arg7 : memref<80xi32, #tpu.memory_space<vmem>>) target_semaphore(%arg14 : memref<!tpu.dma_semaphore, #tpu.memory_space<semaphore_mem>>)
    %dma_start3A_12 = tpu.memref_slice %arg4[%add3A_10] : memref<320000xi32, #tpu.memory_space<hbm>> -> memref<80xi32, #tpu.memory_space<hbm>>
    %dma_start3A_13 = tpu.memref_slice %arg4[%add3A_10] : memref<320000xi32, #tpu.memory_space<hbm>> -> memref<80xi32, #tpu.memory_space<hbm>>
    tpu.enqueue_dma source(%dma_start3A_13 : memref<80xi32, #tpu.memory_space<hbm>>) target(%arg8 : memref<80xi32, #tpu.memory_space<vmem>>) target_semaphore(%arg14 : memref<!tpu.dma_semaphore, #tpu.memory_space<semaphore_mem>>)
    %dma_wait3A = arith.constant 0 : i32
    %dma_wait3A_14 = tpu.memref_slice %arg3[%dma_wait3A] : memref<320000xi32, #tpu.memory_space<hbm>> -> memref<80xi32, #tpu.memory_space<hbm>>
    %dma_wait3A_15 = arith.constant 0 : i32
    %dma_wait3A_16 = tpu.memref_slice %arg3[%dma_wait3A_15] : memref<320000xi32, #tpu.memory_space<hbm>> -> memref<80xi32, #tpu.memory_space<hbm>>
    tpu.wait_dma2 semaphore(%arg14 : memref<!tpu.dma_semaphore, #tpu.memory_space<semaphore_mem>>) src(%dma_wait3A_16 : memref<80xi32, #tpu.memory_space<hbm>>) dst(%arg7 : memref<80xi32, #tpu.memory_space<vmem>>)
    %dma_wait3A_17 = arith.constant 0 : i32
    %dma_wait3A_18 = tpu.memref_slice %arg4[%dma_wait3A_17] : memref<320000xi32, #tpu.memory_space<hbm>> -> memref<80xi32, #tpu.memory_space<hbm>>
    %dma_wait3A_19 = arith.constant 0 : i32
    %dma_wait3A_20 = tpu.memref_slice %arg4[%dma_wait3A_19] : memref<320000xi32, #tpu.memory_space<hbm>> -> memref<80xi32, #tpu.memory_space<hbm>>
    tpu.wait_dma2 semaphore(%arg14 : memref<!tpu.dma_semaphore, #tpu.memory_space<semaphore_mem>>) src(%dma_wait3A_20 : memref<80xi32, #tpu.memory_space<hbm>>) dst(%arg8 : memref<80xi32, #tpu.memory_space<vmem>>)
    %dma_start3A_21 = arith.constant 0 : i32
    %dma_start3A_22 = arith.constant 0 : i32
    %dma_start3A_23 = tpu.memref_slice %arg2[%dma_start3A_21, %dma_start3A_22] : memref<10000x128xf32, #tpu.memory_space<hbm>> -> memref<10000x128xf32, #tpu.memory_space<hbm>>
    tpu.enqueue_indirect_dma source(%dma_start3A_23 : memref<10000x128xf32, #tpu.memory_space<hbm>>) target(%arg11 : memref<80x128xf32, #tpu.memory_space<vmem>>) offsets(%arg7 : memref<80xi32, #tpu.memory_space<vmem>>) semaphore(%arg16 : memref<!tpu.dma_semaphore, #tpu.memory_space<semaphore_mem>>)
    %mul3A_24 = arith.constant 10000 : i32
    %mul3A_25 = arith.muli %add3A, %mul3A_24 : i32
    %add3A_26 = arith.constant 80 : i32
    %add3A_27 = arith.addi %mul3A_25, %add3A_26 : i32
    %dma_start3A_28 = tpu.memref_slice %arg3[%add3A_27] : memref<320000xi32, #tpu.memory_space<hbm>> -> memref<80xi32, #tpu.memory_space<hbm>>
    %dma_start3A_29 = tpu.memref_slice %arg3[%add3A_27] : memref<320000xi32, #tpu.memory_space<hbm>> -> memref<80xi32, #tpu.memory_space<hbm>>
    tpu.enqueue_dma source(%dma_start3A_29 : memref<80xi32, #tpu.memory_space<hbm>>) target(%arg9 : memref<80xi32, #tpu.memory_space<vmem>>) target_semaphore(%arg15 : memref<!tpu.dma_semaphore, #tpu.memory_space<semaphore_mem>>)
    %dma_start3A_30 = tpu.memref_slice %arg4[%add3A_27] : memref<320000xi32, #tpu.memory_space<hbm>> -> memref<80xi32, #tpu.memory_space<hbm>>
    %dma_start3A_31 = tpu.memref_slice %arg4[%add3A_27] : memref<320000xi32, #tpu.memory_space<hbm>> -> memref<80xi32, #tpu.memory_space<hbm>>
    tpu.enqueue_dma source(%dma_start3A_31 : memref<80xi32, #tpu.memory_space<hbm>>) target(%arg10 : memref<80xi32, #tpu.memory_space<vmem>>) target_semaphore(%arg15 : memref<!tpu.dma_semaphore, #tpu.memory_space<semaphore_mem>>)
    %dma_wait3A_32 = arith.constant 0 : i32
    %dma_wait3A_33 = tpu.memref_slice %arg3[%dma_wait3A_32] : memref<320000xi32, #tpu.memory_space<hbm>> -> memref<80xi32, #tpu.memory_space<hbm>>
    %dma_wait3A_34 = arith.constant 0 : i32
    %dma_wait3A_35 = tpu.memref_slice %arg3[%dma_wait3A_34] : memref<320000xi32, #tpu.memory_space<hbm>> -> memref<80xi32, #tpu.memory_space<hbm>>
    tpu.wait_dma2 semaphore(%arg15 : memref<!tpu.dma_semaphore, #tpu.memory_space<semaphore_mem>>) src(%dma_wait3A_35 : memref<80xi32, #tpu.memory_space<hbm>>) dst(%arg9 : memref<80xi32, #tpu.memory_space<vmem>>)
    %dma_wait3A_36 = arith.constant 0 : i32
    %dma_wait3A_37 = tpu.memref_slice %arg4[%dma_wait3A_36] : memref<320000xi32, #tpu.memory_space<hbm>> -> memref<80xi32, #tpu.memory_space<hbm>>
    %dma_wait3A_38 = arith.constant 0 : i32
    %dma_wait3A_39 = tpu.memref_slice %arg4[%dma_wait3A_38] : memref<320000xi32, #tpu.memory_space<hbm>> -> memref<80xi32, #tpu.memory_space<hbm>>
    tpu.wait_dma2 semaphore(%arg15 : memref<!tpu.dma_semaphore, #tpu.memory_space<semaphore_mem>>) src(%dma_wait3A_39 : memref<80xi32, #tpu.memory_space<hbm>>) dst(%arg10 : memref<80xi32, #tpu.memory_space<vmem>>)
    %dma_start3A_40 = arith.constant 0 : i32
    %dma_start3A_41 = arith.constant 0 : i32
    %dma_start3A_42 = tpu.memref_slice %arg2[%dma_start3A_40, %dma_start3A_41] : memref<10000x128xf32, #tpu.memory_space<hbm>> -> memref<10000x128xf32, #tpu.memory_space<hbm>>
    tpu.enqueue_indirect_dma source(%dma_start3A_42 : memref<10000x128xf32, #tpu.memory_space<hbm>>) target(%arg12 : memref<80x128xf32, #tpu.memory_space<vmem>>) offsets(%arg9 : memref<80xi32, #tpu.memory_space<vmem>>) semaphore(%arg17 : memref<!tpu.dma_semaphore, #tpu.memory_space<semaphore_mem>>)
    %scan3A = arith.constant 0 : i32
    %scan3A_43 = arith.constant 0 : i32
    %scan3A_44 = arith.constant 62 : i32
    %scan3A_45 = arith.addi %scan3A_43, %scan3A_44 : i32
    %scan3A_46 = arith.constant 1 : i32
    %scan3A_47 = scf.for %scan3A_74 = %scan3A_43 to %scan3A_45 step %scan3A_46 iter_args(%scan3A_75 = %scan3A) -> (i32)  : i32 {
      %mul3A_76 = arith.constant 2 : i32
      %mul3A_77 = arith.muli %mul3A_76, %scan3A_74 : i32
      %dma_wait3A_78 = arith.constant 0 : i32
      %dma_wait3A_79 = arith.constant 0 : i32
      %dma_wait3A_80 = tpu.memref_slice %arg2[%dma_wait3A_78, %dma_wait3A_79] : memref<10000x128xf32, #tpu.memory_space<hbm>> -> memref<80x128xf32, #tpu.memory_space<hbm>>
      %dma_wait3A_81 = arith.constant 0 : i32
      %dma_wait3A_82 = arith.constant 0 : i32
      %dma_wait3A_83 = tpu.memref_slice %arg2[%dma_wait3A_81, %dma_wait3A_82] : memref<10000x128xf32, #tpu.memory_space<hbm>> -> memref<80x128xf32, #tpu.memory_space<hbm>>
      tpu.wait_dma2 semaphore(%arg16 : memref<!tpu.dma_semaphore, #tpu.memory_space<semaphore_mem>>) src(%dma_wait3A_83 : memref<80x128xf32, #tpu.memory_space<hbm>>) dst(%arg11 : memref<80x128xf32, #tpu.memory_space<vmem>>)
      %dma_start3A_84 = arith.constant 0 : i32
      %dma_start3A_85 = arith.constant 0 : i32
      %dma_start3A_86 = tpu.memref_slice %arg13[%dma_start3A_84, %dma_start3A_85] : memref<10000x128xf32, #tpu.memory_space<vmem_shared>> -> memref<10000x128xf32, #tpu.memory_space<vmem_shared>>
      tpu.enqueue_indirect_dma source(%arg11 : memref<80x128xf32, #tpu.memory_space<vmem>>) target(%dma_start3A_86 : memref<10000x128xf32, #tpu.memory_space<vmem_shared>>) offsets(%arg8 : memref<80xi32, #tpu.memory_space<vmem>>) semaphore(%arg18 : memref<!tpu.dma_semaphore, #tpu.memory_space<semaphore_mem>>) {add = true}
      %dma_wait3A_87 = arith.constant 0 : i32
      %dma_wait3A_88 = arith.constant 0 : i32
      %dma_wait3A_89 = tpu.memref_slice %arg2[%dma_wait3A_87, %dma_wait3A_88] : memref<10000x128xf32, #tpu.memory_space<hbm>> -> memref<80x128xf32, #tpu.memory_space<hbm>>
      %dma_wait3A_90 = arith.constant 0 : i32
      %dma_wait3A_91 = arith.constant 0 : i32
      %dma_wait3A_92 = tpu.memref_slice %arg2[%dma_wait3A_90, %dma_wait3A_91] : memref<10000x128xf32, #tpu.memory_space<hbm>> -> memref<80x128xf32, #tpu.memory_space<hbm>>
      tpu.wait_dma2 semaphore(%arg17 : memref<!tpu.dma_semaphore, #tpu.memory_space<semaphore_mem>>) src(%dma_wait3A_92 : memref<80x128xf32, #tpu.memory_space<hbm>>) dst(%arg12 : memref<80x128xf32, #tpu.memory_space<vmem>>)
      %dma_start3A_93 = arith.constant 0 : i32
      %dma_start3A_94 = arith.constant 0 : i32
      %dma_start3A_95 = tpu.memref_slice %arg13[%dma_start3A_93, %dma_start3A_94] : memref<10000x128xf32, #tpu.memory_space<vmem_shared>> -> memref<10000x128xf32, #tpu.memory_space<vmem_shared>>
      tpu.enqueue_indirect_dma source(%arg12 : memref<80x128xf32, #tpu.memory_space<vmem>>) target(%dma_start3A_95 : memref<10000x128xf32, #tpu.memory_space<vmem_shared>>) offsets(%arg10 : memref<80xi32, #tpu.memory_space<vmem>>) semaphore(%arg19 : memref<!tpu.dma_semaphore, #tpu.memory_space<semaphore_mem>>) {add = true}
      %dma_wait3A_96 = arith.constant 0 : i32
      %dma_wait3A_97 = arith.constant 0 : i32
      %dma_wait3A_98 = tpu.memref_slice %arg2[%dma_wait3A_96, %dma_wait3A_97] : memref<10000x128xf32, #tpu.memory_space<hbm>> -> memref<80x128xf32, #tpu.memory_space<hbm>>
      %dma_wait3A_99 = arith.constant 0 : i32
      %dma_wait3A_100 = arith.constant 0 : i32
      %dma_wait3A_101 = tpu.memref_slice %arg2[%dma_wait3A_99, %dma_wait3A_100] : memref<10000x128xf32, #tpu.memory_space<hbm>> -> memref<80x128xf32, #tpu.memory_space<hbm>>
      tpu.wait_dma2 semaphore(%arg18 : memref<!tpu.dma_semaphore, #tpu.memory_space<semaphore_mem>>) src(%dma_wait3A_101 : memref<80x128xf32, #tpu.memory_space<hbm>>) dst(%arg11 : memref<80x128xf32, #tpu.memory_space<vmem>>)
      %add3A_102 = arith.constant 2 : i32
      %add3A_103 = arith.addi %mul3A_77, %add3A_102 : i32
      %lt3A = arith.constant 125 : i32
      %lt3A_104 = arith.cmpi slt, %add3A_103, %lt3A : i32
      %convert_element_type3A_105 = arith.extui %lt3A_104 : i1 to i32
      %cond3A_106 = arith.constant 0 : i32
      %cond3A_107 = arith.cmpi ne, %convert_element_type3A_105, %cond3A_106 : i32
      scf.if %cond3A_107 {
        %add3A_122 = arith.constant 2 : i32
        %add3A_123 = arith.addi %mul3A_77, %add3A_122 : i32
        %mul3A_124 = arith.constant 10000 : i32
        %mul3A_125 = arith.muli %add3A, %mul3A_124 : i32
        %mul3A_126 = arith.constant 80 : i32
        %mul3A_127 = arith.muli %add3A_123, %mul3A_126 : i32
        %add3A_128 = arith.addi %mul3A_125, %mul3A_127 : i32
        %dma_start3A_129 = tpu.memref_slice %arg3[%add3A_128] : memref<320000xi32, #tpu.memory_space<hbm>> -> memref<80xi32, #tpu.memory_space<hbm>>
        %dma_start3A_130 = tpu.memref_slice %arg3[%add3A_128] : memref<320000xi32, #tpu.memory_space<hbm>> -> memref<80xi32, #tpu.memory_space<hbm>>
        tpu.enqueue_dma source(%dma_start3A_130 : memref<80xi32, #tpu.memory_space<hbm>>) target(%arg7 : memref<80xi32, #tpu.memory_space<vmem>>) target_semaphore(%arg14 : memref<!tpu.dma_semaphore, #tpu.memory_space<semaphore_mem>>)
        %dma_start3A_131 = tpu.memref_slice %arg4[%add3A_128] : memref<320000xi32, #tpu.memory_space<hbm>> -> memref<80xi32, #tpu.memory_space<hbm>>
        %dma_start3A_132 = tpu.memref_slice %arg4[%add3A_128] : memref<320000xi32, #tpu.memory_space<hbm>> -> memref<80xi32, #tpu.memory_space<hbm>>
        tpu.enqueue_dma source(%dma_start3A_132 : memref<80xi32, #tpu.memory_space<hbm>>) target(%arg8 : memref<80xi32, #tpu.memory_space<vmem>>) target_semaphore(%arg14 : memref<!tpu.dma_semaphore, #tpu.memory_space<semaphore_mem>>)
        %dma_wait3A_133 = arith.constant 0 : i32
        %dma_wait3A_134 = tpu.memref_slice %arg3[%dma_wait3A_133] : memref<320000xi32, #tpu.memory_space<hbm>> -> memref<80xi32, #tpu.memory_space<hbm>>
        %dma_wait3A_135 = arith.constant 0 : i32
        %dma_wait3A_136 = tpu.memref_slice %arg3[%dma_wait3A_135] : memref<320000xi32, #tpu.memory_space<hbm>> -> memref<80xi32, #tpu.memory_space<hbm>>
        tpu.wait_dma2 semaphore(%arg14 : memref<!tpu.dma_semaphore, #tpu.memory_space<semaphore_mem>>) src(%dma_wait3A_136 : memref<80xi32, #tpu.memory_space<hbm>>) dst(%arg7 : memref<80xi32, #tpu.memory_space<vmem>>)
        %dma_wait3A_137 = arith.constant 0 : i32
        %dma_wait3A_138 = tpu.memref_slice %arg4[%dma_wait3A_137] : memref<320000xi32, #tpu.memory_space<hbm>> -> memref<80xi32, #tpu.memory_space<hbm>>
        %dma_wait3A_139 = arith.constant 0 : i32
        %dma_wait3A_140 = tpu.memref_slice %arg4[%dma_wait3A_139] : memref<320000xi32, #tpu.memory_space<hbm>> -> memref<80xi32, #tpu.memory_space<hbm>>
        tpu.wait_dma2 semaphore(%arg14 : memref<!tpu.dma_semaphore, #tpu.memory_space<semaphore_mem>>) src(%dma_wait3A_140 : memref<80xi32, #tpu.memory_space<hbm>>) dst(%arg8 : memref<80xi32, #tpu.memory_space<vmem>>)
        %dma_start3A_141 = arith.constant 0 : i32
        %dma_start3A_142 = arith.constant 0 : i32
        %dma_start3A_143 = tpu.memref_slice %arg2[%dma_start3A_141, %dma_start3A_142] : memref<10000x128xf32, #tpu.memory_space<hbm>> -> memref<10000x128xf32, #tpu.memory_space<hbm>>
        tpu.enqueue_indirect_dma source(%dma_start3A_143 : memref<10000x128xf32, #tpu.memory_space<hbm>>) target(%arg11 : memref<80x128xf32, #tpu.memory_space<vmem>>) offsets(%arg7 : memref<80xi32, #tpu.memory_space<vmem>>) semaphore(%arg16 : memref<!tpu.dma_semaphore, #tpu.memory_space<semaphore_mem>>)
      } else {
      }
      %dma_wait3A_108 = arith.constant 0 : i32
      %dma_wait3A_109 = arith.constant 0 : i32
      %dma_wait3A_110 = tpu.memref_slice %arg2[%dma_wait3A_108, %dma_wait3A_109] : memref<10000x128xf32, #tpu.memory_space<hbm>> -> memref<80x128xf32, #tpu.memory_space<hbm>>
      %dma_wait3A_111 = arith.constant 0 : i32
      %dma_wait3A_112 = arith.constant 0 : i32
      %dma_wait3A_113 = tpu.memref_slice %arg2[%dma_wait3A_111, %dma_wait3A_112] : memref<10000x128xf32, #tpu.memory_space<hbm>> -> memref<80x128xf32, #tpu.memory_space<hbm>>
      tpu.wait_dma2 semaphore(%arg19 : memref<!tpu.dma_semaphore, #tpu.memory_space<semaphore_mem>>) src(%dma_wait3A_113 : memref<80x128xf32, #tpu.memory_space<hbm>>) dst(%arg12 : memref<80x128xf32, #tpu.memory_space<vmem>>)
      %add3A_114 = arith.constant 3 : i32
      %add3A_115 = arith.addi %mul3A_77, %add3A_114 : i32
      %lt3A_116 = arith.constant 125 : i32
      %lt3A_117 = arith.cmpi slt, %add3A_115, %lt3A_116 : i32
      %convert_element_type3A_118 = arith.extui %lt3A_117 : i1 to i32
      %cond3A_119 = arith.constant 0 : i32
      %cond3A_120 = arith.cmpi ne, %convert_element_type3A_118, %cond3A_119 : i32
      scf.if %cond3A_120 {
        %add3A_122 = arith.constant 3 : i32
        %add3A_123 = arith.addi %mul3A_77, %add3A_122 : i32
        %mul3A_124 = arith.constant 10000 : i32
        %mul3A_125 = arith.muli %add3A, %mul3A_124 : i32
        %mul3A_126 = arith.constant 80 : i32
        %mul3A_127 = arith.muli %add3A_123, %mul3A_126 : i32
        %add3A_128 = arith.addi %mul3A_125, %mul3A_127 : i32
        %dma_start3A_129 = tpu.memref_slice %arg3[%add3A_128] : memref<320000xi32, #tpu.memory_space<hbm>> -> memref<80xi32, #tpu.memory_space<hbm>>
        %dma_start3A_130 = tpu.memref_slice %arg3[%add3A_128] : memref<320000xi32, #tpu.memory_space<hbm>> -> memref<80xi32, #tpu.memory_space<hbm>>
        tpu.enqueue_dma source(%dma_start3A_130 : memref<80xi32, #tpu.memory_space<hbm>>) target(%arg9 : memref<80xi32, #tpu.memory_space<vmem>>) target_semaphore(%arg15 : memref<!tpu.dma_semaphore, #tpu.memory_space<semaphore_mem>>)
        %dma_start3A_131 = tpu.memref_slice %arg4[%add3A_128] : memref<320000xi32, #tpu.memory_space<hbm>> -> memref<80xi32, #tpu.memory_space<hbm>>
        %dma_start3A_132 = tpu.memref_slice %arg4[%add3A_128] : memref<320000xi32, #tpu.memory_space<hbm>> -> memref<80xi32, #tpu.memory_space<hbm>>
        tpu.enqueue_dma source(%dma_start3A_132 : memref<80xi32, #tpu.memory_space<hbm>>) target(%arg10 : memref<80xi32, #tpu.memory_space<vmem>>) target_semaphore(%arg15 : memref<!tpu.dma_semaphore, #tpu.memory_space<semaphore_mem>>)
        %dma_wait3A_133 = arith.constant 0 : i32
        %dma_wait3A_134 = tpu.memref_slice %arg3[%dma_wait3A_133] : memref<320000xi32, #tpu.memory_space<hbm>> -> memref<80xi32, #tpu.memory_space<hbm>>
        %dma_wait3A_135 = arith.constant 0 : i32
        %dma_wait3A_136 = tpu.memref_slice %arg3[%dma_wait3A_135] : memref<320000xi32, #tpu.memory_space<hbm>> -> memref<80xi32, #tpu.memory_space<hbm>>
        tpu.wait_dma2 semaphore(%arg15 : memref<!tpu.dma_semaphore, #tpu.memory_space<semaphore_mem>>) src(%dma_wait3A_136 : memref<80xi32, #tpu.memory_space<hbm>>) dst(%arg9 : memref<80xi32, #tpu.memory_space<vmem>>)
        %dma_wait3A_137 = arith.constant 0 : i32
        %dma_wait3A_138 = tpu.memref_slice %arg4[%dma_wait3A_137] : memref<320000xi32, #tpu.memory_space<hbm>> -> memref<80xi32, #tpu.memory_space<hbm>>
        %dma_wait3A_139 = arith.constant 0 : i32
        %dma_wait3A_140 = tpu.memref_slice %arg4[%dma_wait3A_139] : memref<320000xi32, #tpu.memory_space<hbm>> -> memref<80xi32, #tpu.memory_space<hbm>>
        tpu.wait_dma2 semaphore(%arg15 : memref<!tpu.dma_semaphore, #tpu.memory_space<semaphore_mem>>) src(%dma_wait3A_140 : memref<80xi32, #tpu.memory_space<hbm>>) dst(%arg10 : memref<80xi32, #tpu.memory_space<vmem>>)
        %dma_start3A_141 = arith.constant 0 : i32
        %dma_start3A_142 = arith.constant 0 : i32
        %dma_start3A_143 = tpu.memref_slice %arg2[%dma_start3A_141, %dma_start3A_142] : memref<10000x128xf32, #tpu.memory_space<hbm>> -> memref<10000x128xf32, #tpu.memory_space<hbm>>
        tpu.enqueue_indirect_dma source(%dma_start3A_143 : memref<10000x128xf32, #tpu.memory_space<hbm>>) target(%arg12 : memref<80x128xf32, #tpu.memory_space<vmem>>) offsets(%arg9 : memref<80xi32, #tpu.memory_space<vmem>>) semaphore(%arg17 : memref<!tpu.dma_semaphore, #tpu.memory_space<semaphore_mem>>)
      } else {
      }
      %scan3A_121 = arith.constant 0 : i32
      scf.yield %scan3A_121 : i32
    }
    %scan3A_48 = arith.constant 62 : i32
    %dma_wait3A_49 = arith.constant 0 : i32
    %dma_wait3A_50 = arith.constant 0 : i32
    %dma_wait3A_51 = tpu.memref_slice %arg2[%dma_wait3A_49, %dma_wait3A_50] : memref<10000x128xf32, #tpu.memory_space<hbm>> -> memref<80x128xf32, #tpu.memory_space<hbm>>
    %dma_wait3A_52 = arith.constant 0 : i32
    %dma_wait3A_53 = arith.constant 0 : i32
    %dma_wait3A_54 = tpu.memref_slice %arg2[%dma_wait3A_52, %dma_wait3A_53] : memref<10000x128xf32, #tpu.memory_space<hbm>> -> memref<80x128xf32, #tpu.memory_space<hbm>>
    tpu.wait_dma2 semaphore(%arg16 : memref<!tpu.dma_semaphore, #tpu.memory_space<semaphore_mem>>) src(%dma_wait3A_54 : memref<80x128xf32, #tpu.memory_space<hbm>>) dst(%arg11 : memref<80x128xf32, #tpu.memory_space<vmem>>)
    %dma_start3A_55 = arith.constant 0 : i32
    %dma_start3A_56 = arith.constant 0 : i32
    %dma_start3A_57 = tpu.memref_slice %arg13[%dma_start3A_55, %dma_start3A_56] : memref<10000x128xf32, #tpu.memory_space<vmem_shared>> -> memref<10000x128xf32, #tpu.memory_space<vmem_shared>>
    tpu.enqueue_indirect_dma source(%arg11 : memref<80x128xf32, #tpu.memory_space<vmem>>) target(%dma_start3A_57 : memref<10000x128xf32, #tpu.memory_space<vmem_shared>>) offsets(%arg8 : memref<80xi32, #tpu.memory_space<vmem>>) semaphore(%arg18 : memref<!tpu.dma_semaphore, #tpu.memory_space<semaphore_mem>>) {add = true}
    %dma_wait3A_58 = arith.constant 0 : i32
    %dma_wait3A_59 = arith.constant 0 : i32
    %dma_wait3A_60 = tpu.memref_slice %arg2[%dma_wait3A_58, %dma_wait3A_59] : memref<10000x128xf32, #tpu.memory_space<hbm>> -> memref<80x128xf32, #tpu.memory_space<hbm>>
    %dma_wait3A_61 = arith.constant 0 : i32
    %dma_wait3A_62 = arith.constant 0 : i32
    %dma_wait3A_63 = tpu.memref_slice %arg2[%dma_wait3A_61, %dma_wait3A_62] : memref<10000x128xf32, #tpu.memory_space<hbm>> -> memref<80x128xf32, #tpu.memory_space<hbm>>
    tpu.wait_dma2 semaphore(%arg18 : memref<!tpu.dma_semaphore, #tpu.memory_space<semaphore_mem>>) src(%dma_wait3A_63 : memref<80x128xf32, #tpu.memory_space<hbm>>) dst(%arg11 : memref<80x128xf32, #tpu.memory_space<vmem>>)
    %barrier3A_64 = arith.constant 0 : index
    tpu.barrier barrier_id(%barrier3A_64)
    %mul3A_65 = arith.constant 624 : i32
    %mul3A_66 = arith.muli %arg1, %mul3A_65 : i32
    %mul3A_67 = arith.constant 624 : i32
    %mul3A_68 = arith.muli %arg1, %mul3A_67 : i32
    "tpu.region"() ({
      %run_scoped3A = tpu.sem_alloc : memref<!tpu.dma_semaphore, #tpu.memory_space<semaphore_mem>>
      %dma_start3A_74 = arith.constant 0 : i32
      %dma_start3A_75 = tpu.memref_slice %arg6[%arg0, %mul3A_68, %dma_start3A_74] : memref<2x10000x128xf32, #tpu.memory_space<hbm>> -> memref<1x624x128xf32, #tpu.memory_space<hbm>>
      %dma_start3A_76 = tpu.memref_squeeze %dma_start3A_75 : memref<1x624x128xf32, #tpu.memory_space<hbm>> -> memref<624x128xf32, #tpu.memory_space<hbm>>
      %dma_start3A_77 = arith.constant 0 : i32
      %dma_start3A_78 = tpu.memref_slice %arg13[%mul3A_66, %dma_start3A_77] : memref<10000x128xf32, #tpu.memory_space<vmem_shared>> -> memref<624x128xf32, #tpu.memory_space<vmem_shared>>
      tpu.enqueue_dma source(%dma_start3A_78 : memref<624x128xf32, #tpu.memory_space<vmem_shared>>) target(%dma_start3A_76 : memref<624x128xf32, #tpu.memory_space<hbm>>) target_semaphore(%run_scoped3A : memref<!tpu.dma_semaphore, #tpu.memory_space<semaphore_mem>>)
      %dma_wait3A_79 = arith.constant 0 : i32
      %dma_wait3A_80 = tpu.memref_slice %arg6[%arg0, %mul3A_68, %dma_wait3A_79] : memref<2x10000x128xf32, #tpu.memory_space<hbm>> -> memref<1x624x128xf32, #tpu.memory_space<hbm>>
      %dma_wait3A_81 = tpu.memref_squeeze %dma_wait3A_80 : memref<1x624x128xf32, #tpu.memory_space<hbm>> -> memref<624x128xf32, #tpu.memory_space<hbm>>
      %dma_wait3A_82 = arith.constant 0 : i32
      %dma_wait3A_83 = tpu.memref_slice %arg13[%mul3A_66, %dma_wait3A_82] : memref<10000x128xf32, #tpu.memory_space<vmem_shared>> -> memref<624x128xf32, #tpu.memory_space<vmem_shared>>
      tpu.wait_dma2 semaphore(%run_scoped3A : memref<!tpu.dma_semaphore, #tpu.memory_space<semaphore_mem>>) src(%dma_wait3A_83 : memref<624x128xf32, #tpu.memory_space<vmem_shared>>) dst(%dma_wait3A_81 : memref<624x128xf32, #tpu.memory_space<hbm>>)
      tpu.yield
    }) : () -> ()
    %eq3A_69 = arith.constant 0 : i32
    %eq3A_70 = arith.cmpi eq, %arg1, %eq3A_69 : i32
    %convert_element_type3A_71 = arith.extui %eq3A_70 : i1 to i32
    %cond3A_72 = arith.constant 0 : i32
    %cond3A_73 = arith.cmpi ne, %convert_element_type3A_71, %cond3A_72 : i32
    scf.if %cond3A_73 {
      "tpu.region"() ({
        %run_scoped3A = tpu.sem_alloc : memref<!tpu.dma_semaphore, #tpu.memory_space<semaphore_mem>>
        %dma_start3A_74 = arith.constant 9984 : i32
        %dma_start3A_75 = arith.constant 0 : i32
        %dma_start3A_76 = tpu.memref_slice %arg6[%arg0, %dma_start3A_74, %dma_start3A_75] : memref<2x10000x128xf32, #tpu.memory_space<hbm>> -> memref<1x16x128xf32, #tpu.memory_space<hbm>>
        %dma_start3A_77 = tpu.memref_squeeze %dma_start3A_76 : memref<1x16x128xf32, #tpu.memory_space<hbm>> -> memref<16x128xf32, #tpu.memory_space<hbm>>
        %dma_start3A_78 = arith.constant 9984 : i32
        %dma_start3A_79 = arith.constant 0 : i32
        %dma_start3A_80 = tpu.memref_slice %arg13[%dma_start3A_78, %dma_start3A_79] : memref<10000x128xf32, #tpu.memory_space<vmem_shared>> -> memref<16x128xf32, #tpu.memory_space<vmem_shared>>
        tpu.enqueue_dma source(%dma_start3A_80 : memref<16x128xf32, #tpu.memory_space<vmem_shared>>) target(%dma_start3A_77 : memref<16x128xf32, #tpu.memory_space<hbm>>) target_semaphore(%run_scoped3A : memref<!tpu.dma_semaphore, #tpu.memory_space<semaphore_mem>>)
        %dma_wait3A_81 = arith.constant 9984 : i32
        %dma_wait3A_82 = arith.constant 0 : i32
        %dma_wait3A_83 = tpu.memref_slice %arg6[%arg0, %dma_wait3A_81, %dma_wait3A_82] : memref<2x10000x128xf32, #tpu.memory_space<hbm>> -> memref<1x16x128xf32, #tpu.memory_space<hbm>>
        %dma_wait3A_84 = tpu.memref_squeeze %dma_wait3A_83 : memref<1x16x128xf32, #tpu.memory_space<hbm>> -> memref<16x128xf32, #tpu.memory_space<hbm>>
        %dma_wait3A_85 = arith.constant 9984 : i32
        %dma_wait3A_86 = arith.constant 0 : i32
        %dma_wait3A_87 = tpu.memref_slice %arg13[%dma_wait3A_85, %dma_wait3A_86] : memref<10000x128xf32, #tpu.memory_space<vmem_shared>> -> memref<16x128xf32, #tpu.memory_space<vmem_shared>>
        tpu.wait_dma2 semaphore(%run_scoped3A : memref<!tpu.dma_semaphore, #tpu.memory_space<semaphore_mem>>) src(%dma_wait3A_87 : memref<16x128xf32, #tpu.memory_space<vmem_shared>>) dst(%dma_wait3A_84 : memref<16x128xf32, #tpu.memory_space<hbm>>)
        tpu.yield
      }) : () -> ()
    } else {
    }
    return
  }
}

#map = affine_map<(d0, d1) -> (0, 0)>
#map1 = affine_map<(d0, d1) -> (0)>
#map2 = affine_map<(d0, d1) -> (0, 0, 0)>
module attributes {stable_mosaic.version = 14 : i64} {
  func.func @_spmv_body(%arg0: i32, %arg1: i32, %arg2: memref<10000x128xf32, #tpu.memory_space<hbm>>, %arg3: memref<320000xi32, #tpu.memory_space<hbm>>, %arg4: memref<320000xi32, #tpu.memory_space<hbm>>, %arg5: memref<10000x128xf32, #tpu.memory_space<hbm>>, %arg6: memref<2x10000x128xf32, #tpu.memory_space<hbm>>, %arg7: memref<80xi32, #tpu.memory_space<vmem>>, %arg8: memref<80xi32, #tpu.memory_space<vmem>>, %arg9: memref<80xi32, #tpu.memory_space<vmem>>, %arg10: memref<80xi32, #tpu.memory_space<vmem>>, %arg11: memref<80x128xf32, #tpu.memory_space<vmem>>, %arg12: memref<80x128xf32, #tpu.memory_space<vmem>>, %arg13: memref<10000x128xf32, #tpu.memory_space<vmem_shared>>, %arg14: memref<!tpu.dma_semaphore, #tpu.memory_space<semaphore_mem>>, %arg15: memref<!tpu.dma_semaphore, #tpu.memory_space<semaphore_mem>>, %arg16: memref<!tpu.dma_semaphore, #tpu.memory_space<semaphore_mem>>, %arg17: memref<!tpu.dma_semaphore, #tpu.memory_space<semaphore_mem>>, %arg18: memref<!tpu.dma_semaphore, #tpu.memory_space<semaphore_mem>>, %arg19: memref<!tpu.dma_semaphore, #tpu.memory_space<semaphore_mem>>) attributes {dimension_semantics = [#tpu.dimension_semantics<core_parallel>, #tpu.dimension_semantics<subcore_parallel>], iteration_bounds = array<i64: 2, 16>, scalar_prefetch = 0 : i64, scratch_operands = 13 : i64, tpu.core_type = #tpu.core_type<sc_vector_subcore>, window_params = [{transform_indices = #map}, {transform_indices = #map1}, {transform_indices = #map1}, {transform_indices = #map}, {transform_indices = #map2}]} {
    %mul3A = arith.constant 2 : i32
    %mul3A_0 = arith.muli %arg1, %mul3A : i32
    %add3A = arith.addi %mul3A_0, %arg0 : i32
    %mul3A_1 = arith.constant 624 : i32
    %mul3A_2 = arith.muli %arg1, %mul3A_1 : i32
    %mul3A_3 = arith.constant 624 : i32
    %mul3A_4 = arith.muli %arg1, %mul3A_3 : i32
    "tpu.region"() ({
      %run_scoped3A = tpu.sem_alloc : memref<!tpu.dma_semaphore, #tpu.memory_space<semaphore_mem>>
      %dma_start3A_74 = arith.constant 0 : i32
      %dma_start3A_75 = tpu.memref_slice %arg13[%mul3A_4, %dma_start3A_74] : memref<10000x128xf32, #tpu.memory_space<vmem_shared>> -> memref<624x128xf32, #tpu.memory_space<vmem_shared>>
      %dma_start3A_76 = arith.constant 0 : i32
      %dma_start3A_77 = tpu.memref_slice %arg5[%mul3A_2, %dma_start3A_76] : memref<10000x128xf32, #tpu.memory_space<hbm>> -> memref<624x128xf32, #tpu.memory_space<hbm>>
      tpu.enqueue_dma source(%dma_start3A_77 : memref<624x128xf32, #tpu.memory_space<hbm>>) target(%dma_start3A_75 : memref<624x128xf32, #tpu.memory_space<vmem_shared>>) target_semaphore(%run_scoped3A : memref<!tpu.dma_semaphore, #tpu.memory_space<semaphore_mem>>)
      %dma_wait3A_78 = arith.constant 0 : i32
      %dma_wait3A_79 = tpu.memref_slice %arg13[%mul3A_4, %dma_wait3A_78] : memref<10000x128xf32, #tpu.memory_space<vmem_shared>> -> memref<624x128xf32, #tpu.memory_space<vmem_shared>>
      %dma_wait3A_80 = arith.constant 0 : i32
      %dma_wait3A_81 = tpu.memref_slice %arg5[%mul3A_2, %dma_wait3A_80] : memref<10000x128xf32, #tpu.memory_space<hbm>> -> memref<624x128xf32, #tpu.memory_space<hbm>>
      tpu.wait_dma2 semaphore(%run_scoped3A : memref<!tpu.dma_semaphore, #tpu.memory_space<semaphore_mem>>) src(%dma_wait3A_81 : memref<624x128xf32, #tpu.memory_space<hbm>>) dst(%dma_wait3A_79 : memref<624x128xf32, #tpu.memory_space<vmem_shared>>)
      tpu.yield
    }) : () -> ()
    %eq3A = arith.constant 0 : i32
    %eq3A_5 = arith.cmpi eq, %arg1, %eq3A : i32
    %convert_element_type3A = arith.extui %eq3A_5 : i1 to i32
    %cond3A = arith.constant 0 : i32
    %cond3A_6 = arith.cmpi ne, %convert_element_type3A, %cond3A : i32
    scf.if %cond3A_6 {
      "tpu.region"() ({
        %run_scoped3A = tpu.sem_alloc : memref<!tpu.dma_semaphore, #tpu.memory_space<semaphore_mem>>
        %dma_start3A_74 = arith.constant 9984 : i32
        %dma_start3A_75 = arith.constant 0 : i32
        %dma_start3A_76 = tpu.memref_slice %arg13[%dma_start3A_74, %dma_start3A_75] : memref<10000x128xf32, #tpu.memory_space<vmem_shared>> -> memref<16x128xf32, #tpu.memory_space<vmem_shared>>
        %dma_start3A_77 = arith.constant 9984 : i32
        %dma_start3A_78 = arith.constant 0 : i32
        %dma_start3A_79 = tpu.memref_slice %arg5[%dma_start3A_77, %dma_start3A_78] : memref<10000x128xf32, #tpu.memory_space<hbm>> -> memref<16x128xf32, #tpu.memory_space<hbm>>
        tpu.enqueue_dma source(%dma_start3A_79 : memref<16x128xf32, #tpu.memory_space<hbm>>) target(%dma_start3A_76 : memref<16x128xf32, #tpu.memory_space<vmem_shared>>) target_semaphore(%run_scoped3A : memref<!tpu.dma_semaphore, #tpu.memory_space<semaphore_mem>>)
        %dma_wait3A_80 = arith.constant 9984 : i32
        %dma_wait3A_81 = arith.constant 0 : i32
        %dma_wait3A_82 = tpu.memref_slice %arg13[%dma_wait3A_80, %dma_wait3A_81] : memref<10000x128xf32, #tpu.memory_space<vmem_shared>> -> memref<16x128xf32, #tpu.memory_space<vmem_shared>>
        %dma_wait3A_83 = arith.constant 9984 : i32
        %dma_wait3A_84 = arith.constant 0 : i32
        %dma_wait3A_85 = tpu.memref_slice %arg5[%dma_wait3A_83, %dma_wait3A_84] : memref<10000x128xf32, #tpu.memory_space<hbm>> -> memref<16x128xf32, #tpu.memory_space<hbm>>
        tpu.wait_dma2 semaphore(%run_scoped3A : memref<!tpu.dma_semaphore, #tpu.memory_space<semaphore_mem>>) src(%dma_wait3A_85 : memref<16x128xf32, #tpu.memory_space<hbm>>) dst(%dma_wait3A_82 : memref<16x128xf32, #tpu.memory_space<vmem_shared>>)
        tpu.yield
      }) : () -> ()
    } else {
    }
    %barrier3A = arith.constant 0 : index
    tpu.barrier barrier_id(%barrier3A)
    %mul3A_7 = arith.constant 10000 : i32
    %mul3A_8 = arith.muli %add3A, %mul3A_7 : i32
    %add3A_9 = arith.constant 0 : i32
    %add3A_10 = arith.addi %mul3A_8, %add3A_9 : i32
    %dma_start3A = tpu.memref_slice %arg3[%add3A_10] : memref<320000xi32, #tpu.memory_space<hbm>> -> memref<80xi32, #tpu.memory_space<hbm>>
    %dma_start3A_11 = tpu.memref_slice %arg3[%add3A_10] : memref<320000xi32, #tpu.memory_space<hbm>> -> memref<80xi32, #tpu.memory_space<hbm>>
    tpu.enqueue_dma source(%dma_start3A_11 : memref<80xi32, #tpu.memory_space<hbm>>) target(%arg7 : memref<80xi32, #tpu.memory_space<vmem>>) target_semaphore(%arg14 : memref<!tpu.dma_semaphore, #tpu.memory_space<semaphore_mem>>)
    %dma_start3A_12 = tpu.memref_slice %arg4[%add3A_10] : memref<320000xi32, #tpu.memory_space<hbm>> -> memref<80xi32, #tpu.memory_space<hbm>>
    %dma_start3A_13 = tpu.memref_slice %arg4[%add3A_10] : memref<320000xi32, #tpu.memory_space<hbm>> -> memref<80xi32, #tpu.memory_space<hbm>>
    tpu.enqueue_dma source(%dma_start3A_13 : memref<80xi32, #tpu.memory_space<hbm>>) target(%arg8 : memref<80xi32, #tpu.memory_space<vmem>>) target_semaphore(%arg14 : memref<!tpu.dma_semaphore, #tpu.memory_space<semaphore_mem>>)
    %dma_wait3A = arith.constant 0 : i32
    %dma_wait3A_14 = tpu.memref_slice %arg3[%dma_wait3A] : memref<320000xi32, #tpu.memory_space<hbm>> -> memref<80xi32, #tpu.memory_space<hbm>>
    %dma_wait3A_15 = arith.constant 0 : i32
    %dma_wait3A_16 = tpu.memref_slice %arg3[%dma_wait3A_15] : memref<320000xi32, #tpu.memory_space<hbm>> -> memref<80xi32, #tpu.memory_space<hbm>>
    tpu.wait_dma2 semaphore(%arg14 : memref<!tpu.dma_semaphore, #tpu.memory_space<semaphore_mem>>) src(%dma_wait3A_16 : memref<80xi32, #tpu.memory_space<hbm>>) dst(%arg7 : memref<80xi32, #tpu.memory_space<vmem>>)
    %dma_wait3A_17 = arith.constant 0 : i32
    %dma_wait3A_18 = tpu.memref_slice %arg4[%dma_wait3A_17] : memref<320000xi32, #tpu.memory_space<hbm>> -> memref<80xi32, #tpu.memory_space<hbm>>
    %dma_wait3A_19 = arith.constant 0 : i32
    %dma_wait3A_20 = tpu.memref_slice %arg4[%dma_wait3A_19] : memref<320000xi32, #tpu.memory_space<hbm>> -> memref<80xi32, #tpu.memory_space<hbm>>
    tpu.wait_dma2 semaphore(%arg14 : memref<!tpu.dma_semaphore, #tpu.memory_space<semaphore_mem>>) src(%dma_wait3A_20 : memref<80xi32, #tpu.memory_space<hbm>>) dst(%arg8 : memref<80xi32, #tpu.memory_space<vmem>>)
    %dma_start3A_21 = arith.constant 0 : i32
    %dma_start3A_22 = arith.constant 0 : i32
    %dma_start3A_23 = tpu.memref_slice %arg2[%dma_start3A_21, %dma_start3A_22] : memref<10000x128xf32, #tpu.memory_space<hbm>> -> memref<10000x128xf32, #tpu.memory_space<hbm>>
    tpu.enqueue_indirect_dma source(%dma_start3A_23 : memref<10000x128xf32, #tpu.memory_space<hbm>>) target(%arg11 : memref<80x128xf32, #tpu.memory_space<vmem>>) offsets(%arg7 : memref<80xi32, #tpu.memory_space<vmem>>) semaphore(%arg16 : memref<!tpu.dma_semaphore, #tpu.memory_space<semaphore_mem>>)
    %mul3A_24 = arith.constant 10000 : i32
    %mul3A_25 = arith.muli %add3A, %mul3A_24 : i32
    %add3A_26 = arith.constant 80 : i32
    %add3A_27 = arith.addi %mul3A_25, %add3A_26 : i32
    %dma_start3A_28 = tpu.memref_slice %arg3[%add3A_27] : memref<320000xi32, #tpu.memory_space<hbm>> -> memref<80xi32, #tpu.memory_space<hbm>>
    %dma_start3A_29 = tpu.memref_slice %arg3[%add3A_27] : memref<320000xi32, #tpu.memory_space<hbm>> -> memref<80xi32, #tpu.memory_space<hbm>>
    tpu.enqueue_dma source(%dma_start3A_29 : memref<80xi32, #tpu.memory_space<hbm>>) target(%arg9 : memref<80xi32, #tpu.memory_space<vmem>>) target_semaphore(%arg15 : memref<!tpu.dma_semaphore, #tpu.memory_space<semaphore_mem>>)
    %dma_start3A_30 = tpu.memref_slice %arg4[%add3A_27] : memref<320000xi32, #tpu.memory_space<hbm>> -> memref<80xi32, #tpu.memory_space<hbm>>
    %dma_start3A_31 = tpu.memref_slice %arg4[%add3A_27] : memref<320000xi32, #tpu.memory_space<hbm>> -> memref<80xi32, #tpu.memory_space<hbm>>
    tpu.enqueue_dma source(%dma_start3A_31 : memref<80xi32, #tpu.memory_space<hbm>>) target(%arg10 : memref<80xi32, #tpu.memory_space<vmem>>) target_semaphore(%arg15 : memref<!tpu.dma_semaphore, #tpu.memory_space<semaphore_mem>>)
    %dma_wait3A_32 = arith.constant 0 : i32
    %dma_wait3A_33 = tpu.memref_slice %arg3[%dma_wait3A_32] : memref<320000xi32, #tpu.memory_space<hbm>> -> memref<80xi32, #tpu.memory_space<hbm>>
    %dma_wait3A_34 = arith.constant 0 : i32
    %dma_wait3A_35 = tpu.memref_slice %arg3[%dma_wait3A_34] : memref<320000xi32, #tpu.memory_space<hbm>> -> memref<80xi32, #tpu.memory_space<hbm>>
    tpu.wait_dma2 semaphore(%arg15 : memref<!tpu.dma_semaphore, #tpu.memory_space<semaphore_mem>>) src(%dma_wait3A_35 : memref<80xi32, #tpu.memory_space<hbm>>) dst(%arg9 : memref<80xi32, #tpu.memory_space<vmem>>)
    %dma_wait3A_36 = arith.constant 0 : i32
    %dma_wait3A_37 = tpu.memref_slice %arg4[%dma_wait3A_36] : memref<320000xi32, #tpu.memory_space<hbm>> -> memref<80xi32, #tpu.memory_space<hbm>>
    %dma_wait3A_38 = arith.constant 0 : i32
    %dma_wait3A_39 = tpu.memref_slice %arg4[%dma_wait3A_38] : memref<320000xi32, #tpu.memory_space<hbm>> -> memref<80xi32, #tpu.memory_space<hbm>>
    tpu.wait_dma2 semaphore(%arg15 : memref<!tpu.dma_semaphore, #tpu.memory_space<semaphore_mem>>) src(%dma_wait3A_39 : memref<80xi32, #tpu.memory_space<hbm>>) dst(%arg10 : memref<80xi32, #tpu.memory_space<vmem>>)
    %dma_start3A_40 = arith.constant 0 : i32
    %dma_start3A_41 = arith.constant 0 : i32
    %dma_start3A_42 = tpu.memref_slice %arg2[%dma_start3A_40, %dma_start3A_41] : memref<10000x128xf32, #tpu.memory_space<hbm>> -> memref<10000x128xf32, #tpu.memory_space<hbm>>
    tpu.enqueue_indirect_dma source(%dma_start3A_42 : memref<10000x128xf32, #tpu.memory_space<hbm>>) target(%arg12 : memref<80x128xf32, #tpu.memory_space<vmem>>) offsets(%arg9 : memref<80xi32, #tpu.memory_space<vmem>>) semaphore(%arg17 : memref<!tpu.dma_semaphore, #tpu.memory_space<semaphore_mem>>)
    %scan3A = arith.constant 0 : i32
    %scan3A_43 = arith.constant 0 : i32
    %scan3A_44 = arith.constant 62 : i32
    %scan3A_45 = arith.addi %scan3A_43, %scan3A_44 : i32
    %scan3A_46 = arith.constant 1 : i32
    %scan3A_47 = scf.for %scan3A_74 = %scan3A_43 to %scan3A_45 step %scan3A_46 iter_args(%scan3A_75 = %scan3A) -> (i32)  : i32 {
      %mul3A_76 = arith.constant 2 : i32
      %mul3A_77 = arith.muli %mul3A_76, %scan3A_74 : i32
      %dma_wait3A_78 = arith.constant 0 : i32
      %dma_wait3A_79 = arith.constant 0 : i32
      %dma_wait3A_80 = tpu.memref_slice %arg2[%dma_wait3A_78, %dma_wait3A_79] : memref<10000x128xf32, #tpu.memory_space<hbm>> -> memref<80x128xf32, #tpu.memory_space<hbm>>
      %dma_wait3A_81 = arith.constant 0 : i32
      %dma_wait3A_82 = arith.constant 0 : i32
      %dma_wait3A_83 = tpu.memref_slice %arg2[%dma_wait3A_81, %dma_wait3A_82] : memref<10000x128xf32, #tpu.memory_space<hbm>> -> memref<80x128xf32, #tpu.memory_space<hbm>>
      tpu.wait_dma2 semaphore(%arg16 : memref<!tpu.dma_semaphore, #tpu.memory_space<semaphore_mem>>) src(%dma_wait3A_83 : memref<80x128xf32, #tpu.memory_space<hbm>>) dst(%arg11 : memref<80x128xf32, #tpu.memory_space<vmem>>)
      %dma_start3A_84 = arith.constant 0 : i32
      %dma_start3A_85 = arith.constant 0 : i32
      %dma_start3A_86 = tpu.memref_slice %arg13[%dma_start3A_84, %dma_start3A_85] : memref<10000x128xf32, #tpu.memory_space<vmem_shared>> -> memref<10000x128xf32, #tpu.memory_space<vmem_shared>>
      tpu.enqueue_indirect_dma source(%arg11 : memref<80x128xf32, #tpu.memory_space<vmem>>) target(%dma_start3A_86 : memref<10000x128xf32, #tpu.memory_space<vmem_shared>>) offsets(%arg8 : memref<80xi32, #tpu.memory_space<vmem>>) semaphore(%arg18 : memref<!tpu.dma_semaphore, #tpu.memory_space<semaphore_mem>>) {add = true}
      %dma_wait3A_87 = arith.constant 0 : i32
      %dma_wait3A_88 = arith.constant 0 : i32
      %dma_wait3A_89 = tpu.memref_slice %arg2[%dma_wait3A_87, %dma_wait3A_88] : memref<10000x128xf32, #tpu.memory_space<hbm>> -> memref<80x128xf32, #tpu.memory_space<hbm>>
      %dma_wait3A_90 = arith.constant 0 : i32
      %dma_wait3A_91 = arith.constant 0 : i32
      %dma_wait3A_92 = tpu.memref_slice %arg2[%dma_wait3A_90, %dma_wait3A_91] : memref<10000x128xf32, #tpu.memory_space<hbm>> -> memref<80x128xf32, #tpu.memory_space<hbm>>
      tpu.wait_dma2 semaphore(%arg17 : memref<!tpu.dma_semaphore, #tpu.memory_space<semaphore_mem>>) src(%dma_wait3A_92 : memref<80x128xf32, #tpu.memory_space<hbm>>) dst(%arg12 : memref<80x128xf32, #tpu.memory_space<vmem>>)
      %dma_start3A_93 = arith.constant 0 : i32
      %dma_start3A_94 = arith.constant 0 : i32
      %dma_start3A_95 = tpu.memref_slice %arg13[%dma_start3A_93, %dma_start3A_94] : memref<10000x128xf32, #tpu.memory_space<vmem_shared>> -> memref<10000x128xf32, #tpu.memory_space<vmem_shared>>
      tpu.enqueue_indirect_dma source(%arg12 : memref<80x128xf32, #tpu.memory_space<vmem>>) target(%dma_start3A_95 : memref<10000x128xf32, #tpu.memory_space<vmem_shared>>) offsets(%arg10 : memref<80xi32, #tpu.memory_space<vmem>>) semaphore(%arg19 : memref<!tpu.dma_semaphore, #tpu.memory_space<semaphore_mem>>) {add = true}
      %dma_wait3A_96 = arith.constant 0 : i32
      %dma_wait3A_97 = arith.constant 0 : i32
      %dma_wait3A_98 = tpu.memref_slice %arg2[%dma_wait3A_96, %dma_wait3A_97] : memref<10000x128xf32, #tpu.memory_space<hbm>> -> memref<80x128xf32, #tpu.memory_space<hbm>>
      %dma_wait3A_99 = arith.constant 0 : i32
      %dma_wait3A_100 = arith.constant 0 : i32
      %dma_wait3A_101 = tpu.memref_slice %arg2[%dma_wait3A_99, %dma_wait3A_100] : memref<10000x128xf32, #tpu.memory_space<hbm>> -> memref<80x128xf32, #tpu.memory_space<hbm>>
      tpu.wait_dma2 semaphore(%arg18 : memref<!tpu.dma_semaphore, #tpu.memory_space<semaphore_mem>>) src(%dma_wait3A_101 : memref<80x128xf32, #tpu.memory_space<hbm>>) dst(%arg11 : memref<80x128xf32, #tpu.memory_space<vmem>>)
      %add3A_102 = arith.constant 2 : i32
      %add3A_103 = arith.addi %mul3A_77, %add3A_102 : i32
      %lt3A = arith.constant 125 : i32
      %lt3A_104 = arith.cmpi slt, %add3A_103, %lt3A : i32
      %convert_element_type3A_105 = arith.extui %lt3A_104 : i1 to i32
      %cond3A_106 = arith.constant 0 : i32
      %cond3A_107 = arith.cmpi ne, %convert_element_type3A_105, %cond3A_106 : i32
      scf.if %cond3A_107 {
        %add3A_122 = arith.constant 2 : i32
        %add3A_123 = arith.addi %mul3A_77, %add3A_122 : i32
        %mul3A_124 = arith.constant 10000 : i32
        %mul3A_125 = arith.muli %add3A, %mul3A_124 : i32
        %mul3A_126 = arith.constant 80 : i32
        %mul3A_127 = arith.muli %add3A_123, %mul3A_126 : i32
        %add3A_128 = arith.addi %mul3A_125, %mul3A_127 : i32
        %dma_start3A_129 = tpu.memref_slice %arg3[%add3A_128] : memref<320000xi32, #tpu.memory_space<hbm>> -> memref<80xi32, #tpu.memory_space<hbm>>
        %dma_start3A_130 = tpu.memref_slice %arg3[%add3A_128] : memref<320000xi32, #tpu.memory_space<hbm>> -> memref<80xi32, #tpu.memory_space<hbm>>
        tpu.enqueue_dma source(%dma_start3A_130 : memref<80xi32, #tpu.memory_space<hbm>>) target(%arg7 : memref<80xi32, #tpu.memory_space<vmem>>) target_semaphore(%arg14 : memref<!tpu.dma_semaphore, #tpu.memory_space<semaphore_mem>>)
        %dma_start3A_131 = tpu.memref_slice %arg4[%add3A_128] : memref<320000xi32, #tpu.memory_space<hbm>> -> memref<80xi32, #tpu.memory_space<hbm>>
        %dma_start3A_132 = tpu.memref_slice %arg4[%add3A_128] : memref<320000xi32, #tpu.memory_space<hbm>> -> memref<80xi32, #tpu.memory_space<hbm>>
        tpu.enqueue_dma source(%dma_start3A_132 : memref<80xi32, #tpu.memory_space<hbm>>) target(%arg8 : memref<80xi32, #tpu.memory_space<vmem>>) target_semaphore(%arg14 : memref<!tpu.dma_semaphore, #tpu.memory_space<semaphore_mem>>)
        %dma_wait3A_133 = arith.constant 0 : i32
        %dma_wait3A_134 = tpu.memref_slice %arg3[%dma_wait3A_133] : memref<320000xi32, #tpu.memory_space<hbm>> -> memref<80xi32, #tpu.memory_space<hbm>>
        %dma_wait3A_135 = arith.constant 0 : i32
        %dma_wait3A_136 = tpu.memref_slice %arg3[%dma_wait3A_135] : memref<320000xi32, #tpu.memory_space<hbm>> -> memref<80xi32, #tpu.memory_space<hbm>>
        tpu.wait_dma2 semaphore(%arg14 : memref<!tpu.dma_semaphore, #tpu.memory_space<semaphore_mem>>) src(%dma_wait3A_136 : memref<80xi32, #tpu.memory_space<hbm>>) dst(%arg7 : memref<80xi32, #tpu.memory_space<vmem>>)
        %dma_wait3A_137 = arith.constant 0 : i32
        %dma_wait3A_138 = tpu.memref_slice %arg4[%dma_wait3A_137] : memref<320000xi32, #tpu.memory_space<hbm>> -> memref<80xi32, #tpu.memory_space<hbm>>
        %dma_wait3A_139 = arith.constant 0 : i32
        %dma_wait3A_140 = tpu.memref_slice %arg4[%dma_wait3A_139] : memref<320000xi32, #tpu.memory_space<hbm>> -> memref<80xi32, #tpu.memory_space<hbm>>
        tpu.wait_dma2 semaphore(%arg14 : memref<!tpu.dma_semaphore, #tpu.memory_space<semaphore_mem>>) src(%dma_wait3A_140 : memref<80xi32, #tpu.memory_space<hbm>>) dst(%arg8 : memref<80xi32, #tpu.memory_space<vmem>>)
        %dma_start3A_141 = arith.constant 0 : i32
        %dma_start3A_142 = arith.constant 0 : i32
        %dma_start3A_143 = tpu.memref_slice %arg2[%dma_start3A_141, %dma_start3A_142] : memref<10000x128xf32, #tpu.memory_space<hbm>> -> memref<10000x128xf32, #tpu.memory_space<hbm>>
        tpu.enqueue_indirect_dma source(%dma_start3A_143 : memref<10000x128xf32, #tpu.memory_space<hbm>>) target(%arg11 : memref<80x128xf32, #tpu.memory_space<vmem>>) offsets(%arg7 : memref<80xi32, #tpu.memory_space<vmem>>) semaphore(%arg16 : memref<!tpu.dma_semaphore, #tpu.memory_space<semaphore_mem>>)
      } else {
      }
      %dma_wait3A_108 = arith.constant 0 : i32
      %dma_wait3A_109 = arith.constant 0 : i32
      %dma_wait3A_110 = tpu.memref_slice %arg2[%dma_wait3A_108, %dma_wait3A_109] : memref<10000x128xf32, #tpu.memory_space<hbm>> -> memref<80x128xf32, #tpu.memory_space<hbm>>
      %dma_wait3A_111 = arith.constant 0 : i32
      %dma_wait3A_112 = arith.constant 0 : i32
      %dma_wait3A_113 = tpu.memref_slice %arg2[%dma_wait3A_111, %dma_wait3A_112] : memref<10000x128xf32, #tpu.memory_space<hbm>> -> memref<80x128xf32, #tpu.memory_space<hbm>>
      tpu.wait_dma2 semaphore(%arg19 : memref<!tpu.dma_semaphore, #tpu.memory_space<semaphore_mem>>) src(%dma_wait3A_113 : memref<80x128xf32, #tpu.memory_space<hbm>>) dst(%arg12 : memref<80x128xf32, #tpu.memory_space<vmem>>)
      %add3A_114 = arith.constant 3 : i32
      %add3A_115 = arith.addi %mul3A_77, %add3A_114 : i32
      %lt3A_116 = arith.constant 125 : i32
      %lt3A_117 = arith.cmpi slt, %add3A_115, %lt3A_116 : i32
      %convert_element_type3A_118 = arith.extui %lt3A_117 : i1 to i32
      %cond3A_119 = arith.constant 0 : i32
      %cond3A_120 = arith.cmpi ne, %convert_element_type3A_118, %cond3A_119 : i32
      scf.if %cond3A_120 {
        %add3A_122 = arith.constant 3 : i32
        %add3A_123 = arith.addi %mul3A_77, %add3A_122 : i32
        %mul3A_124 = arith.constant 10000 : i32
        %mul3A_125 = arith.muli %add3A, %mul3A_124 : i32
        %mul3A_126 = arith.constant 80 : i32
        %mul3A_127 = arith.muli %add3A_123, %mul3A_126 : i32
        %add3A_128 = arith.addi %mul3A_125, %mul3A_127 : i32
        %dma_start3A_129 = tpu.memref_slice %arg3[%add3A_128] : memref<320000xi32, #tpu.memory_space<hbm>> -> memref<80xi32, #tpu.memory_space<hbm>>
        %dma_start3A_130 = tpu.memref_slice %arg3[%add3A_128] : memref<320000xi32, #tpu.memory_space<hbm>> -> memref<80xi32, #tpu.memory_space<hbm>>
        tpu.enqueue_dma source(%dma_start3A_130 : memref<80xi32, #tpu.memory_space<hbm>>) target(%arg9 : memref<80xi32, #tpu.memory_space<vmem>>) target_semaphore(%arg15 : memref<!tpu.dma_semaphore, #tpu.memory_space<semaphore_mem>>)
        %dma_start3A_131 = tpu.memref_slice %arg4[%add3A_128] : memref<320000xi32, #tpu.memory_space<hbm>> -> memref<80xi32, #tpu.memory_space<hbm>>
        %dma_start3A_132 = tpu.memref_slice %arg4[%add3A_128] : memref<320000xi32, #tpu.memory_space<hbm>> -> memref<80xi32, #tpu.memory_space<hbm>>
        tpu.enqueue_dma source(%dma_start3A_132 : memref<80xi32, #tpu.memory_space<hbm>>) target(%arg10 : memref<80xi32, #tpu.memory_space<vmem>>) target_semaphore(%arg15 : memref<!tpu.dma_semaphore, #tpu.memory_space<semaphore_mem>>)
        %dma_wait3A_133 = arith.constant 0 : i32
        %dma_wait3A_134 = tpu.memref_slice %arg3[%dma_wait3A_133] : memref<320000xi32, #tpu.memory_space<hbm>> -> memref<80xi32, #tpu.memory_space<hbm>>
        %dma_wait3A_135 = arith.constant 0 : i32
        %dma_wait3A_136 = tpu.memref_slice %arg3[%dma_wait3A_135] : memref<320000xi32, #tpu.memory_space<hbm>> -> memref<80xi32, #tpu.memory_space<hbm>>
        tpu.wait_dma2 semaphore(%arg15 : memref<!tpu.dma_semaphore, #tpu.memory_space<semaphore_mem>>) src(%dma_wait3A_136 : memref<80xi32, #tpu.memory_space<hbm>>) dst(%arg9 : memref<80xi32, #tpu.memory_space<vmem>>)
        %dma_wait3A_137 = arith.constant 0 : i32
        %dma_wait3A_138 = tpu.memref_slice %arg4[%dma_wait3A_137] : memref<320000xi32, #tpu.memory_space<hbm>> -> memref<80xi32, #tpu.memory_space<hbm>>
        %dma_wait3A_139 = arith.constant 0 : i32
        %dma_wait3A_140 = tpu.memref_slice %arg4[%dma_wait3A_139] : memref<320000xi32, #tpu.memory_space<hbm>> -> memref<80xi32, #tpu.memory_space<hbm>>
        tpu.wait_dma2 semaphore(%arg15 : memref<!tpu.dma_semaphore, #tpu.memory_space<semaphore_mem>>) src(%dma_wait3A_140 : memref<80xi32, #tpu.memory_space<hbm>>) dst(%arg10 : memref<80xi32, #tpu.memory_space<vmem>>)
        %dma_start3A_141 = arith.constant 0 : i32
        %dma_start3A_142 = arith.constant 0 : i32
        %dma_start3A_143 = tpu.memref_slice %arg2[%dma_start3A_141, %dma_start3A_142] : memref<10000x128xf32, #tpu.memory_space<hbm>> -> memref<10000x128xf32, #tpu.memory_space<hbm>>
        tpu.enqueue_indirect_dma source(%dma_start3A_143 : memref<10000x128xf32, #tpu.memory_space<hbm>>) target(%arg12 : memref<80x128xf32, #tpu.memory_space<vmem>>) offsets(%arg9 : memref<80xi32, #tpu.memory_space<vmem>>) semaphore(%arg17 : memref<!tpu.dma_semaphore, #tpu.memory_space<semaphore_mem>>)
      } else {
      }
      %scan3A_121 = arith.constant 0 : i32
      scf.yield %scan3A_121 : i32
    }
    %scan3A_48 = arith.constant 62 : i32
    %dma_wait3A_49 = arith.constant 0 : i32
    %dma_wait3A_50 = arith.constant 0 : i32
    %dma_wait3A_51 = tpu.memref_slice %arg2[%dma_wait3A_49, %dma_wait3A_50] : memref<10000x128xf32, #tpu.memory_space<hbm>> -> memref<80x128xf32, #tpu.memory_space<hbm>>
    %dma_wait3A_52 = arith.constant 0 : i32
    %dma_wait3A_53 = arith.constant 0 : i32
    %dma_wait3A_54 = tpu.memref_slice %arg2[%dma_wait3A_52, %dma_wait3A_53] : memref<10000x128xf32, #tpu.memory_space<hbm>> -> memref<80x128xf32, #tpu.memory_space<hbm>>
    tpu.wait_dma2 semaphore(%arg16 : memref<!tpu.dma_semaphore, #tpu.memory_space<semaphore_mem>>) src(%dma_wait3A_54 : memref<80x128xf32, #tpu.memory_space<hbm>>) dst(%arg11 : memref<80x128xf32, #tpu.memory_space<vmem>>)
    %dma_start3A_55 = arith.constant 0 : i32
    %dma_start3A_56 = arith.constant 0 : i32
    %dma_start3A_57 = tpu.memref_slice %arg13[%dma_start3A_55, %dma_start3A_56] : memref<10000x128xf32, #tpu.memory_space<vmem_shared>> -> memref<10000x128xf32, #tpu.memory_space<vmem_shared>>
    tpu.enqueue_indirect_dma source(%arg11 : memref<80x128xf32, #tpu.memory_space<vmem>>) target(%dma_start3A_57 : memref<10000x128xf32, #tpu.memory_space<vmem_shared>>) offsets(%arg8 : memref<80xi32, #tpu.memory_space<vmem>>) semaphore(%arg18 : memref<!tpu.dma_semaphore, #tpu.memory_space<semaphore_mem>>) {add = true}
    %dma_wait3A_58 = arith.constant 0 : i32
    %dma_wait3A_59 = arith.constant 0 : i32
    %dma_wait3A_60 = tpu.memref_slice %arg2[%dma_wait3A_58, %dma_wait3A_59] : memref<10000x128xf32, #tpu.memory_space<hbm>> -> memref<80x128xf32, #tpu.memory_space<hbm>>
    %dma_wait3A_61 = arith.constant 0 : i32
    %dma_wait3A_62 = arith.constant 0 : i32
    %dma_wait3A_63 = tpu.memref_slice %arg2[%dma_wait3A_61, %dma_wait3A_62] : memref<10000x128xf32, #tpu.memory_space<hbm>> -> memref<80x128xf32, #tpu.memory_space<hbm>>
    tpu.wait_dma2 semaphore(%arg18 : memref<!tpu.dma_semaphore, #tpu.memory_space<semaphore_mem>>) src(%dma_wait3A_63 : memref<80x128xf32, #tpu.memory_space<hbm>>) dst(%arg11 : memref<80x128xf32, #tpu.memory_space<vmem>>)
    %barrier3A_64 = arith.constant 0 : index
    tpu.barrier barrier_id(%barrier3A_64)
    %mul3A_65 = arith.constant 624 : i32
    %mul3A_66 = arith.muli %arg1, %mul3A_65 : i32
    %mul3A_67 = arith.constant 624 : i32
    %mul3A_68 = arith.muli %arg1, %mul3A_67 : i32
    "tpu.region"() ({
      %run_scoped3A = tpu.sem_alloc : memref<!tpu.dma_semaphore, #tpu.memory_space<semaphore_mem>>
      %dma_start3A_74 = arith.constant 0 : i32
      %dma_start3A_75 = tpu.memref_slice %arg6[%arg0, %mul3A_68, %dma_start3A_74] : memref<2x10000x128xf32, #tpu.memory_space<hbm>> -> memref<1x624x128xf32, #tpu.memory_space<hbm>>
      %dma_start3A_76 = tpu.memref_squeeze %dma_start3A_75 : memref<1x624x128xf32, #tpu.memory_space<hbm>> -> memref<624x128xf32, #tpu.memory_space<hbm>>
      %dma_start3A_77 = arith.constant 0 : i32
      %dma_start3A_78 = tpu.memref_slice %arg13[%mul3A_66, %dma_start3A_77] : memref<10000x128xf32, #tpu.memory_space<vmem_shared>> -> memref<624x128xf32, #tpu.memory_space<vmem_shared>>
      tpu.enqueue_dma source(%dma_start3A_78 : memref<624x128xf32, #tpu.memory_space<vmem_shared>>) target(%dma_start3A_76 : memref<624x128xf32, #tpu.memory_space<hbm>>) target_semaphore(%run_scoped3A : memref<!tpu.dma_semaphore, #tpu.memory_space<semaphore_mem>>)
      %dma_wait3A_79 = arith.constant 0 : i32
      %dma_wait3A_80 = tpu.memref_slice %arg6[%arg0, %mul3A_68, %dma_wait3A_79] : memref<2x10000x128xf32, #tpu.memory_space<hbm>> -> memref<1x624x128xf32, #tpu.memory_space<hbm>>
      %dma_wait3A_81 = tpu.memref_squeeze %dma_wait3A_80 : memref<1x624x128xf32, #tpu.memory_space<hbm>> -> memref<624x128xf32, #tpu.memory_space<hbm>>
      %dma_wait3A_82 = arith.constant 0 : i32
      %dma_wait3A_83 = tpu.memref_slice %arg13[%mul3A_66, %dma_wait3A_82] : memref<10000x128xf32, #tpu.memory_space<vmem_shared>> -> memref<624x128xf32, #tpu.memory_space<vmem_shared>>
      tpu.wait_dma2 semaphore(%run_scoped3A : memref<!tpu.dma_semaphore, #tpu.memory_space<semaphore_mem>>) src(%dma_wait3A_83 : memref<624x128xf32, #tpu.memory_space<vmem_shared>>) dst(%dma_wait3A_81 : memref<624x128xf32, #tpu.memory_space<hbm>>)
      tpu.yield
    }) : () -> ()
    %eq3A_69 = arith.constant 0 : i32
    %eq3A_70 = arith.cmpi eq, %arg1, %eq3A_69 : i32
    %convert_element_type3A_71 = arith.extui %eq3A_70 : i1 to i32
    %cond3A_72 = arith.constant 0 : i32
    %cond3A_73 = arith.cmpi ne, %convert_element_type3A_71, %cond3A_72 : i32
    scf.if %cond3A_73 {
      "tpu.region"() ({
        %run_scoped3A = tpu.sem_alloc : memref<!tpu.dma_semaphore, #tpu.memory_space<semaphore_mem>>
        %dma_start3A_74 = arith.constant 9984 : i32
        %dma_start3A_75 = arith.constant 0 : i32
        %dma_start3A_76 = tpu.memref_slice %arg6[%arg0, %dma_start3A_74, %dma_start3A_75] : memref<2x10000x128xf32, #tpu.memory_space<hbm>> -> memref<1x16x128xf32, #tpu.memory_space<hbm>>
        %dma_start3A_77 = tpu.memref_squeeze %dma_start3A_76 : memref<1x16x128xf32, #tpu.memory_space<hbm>> -> memref<16x128xf32, #tpu.memory_space<hbm>>
        %dma_start3A_78 = arith.constant 9984 : i32
        %dma_start3A_79 = arith.constant 0 : i32
        %dma_start3A_80 = tpu.memref_slice %arg13[%dma_start3A_78, %dma_start3A_79] : memref<10000x128xf32, #tpu.memory_space<vmem_shared>> -> memref<16x128xf32, #tpu.memory_space<vmem_shared>>
        tpu.enqueue_dma source(%dma_start3A_80 : memref<16x128xf32, #tpu.memory_space<vmem_shared>>) target(%dma_start3A_77 : memref<16x128xf32, #tpu.memory_space<hbm>>) target_semaphore(%run_scoped3A : memref<!tpu.dma_semaphore, #tpu.memory_space<semaphore_mem>>)
        %dma_wait3A_81 = arith.constant 9984 : i32
        %dma_wait3A_82 = arith.constant 0 : i32
        %dma_wait3A_83 = tpu.memref_slice %arg6[%arg0, %dma_wait3A_81, %dma_wait3A_82] : memref<2x10000x128xf32, #tpu.memory_space<hbm>> -> memref<1x16x128xf32, #tpu.memory_space<hbm>>
        %dma_wait3A_84 = tpu.memref_squeeze %dma_wait3A_83 : memref<1x16x128xf32, #tpu.memory_space<hbm>> -> memref<16x128xf32, #tpu.memory_space<hbm>>
        %dma_wait3A_85 = arith.constant 9984 : i32
        %dma_wait3A_86 = arith.constant 0 : i32
        %dma_wait3A_87 = tpu.memref_slice %arg13[%dma_wait3A_85, %dma_wait3A_86] : memref<10000x128xf32, #tpu.memory_space<vmem_shared>> -> memref<16x128xf32, #tpu.memory_space<vmem_shared>>
        tpu.wait_dma2 semaphore(%run_scoped3A : memref<!tpu.dma_semaphore, #tpu.memory_space<semaphore_mem>>) src(%dma_wait3A_87 : memref<16x128xf32, #tpu.memory_space<vmem_shared>>) dst(%dma_wait3A_84 : memref<16x128xf32, #tpu.memory_space<hbm>>)
        tpu.yield
      }) : () -> ()
    } else {
    }
    return
  }
}

#map = affine_map<(d0, d1) -> (0, 0)>
#map1 = affine_map<(d0, d1) -> (0)>
#map2 = affine_map<(d0, d1) -> (0, 0, 0)>
module attributes {stable_mosaic.version = 14 : i64} {
  func.func @_edge_agg_body(%arg0: i32, %arg1: i32, %arg2: memref<320000x128xf32, #tpu.memory_space<hbm>>, %arg3: memref<320000xi32, #tpu.memory_space<hbm>>, %arg4: memref<80x128xf32, #tpu.memory_space<hbm>>, %arg5: memref<10000x128xf32, #tpu.memory_space<hbm>>, %arg6: memref<2x10000x128xf32, #tpu.memory_space<hbm>>, %arg7: memref<2x10000x128xf32, #tpu.memory_space<hbm>>, %arg8: memref<80xi32, #tpu.memory_space<vmem>>, %arg9: memref<80xi32, #tpu.memory_space<vmem>>, %arg10: memref<80x128xf32, #tpu.memory_space<vmem>>, %arg11: memref<80x128xf32, #tpu.memory_space<vmem>>, %arg12: memref<10000x128xf32, #tpu.memory_space<vmem_shared>>, %arg13: memref<!tpu.dma_semaphore, #tpu.memory_space<semaphore_mem>>, %arg14: memref<!tpu.dma_semaphore, #tpu.memory_space<semaphore_mem>>, %arg15: memref<!tpu.dma_semaphore, #tpu.memory_space<semaphore_mem>>, %arg16: memref<!tpu.dma_semaphore, #tpu.memory_space<semaphore_mem>>, %arg17: memref<!tpu.dma_semaphore, #tpu.memory_space<semaphore_mem>>, %arg18: memref<!tpu.dma_semaphore, #tpu.memory_space<semaphore_mem>>) attributes {dimension_semantics = [#tpu.dimension_semantics<core_parallel>, #tpu.dimension_semantics<subcore_parallel>], iteration_bounds = array<i64: 2, 16>, scalar_prefetch = 0 : i64, scratch_operands = 11 : i64, tpu.core_type = #tpu.core_type<sc_vector_subcore>, window_params = [{transform_indices = #map}, {transform_indices = #map1}, {transform_indices = #map}, {transform_indices = #map}, {transform_indices = #map2}, {transform_indices = #map2}]} {
    %mul3A = arith.constant 2 : i32
    %mul3A_0 = arith.muli %arg1, %mul3A : i32
    %add3A = arith.addi %mul3A_0, %arg0 : i32
    %mul3A_1 = arith.constant 624 : i32
    %mul3A_2 = arith.muli %arg1, %mul3A_1 : i32
    %mul3A_3 = arith.constant 624 : i32
    %mul3A_4 = arith.muli %arg1, %mul3A_3 : i32
    "tpu.region"() ({
      %run_scoped3A = tpu.sem_alloc : memref<!tpu.dma_semaphore, #tpu.memory_space<semaphore_mem>>
      %dma_start3A_120 = arith.constant 0 : i32
      %dma_start3A_121 = tpu.memref_slice %arg12[%mul3A_4, %dma_start3A_120] : memref<10000x128xf32, #tpu.memory_space<vmem_shared>> -> memref<624x128xf32, #tpu.memory_space<vmem_shared>>
      %dma_start3A_122 = arith.constant 0 : i32
      %dma_start3A_123 = tpu.memref_slice %arg5[%mul3A_2, %dma_start3A_122] : memref<10000x128xf32, #tpu.memory_space<hbm>> -> memref<624x128xf32, #tpu.memory_space<hbm>>
      tpu.enqueue_dma source(%dma_start3A_123 : memref<624x128xf32, #tpu.memory_space<hbm>>) target(%dma_start3A_121 : memref<624x128xf32, #tpu.memory_space<vmem_shared>>) target_semaphore(%run_scoped3A : memref<!tpu.dma_semaphore, #tpu.memory_space<semaphore_mem>>)
      %dma_wait3A_124 = arith.constant 0 : i32
      %dma_wait3A_125 = tpu.memref_slice %arg12[%mul3A_4, %dma_wait3A_124] : memref<10000x128xf32, #tpu.memory_space<vmem_shared>> -> memref<624x128xf32, #tpu.memory_space<vmem_shared>>
      %dma_wait3A_126 = arith.constant 0 : i32
      %dma_wait3A_127 = tpu.memref_slice %arg5[%mul3A_2, %dma_wait3A_126] : memref<10000x128xf32, #tpu.memory_space<hbm>> -> memref<624x128xf32, #tpu.memory_space<hbm>>
      tpu.wait_dma2 semaphore(%run_scoped3A : memref<!tpu.dma_semaphore, #tpu.memory_space<semaphore_mem>>) src(%dma_wait3A_127 : memref<624x128xf32, #tpu.memory_space<hbm>>) dst(%dma_wait3A_125 : memref<624x128xf32, #tpu.memory_space<vmem_shared>>)
      tpu.yield
    }) : () -> ()
    %eq3A = arith.constant 0 : i32
    %eq3A_5 = arith.cmpi eq, %arg1, %eq3A : i32
    %convert_element_type3A = arith.extui %eq3A_5 : i1 to i32
    %cond3A = arith.constant 0 : i32
    %cond3A_6 = arith.cmpi ne, %convert_element_type3A, %cond3A : i32
    scf.if %cond3A_6 {
      "tpu.region"() ({
        %run_scoped3A = tpu.sem_alloc : memref<!tpu.dma_semaphore, #tpu.memory_space<semaphore_mem>>
        %dma_start3A_120 = arith.constant 9984 : i32
        %dma_start3A_121 = arith.constant 0 : i32
        %dma_start3A_122 = tpu.memref_slice %arg12[%dma_start3A_120, %dma_start3A_121] : memref<10000x128xf32, #tpu.memory_space<vmem_shared>> -> memref<16x128xf32, #tpu.memory_space<vmem_shared>>
        %dma_start3A_123 = arith.constant 9984 : i32
        %dma_start3A_124 = arith.constant 0 : i32
        %dma_start3A_125 = tpu.memref_slice %arg5[%dma_start3A_123, %dma_start3A_124] : memref<10000x128xf32, #tpu.memory_space<hbm>> -> memref<16x128xf32, #tpu.memory_space<hbm>>
        tpu.enqueue_dma source(%dma_start3A_125 : memref<16x128xf32, #tpu.memory_space<hbm>>) target(%dma_start3A_122 : memref<16x128xf32, #tpu.memory_space<vmem_shared>>) target_semaphore(%run_scoped3A : memref<!tpu.dma_semaphore, #tpu.memory_space<semaphore_mem>>)
        %dma_wait3A_126 = arith.constant 9984 : i32
        %dma_wait3A_127 = arith.constant 0 : i32
        %dma_wait3A_128 = tpu.memref_slice %arg12[%dma_wait3A_126, %dma_wait3A_127] : memref<10000x128xf32, #tpu.memory_space<vmem_shared>> -> memref<16x128xf32, #tpu.memory_space<vmem_shared>>
        %dma_wait3A_129 = arith.constant 9984 : i32
        %dma_wait3A_130 = arith.constant 0 : i32
        %dma_wait3A_131 = tpu.memref_slice %arg5[%dma_wait3A_129, %dma_wait3A_130] : memref<10000x128xf32, #tpu.memory_space<hbm>> -> memref<16x128xf32, #tpu.memory_space<hbm>>
        tpu.wait_dma2 semaphore(%run_scoped3A : memref<!tpu.dma_semaphore, #tpu.memory_space<semaphore_mem>>) src(%dma_wait3A_131 : memref<16x128xf32, #tpu.memory_space<hbm>>) dst(%dma_wait3A_128 : memref<16x128xf32, #tpu.memory_space<vmem_shared>>)
        tpu.yield
      }) : () -> ()
    } else {
    }
    %barrier3A = arith.constant 0 : index
    tpu.barrier barrier_id(%barrier3A)
    %mul3A_7 = arith.constant 10000 : i32
    %mul3A_8 = arith.muli %add3A, %mul3A_7 : i32
    %add3A_9 = arith.constant 0 : i32
    %add3A_10 = arith.addi %mul3A_8, %add3A_9 : i32
    %dma_start3A = arith.constant 0 : i32
    %dma_start3A_11 = tpu.memref_slice %arg2[%add3A_10, %dma_start3A] : memref<320000x128xf32, #tpu.memory_space<hbm>> -> memref<80x128xf32, #tpu.memory_space<hbm>>
    %dma_start3A_12 = arith.constant 0 : i32
    %dma_start3A_13 = tpu.memref_slice %arg2[%add3A_10, %dma_start3A_12] : memref<320000x128xf32, #tpu.memory_space<hbm>> -> memref<80x128xf32, #tpu.memory_space<hbm>>
    tpu.enqueue_dma source(%dma_start3A_13 : memref<80x128xf32, #tpu.memory_space<hbm>>) target(%arg10 : memref<80x128xf32, #tpu.memory_space<vmem>>) target_semaphore(%arg15 : memref<!tpu.dma_semaphore, #tpu.memory_space<semaphore_mem>>)
    %mul3A_14 = arith.constant 10000 : i32
    %mul3A_15 = arith.muli %add3A, %mul3A_14 : i32
    %add3A_16 = arith.constant 0 : i32
    %add3A_17 = arith.addi %mul3A_15, %add3A_16 : i32
    %dma_start3A_18 = tpu.memref_slice %arg3[%add3A_17] : memref<320000xi32, #tpu.memory_space<hbm>> -> memref<80xi32, #tpu.memory_space<hbm>>
    %dma_start3A_19 = tpu.memref_slice %arg3[%add3A_17] : memref<320000xi32, #tpu.memory_space<hbm>> -> memref<80xi32, #tpu.memory_space<hbm>>
    tpu.enqueue_dma source(%dma_start3A_19 : memref<80xi32, #tpu.memory_space<hbm>>) target(%arg8 : memref<80xi32, #tpu.memory_space<vmem>>) target_semaphore(%arg13 : memref<!tpu.dma_semaphore, #tpu.memory_space<semaphore_mem>>)
    %mul3A_20 = arith.constant 10000 : i32
    %mul3A_21 = arith.muli %add3A, %mul3A_20 : i32
    %add3A_22 = arith.constant 80 : i32
    %add3A_23 = arith.addi %mul3A_21, %add3A_22 : i32
    %dma_start3A_24 = arith.constant 0 : i32
    %dma_start3A_25 = tpu.memref_slice %arg2[%add3A_23, %dma_start3A_24] : memref<320000x128xf32, #tpu.memory_space<hbm>> -> memref<80x128xf32, #tpu.memory_space<hbm>>
    %dma_start3A_26 = arith.constant 0 : i32
    %dma_start3A_27 = tpu.memref_slice %arg2[%add3A_23, %dma_start3A_26] : memref<320000x128xf32, #tpu.memory_space<hbm>> -> memref<80x128xf32, #tpu.memory_space<hbm>>
    tpu.enqueue_dma source(%dma_start3A_27 : memref<80x128xf32, #tpu.memory_space<hbm>>) target(%arg11 : memref<80x128xf32, #tpu.memory_space<vmem>>) target_semaphore(%arg16 : memref<!tpu.dma_semaphore, #tpu.memory_space<semaphore_mem>>)
    %mul3A_28 = arith.constant 10000 : i32
    %mul3A_29 = arith.muli %add3A, %mul3A_28 : i32
    %add3A_30 = arith.constant 80 : i32
    %add3A_31 = arith.addi %mul3A_29, %add3A_30 : i32
    %dma_start3A_32 = tpu.memref_slice %arg3[%add3A_31] : memref<320000xi32, #tpu.memory_space<hbm>> -> memref<80xi32, #tpu.memory_space<hbm>>
    %dma_start3A_33 = tpu.memref_slice %arg3[%add3A_31] : memref<320000xi32, #tpu.memory_space<hbm>> -> memref<80xi32, #tpu.memory_space<hbm>>
    tpu.enqueue_dma source(%dma_start3A_33 : memref<80xi32, #tpu.memory_space<hbm>>) target(%arg9 : memref<80xi32, #tpu.memory_space<vmem>>) target_semaphore(%arg14 : memref<!tpu.dma_semaphore, #tpu.memory_space<semaphore_mem>>)
    %scan3A = arith.constant 0 : i32
    %scan3A_34 = arith.constant 0 : i32
    %scan3A_35 = arith.constant 62 : i32
    %scan3A_36 = arith.addi %scan3A_34, %scan3A_35 : i32
    %scan3A_37 = arith.constant 1 : i32
    %scan3A_38 = scf.for %scan3A_120 = %scan3A_34 to %scan3A_36 step %scan3A_37 iter_args(%scan3A_121 = %scan3A) -> (i32)  : i32 {
      %mul3A_122 = arith.constant 2 : i32
      %mul3A_123 = arith.muli %mul3A_122, %scan3A_120 : i32
      %dma_wait3A_124 = arith.constant 0 : i32
      %dma_wait3A_125 = arith.constant 0 : i32
      %dma_wait3A_126 = tpu.memref_slice %arg2[%dma_wait3A_124, %dma_wait3A_125] : memref<320000x128xf32, #tpu.memory_space<hbm>> -> memref<80x128xf32, #tpu.memory_space<hbm>>
      %dma_wait3A_127 = arith.constant 0 : i32
      %dma_wait3A_128 = arith.constant 0 : i32
      %dma_wait3A_129 = tpu.memref_slice %arg2[%dma_wait3A_127, %dma_wait3A_128] : memref<320000x128xf32, #tpu.memory_space<hbm>> -> memref<80x128xf32, #tpu.memory_space<hbm>>
      tpu.wait_dma2 semaphore(%arg15 : memref<!tpu.dma_semaphore, #tpu.memory_space<semaphore_mem>>) src(%dma_wait3A_129 : memref<80x128xf32, #tpu.memory_space<hbm>>) dst(%arg10 : memref<80x128xf32, #tpu.memory_space<vmem>>)
      %dma_wait3A_130 = arith.constant 0 : i32
      %dma_wait3A_131 = tpu.memref_slice %arg3[%dma_wait3A_130] : memref<320000xi32, #tpu.memory_space<hbm>> -> memref<80xi32, #tpu.memory_space<hbm>>
      %dma_wait3A_132 = arith.constant 0 : i32
      %dma_wait3A_133 = tpu.memref_slice %arg3[%dma_wait3A_132] : memref<320000xi32, #tpu.memory_space<hbm>> -> memref<80xi32, #tpu.memory_space<hbm>>
      tpu.wait_dma2 semaphore(%arg13 : memref<!tpu.dma_semaphore, #tpu.memory_space<semaphore_mem>>) src(%dma_wait3A_133 : memref<80xi32, #tpu.memory_space<hbm>>) dst(%arg8 : memref<80xi32, #tpu.memory_space<vmem>>)
      %dma_start3A_134 = arith.constant 0 : i32
      %dma_start3A_135 = arith.constant 0 : i32
      %dma_start3A_136 = tpu.memref_slice %arg12[%dma_start3A_134, %dma_start3A_135] : memref<10000x128xf32, #tpu.memory_space<vmem_shared>> -> memref<10000x128xf32, #tpu.memory_space<vmem_shared>>
      tpu.enqueue_indirect_dma source(%arg10 : memref<80x128xf32, #tpu.memory_space<vmem>>) target(%dma_start3A_136 : memref<10000x128xf32, #tpu.memory_space<vmem_shared>>) offsets(%arg8 : memref<80xi32, #tpu.memory_space<vmem>>) semaphore(%arg17 : memref<!tpu.dma_semaphore, #tpu.memory_space<semaphore_mem>>) {add = true}
      %dma_wait3A_137 = arith.constant 0 : i32
      %dma_wait3A_138 = arith.constant 0 : i32
      %dma_wait3A_139 = tpu.memref_slice %arg2[%dma_wait3A_137, %dma_wait3A_138] : memref<320000x128xf32, #tpu.memory_space<hbm>> -> memref<80x128xf32, #tpu.memory_space<hbm>>
      %dma_wait3A_140 = arith.constant 0 : i32
      %dma_wait3A_141 = arith.constant 0 : i32
      %dma_wait3A_142 = tpu.memref_slice %arg2[%dma_wait3A_140, %dma_wait3A_141] : memref<320000x128xf32, #tpu.memory_space<hbm>> -> memref<80x128xf32, #tpu.memory_space<hbm>>
      tpu.wait_dma2 semaphore(%arg16 : memref<!tpu.dma_semaphore, #tpu.memory_space<semaphore_mem>>) src(%dma_wait3A_142 : memref<80x128xf32, #tpu.memory_space<hbm>>) dst(%arg11 : memref<80x128xf32, #tpu.memory_space<vmem>>)
      %dma_wait3A_143 = arith.constant 0 : i32
      %dma_wait3A_144 = tpu.memref_slice %arg3[%dma_wait3A_143] : memref<320000xi32, #tpu.memory_space<hbm>> -> memref<80xi32, #tpu.memory_space<hbm>>
      %dma_wait3A_145 = arith.constant 0 : i32
      %dma_wait3A_146 = tpu.memref_slice %arg3[%dma_wait3A_145] : memref<320000xi32, #tpu.memory_space<hbm>> -> memref<80xi32, #tpu.memory_space<hbm>>
      tpu.wait_dma2 semaphore(%arg14 : memref<!tpu.dma_semaphore, #tpu.memory_space<semaphore_mem>>) src(%dma_wait3A_146 : memref<80xi32, #tpu.memory_space<hbm>>) dst(%arg9 : memref<80xi32, #tpu.memory_space<vmem>>)
      %dma_start3A_147 = arith.constant 0 : i32
      %dma_start3A_148 = arith.constant 0 : i32
      %dma_start3A_149 = tpu.memref_slice %arg12[%dma_start3A_147, %dma_start3A_148] : memref<10000x128xf32, #tpu.memory_space<vmem_shared>> -> memref<10000x128xf32, #tpu.memory_space<vmem_shared>>
      tpu.enqueue_indirect_dma source(%arg11 : memref<80x128xf32, #tpu.memory_space<vmem>>) target(%dma_start3A_149 : memref<10000x128xf32, #tpu.memory_space<vmem_shared>>) offsets(%arg9 : memref<80xi32, #tpu.memory_space<vmem>>) semaphore(%arg18 : memref<!tpu.dma_semaphore, #tpu.memory_space<semaphore_mem>>) {add = true}
      %dma_wait3A_150 = arith.constant 0 : i32
      %dma_wait3A_151 = arith.constant 0 : i32
      %dma_wait3A_152 = tpu.memref_slice %arg2[%dma_wait3A_150, %dma_wait3A_151] : memref<320000x128xf32, #tpu.memory_space<hbm>> -> memref<80x128xf32, #tpu.memory_space<hbm>>
      %dma_wait3A_153 = arith.constant 0 : i32
      %dma_wait3A_154 = arith.constant 0 : i32
      %dma_wait3A_155 = tpu.memref_slice %arg2[%dma_wait3A_153, %dma_wait3A_154] : memref<320000x128xf32, #tpu.memory_space<hbm>> -> memref<80x128xf32, #tpu.memory_space<hbm>>
      tpu.wait_dma2 semaphore(%arg17 : memref<!tpu.dma_semaphore, #tpu.memory_space<semaphore_mem>>) src(%dma_wait3A_155 : memref<80x128xf32, #tpu.memory_space<hbm>>) dst(%arg10 : memref<80x128xf32, #tpu.memory_space<vmem>>)
      %add3A_156 = arith.constant 2 : i32
      %add3A_157 = arith.addi %mul3A_123, %add3A_156 : i32
      %mul3A_158 = arith.constant 10000 : i32
      %mul3A_159 = arith.muli %add3A, %mul3A_158 : i32
      %mul3A_160 = arith.constant 80 : i32
      %mul3A_161 = arith.muli %add3A_157, %mul3A_160 : i32
      %add3A_162 = arith.addi %mul3A_159, %mul3A_161 : i32
      %dma_start3A_163 = arith.constant 0 : i32
      %dma_start3A_164 = tpu.memref_slice %arg2[%add3A_162, %dma_start3A_163] : memref<320000x128xf32, #tpu.memory_space<hbm>> -> memref<80x128xf32, #tpu.memory_space<hbm>>
      %dma_start3A_165 = arith.constant 0 : i32
      %dma_start3A_166 = tpu.memref_slice %arg2[%add3A_162, %dma_start3A_165] : memref<320000x128xf32, #tpu.memory_space<hbm>> -> memref<80x128xf32, #tpu.memory_space<hbm>>
      tpu.enqueue_dma source(%dma_start3A_166 : memref<80x128xf32, #tpu.memory_space<hbm>>) target(%arg10 : memref<80x128xf32, #tpu.memory_space<vmem>>) target_semaphore(%arg15 : memref<!tpu.dma_semaphore, #tpu.memory_space<semaphore_mem>>)
      %add3A_167 = arith.constant 2 : i32
      %add3A_168 = arith.addi %mul3A_123, %add3A_167 : i32
      %mul3A_169 = arith.constant 10000 : i32
      %mul3A_170 = arith.muli %add3A, %mul3A_169 : i32
      %mul3A_171 = arith.constant 80 : i32
      %mul3A_172 = arith.muli %add3A_168, %mul3A_171 : i32
      %add3A_173 = arith.addi %mul3A_170, %mul3A_172 : i32
      %dma_start3A_174 = tpu.memref_slice %arg3[%add3A_173] : memref<320000xi32, #tpu.memory_space<hbm>> -> memref<80xi32, #tpu.memory_space<hbm>>
      %dma_start3A_175 = tpu.memref_slice %arg3[%add3A_173] : memref<320000xi32, #tpu.memory_space<hbm>> -> memref<80xi32, #tpu.memory_space<hbm>>
      tpu.enqueue_dma source(%dma_start3A_175 : memref<80xi32, #tpu.memory_space<hbm>>) target(%arg8 : memref<80xi32, #tpu.memory_space<vmem>>) target_semaphore(%arg13 : memref<!tpu.dma_semaphore, #tpu.memory_space<semaphore_mem>>)
      %dma_wait3A_176 = arith.constant 0 : i32
      %dma_wait3A_177 = arith.constant 0 : i32
      %dma_wait3A_178 = tpu.memref_slice %arg2[%dma_wait3A_176, %dma_wait3A_177] : memref<320000x128xf32, #tpu.memory_space<hbm>> -> memref<80x128xf32, #tpu.memory_space<hbm>>
      %dma_wait3A_179 = arith.constant 0 : i32
      %dma_wait3A_180 = arith.constant 0 : i32
      %dma_wait3A_181 = tpu.memref_slice %arg2[%dma_wait3A_179, %dma_wait3A_180] : memref<320000x128xf32, #tpu.memory_space<hbm>> -> memref<80x128xf32, #tpu.memory_space<hbm>>
      tpu.wait_dma2 semaphore(%arg18 : memref<!tpu.dma_semaphore, #tpu.memory_space<semaphore_mem>>) src(%dma_wait3A_181 : memref<80x128xf32, #tpu.memory_space<hbm>>) dst(%arg11 : memref<80x128xf32, #tpu.memory_space<vmem>>)
      %add3A_182 = arith.constant 3 : i32
      %add3A_183 = arith.addi %mul3A_123, %add3A_182 : i32
      %lt3A = arith.constant 125 : i32
      %lt3A_184 = arith.cmpi slt, %add3A_183, %lt3A : i32
      %convert_element_type3A_185 = arith.extui %lt3A_184 : i1 to i32
      %cond3A_186 = arith.constant 0 : i32
      %cond3A_187 = arith.cmpi ne, %convert_element_type3A_185, %cond3A_186 : i32
      scf.if %cond3A_187 {
        %add3A_189 = arith.constant 3 : i32
        %add3A_190 = arith.addi %mul3A_123, %add3A_189 : i32
        %mul3A_191 = arith.constant 10000 : i32
        %mul3A_192 = arith.muli %add3A, %mul3A_191 : i32
        %mul3A_193 = arith.constant 80 : i32
        %mul3A_194 = arith.muli %add3A_190, %mul3A_193 : i32
        %add3A_195 = arith.addi %mul3A_192, %mul3A_194 : i32
        %dma_start3A_196 = arith.constant 0 : i32
        %dma_start3A_197 = tpu.memref_slice %arg2[%add3A_195, %dma_start3A_196] : memref<320000x128xf32, #tpu.memory_space<hbm>> -> memref<80x128xf32, #tpu.memory_space<hbm>>
        %dma_start3A_198 = arith.constant 0 : i32
        %dma_start3A_199 = tpu.memref_slice %arg2[%add3A_195, %dma_start3A_198] : memref<320000x128xf32, #tpu.memory_space<hbm>> -> memref<80x128xf32, #tpu.memory_space<hbm>>
        tpu.enqueue_dma source(%dma_start3A_199 : memref<80x128xf32, #tpu.memory_space<hbm>>) target(%arg11 : memref<80x128xf32, #tpu.memory_space<vmem>>) target_semaphore(%arg16 : memref<!tpu.dma_semaphore, #tpu.memory_space<semaphore_mem>>)
        %add3A_200 = arith.constant 3 : i32
        %add3A_201 = arith.addi %mul3A_123, %add3A_200 : i32
        %mul3A_202 = arith.constant 10000 : i32
        %mul3A_203 = arith.muli %add3A, %mul3A_202 : i32
        %mul3A_204 = arith.constant 80 : i32
        %mul3A_205 = arith.muli %add3A_201, %mul3A_204 : i32
        %add3A_206 = arith.addi %mul3A_203, %mul3A_205 : i32
        %dma_start3A_207 = tpu.memref_slice %arg3[%add3A_206] : memref<320000xi32, #tpu.memory_space<hbm>> -> memref<80xi32, #tpu.memory_space<hbm>>
        %dma_start3A_208 = tpu.memref_slice %arg3[%add3A_206] : memref<320000xi32, #tpu.memory_space<hbm>> -> memref<80xi32, #tpu.memory_space<hbm>>
        tpu.enqueue_dma source(%dma_start3A_208 : memref<80xi32, #tpu.memory_space<hbm>>) target(%arg9 : memref<80xi32, #tpu.memory_space<vmem>>) target_semaphore(%arg14 : memref<!tpu.dma_semaphore, #tpu.memory_space<semaphore_mem>>)
      } else {
      }
      %scan3A_188 = arith.constant 0 : i32
      scf.yield %scan3A_188 : i32
    }
    %scan3A_39 = arith.constant 62 : i32
    %dma_wait3A = arith.constant 0 : i32
    %dma_wait3A_40 = arith.constant 0 : i32
    %dma_wait3A_41 = tpu.memref_slice %arg2[%dma_wait3A, %dma_wait3A_40] : memref<320000x128xf32, #tpu.memory_space<hbm>> -> memref<80x128xf32, #tpu.memory_space<hbm>>
    %dma_wait3A_42 = arith.constant 0 : i32
    %dma_wait3A_43 = arith.constant 0 : i32
    %dma_wait3A_44 = tpu.memref_slice %arg2[%dma_wait3A_42, %dma_wait3A_43] : memref<320000x128xf32, #tpu.memory_space<hbm>> -> memref<80x128xf32, #tpu.memory_space<hbm>>
    tpu.wait_dma2 semaphore(%arg15 : memref<!tpu.dma_semaphore, #tpu.memory_space<semaphore_mem>>) src(%dma_wait3A_44 : memref<80x128xf32, #tpu.memory_space<hbm>>) dst(%arg10 : memref<80x128xf32, #tpu.memory_space<vmem>>)
    %dma_wait3A_45 = arith.constant 0 : i32
    %dma_wait3A_46 = tpu.memref_slice %arg3[%dma_wait3A_45] : memref<320000xi32, #tpu.memory_space<hbm>> -> memref<80xi32, #tpu.memory_space<hbm>>
    %dma_wait3A_47 = arith.constant 0 : i32
    %dma_wait3A_48 = tpu.memref_slice %arg3[%dma_wait3A_47] : memref<320000xi32, #tpu.memory_space<hbm>> -> memref<80xi32, #tpu.memory_space<hbm>>
    tpu.wait_dma2 semaphore(%arg13 : memref<!tpu.dma_semaphore, #tpu.memory_space<semaphore_mem>>) src(%dma_wait3A_48 : memref<80xi32, #tpu.memory_space<hbm>>) dst(%arg8 : memref<80xi32, #tpu.memory_space<vmem>>)
    %dma_start3A_49 = arith.constant 0 : i32
    %dma_start3A_50 = arith.constant 0 : i32
    %dma_start3A_51 = tpu.memref_slice %arg12[%dma_start3A_49, %dma_start3A_50] : memref<10000x128xf32, #tpu.memory_space<vmem_shared>> -> memref<10000x128xf32, #tpu.memory_space<vmem_shared>>
    tpu.enqueue_indirect_dma source(%arg10 : memref<80x128xf32, #tpu.memory_space<vmem>>) target(%dma_start3A_51 : memref<10000x128xf32, #tpu.memory_space<vmem_shared>>) offsets(%arg8 : memref<80xi32, #tpu.memory_space<vmem>>) semaphore(%arg17 : memref<!tpu.dma_semaphore, #tpu.memory_space<semaphore_mem>>) {add = true}
    %dma_wait3A_52 = arith.constant 0 : i32
    %dma_wait3A_53 = arith.constant 0 : i32
    %dma_wait3A_54 = tpu.memref_slice %arg2[%dma_wait3A_52, %dma_wait3A_53] : memref<320000x128xf32, #tpu.memory_space<hbm>> -> memref<80x128xf32, #tpu.memory_space<hbm>>
    %dma_wait3A_55 = arith.constant 0 : i32
    %dma_wait3A_56 = arith.constant 0 : i32
    %dma_wait3A_57 = tpu.memref_slice %arg2[%dma_wait3A_55, %dma_wait3A_56] : memref<320000x128xf32, #tpu.memory_space<hbm>> -> memref<80x128xf32, #tpu.memory_space<hbm>>
    tpu.wait_dma2 semaphore(%arg17 : memref<!tpu.dma_semaphore, #tpu.memory_space<semaphore_mem>>) src(%dma_wait3A_57 : memref<80x128xf32, #tpu.memory_space<hbm>>) dst(%arg10 : memref<80x128xf32, #tpu.memory_space<vmem>>)
    %barrier3A_58 = arith.constant 0 : index
    tpu.barrier barrier_id(%barrier3A_58)
    %mul3A_59 = arith.constant 624 : i32
    %mul3A_60 = arith.muli %arg1, %mul3A_59 : i32
    %mul3A_61 = arith.constant 624 : i32
    %mul3A_62 = arith.muli %arg1, %mul3A_61 : i32
    "tpu.region"() ({
      %run_scoped3A = tpu.sem_alloc : memref<!tpu.dma_semaphore, #tpu.memory_space<semaphore_mem>>
      %dma_start3A_120 = arith.constant 0 : i32
      %dma_start3A_121 = tpu.memref_slice %arg6[%arg0, %mul3A_62, %dma_start3A_120] : memref<2x10000x128xf32, #tpu.memory_space<hbm>> -> memref<1x624x128xf32, #tpu.memory_space<hbm>>
      %dma_start3A_122 = tpu.memref_squeeze %dma_start3A_121 : memref<1x624x128xf32, #tpu.memory_space<hbm>> -> memref<624x128xf32, #tpu.memory_space<hbm>>
      %dma_start3A_123 = arith.constant 0 : i32
      %dma_start3A_124 = tpu.memref_slice %arg12[%mul3A_60, %dma_start3A_123] : memref<10000x128xf32, #tpu.memory_space<vmem_shared>> -> memref<624x128xf32, #tpu.memory_space<vmem_shared>>
      tpu.enqueue_dma source(%dma_start3A_124 : memref<624x128xf32, #tpu.memory_space<vmem_shared>>) target(%dma_start3A_122 : memref<624x128xf32, #tpu.memory_space<hbm>>) target_semaphore(%run_scoped3A : memref<!tpu.dma_semaphore, #tpu.memory_space<semaphore_mem>>)
      %dma_wait3A_125 = arith.constant 0 : i32
      %dma_wait3A_126 = tpu.memref_slice %arg6[%arg0, %mul3A_62, %dma_wait3A_125] : memref<2x10000x128xf32, #tpu.memory_space<hbm>> -> memref<1x624x128xf32, #tpu.memory_space<hbm>>
      %dma_wait3A_127 = tpu.memref_squeeze %dma_wait3A_126 : memref<1x624x128xf32, #tpu.memory_space<hbm>> -> memref<624x128xf32, #tpu.memory_space<hbm>>
      %dma_wait3A_128 = arith.constant 0 : i32
      %dma_wait3A_129 = tpu.memref_slice %arg12[%mul3A_60, %dma_wait3A_128] : memref<10000x128xf32, #tpu.memory_space<vmem_shared>> -> memref<624x128xf32, #tpu.memory_space<vmem_shared>>
      tpu.wait_dma2 semaphore(%run_scoped3A : memref<!tpu.dma_semaphore, #tpu.memory_space<semaphore_mem>>) src(%dma_wait3A_129 : memref<624x128xf32, #tpu.memory_space<vmem_shared>>) dst(%dma_wait3A_127 : memref<624x128xf32, #tpu.memory_space<hbm>>)
      tpu.yield
    }) : () -> ()
    %eq3A_63 = arith.constant 0 : i32
    %eq3A_64 = arith.cmpi eq, %arg1, %eq3A_63 : i32
    %convert_element_type3A_65 = arith.extui %eq3A_64 : i1 to i32
    %cond3A_66 = arith.constant 0 : i32
    %cond3A_67 = arith.cmpi ne, %convert_element_type3A_65, %cond3A_66 : i32
    scf.if %cond3A_67 {
      "tpu.region"() ({
        %run_scoped3A = tpu.sem_alloc : memref<!tpu.dma_semaphore, #tpu.memory_space<semaphore_mem>>
        %dma_start3A_120 = arith.constant 9984 : i32
        %dma_start3A_121 = arith.constant 0 : i32
        %dma_start3A_122 = tpu.memref_slice %arg6[%arg0, %dma_start3A_120, %dma_start3A_121] : memref<2x10000x128xf32, #tpu.memory_space<hbm>> -> memref<1x16x128xf32, #tpu.memory_space<hbm>>
        %dma_start3A_123 = tpu.memref_squeeze %dma_start3A_122 : memref<1x16x128xf32, #tpu.memory_space<hbm>> -> memref<16x128xf32, #tpu.memory_space<hbm>>
        %dma_start3A_124 = arith.constant 9984 : i32
        %dma_start3A_125 = arith.constant 0 : i32
        %dma_start3A_126 = tpu.memref_slice %arg12[%dma_start3A_124, %dma_start3A_125] : memref<10000x128xf32, #tpu.memory_space<vmem_shared>> -> memref<16x128xf32, #tpu.memory_space<vmem_shared>>
        tpu.enqueue_dma source(%dma_start3A_126 : memref<16x128xf32, #tpu.memory_space<vmem_shared>>) target(%dma_start3A_123 : memref<16x128xf32, #tpu.memory_space<hbm>>) target_semaphore(%run_scoped3A : memref<!tpu.dma_semaphore, #tpu.memory_space<semaphore_mem>>)
        %dma_wait3A_127 = arith.constant 9984 : i32
        %dma_wait3A_128 = arith.constant 0 : i32
        %dma_wait3A_129 = tpu.memref_slice %arg6[%arg0, %dma_wait3A_127, %dma_wait3A_128] : memref<2x10000x128xf32, #tpu.memory_space<hbm>> -> memref<1x16x128xf32, #tpu.memory_space<hbm>>
        %dma_wait3A_130 = tpu.memref_squeeze %dma_wait3A_129 : memref<1x16x128xf32, #tpu.memory_space<hbm>> -> memref<16x128xf32, #tpu.memory_space<hbm>>
        %dma_wait3A_131 = arith.constant 9984 : i32
        %dma_wait3A_132 = arith.constant 0 : i32
        %dma_wait3A_133 = tpu.memref_slice %arg12[%dma_wait3A_131, %dma_wait3A_132] : memref<10000x128xf32, #tpu.memory_space<vmem_shared>> -> memref<16x128xf32, #tpu.memory_space<vmem_shared>>
        tpu.wait_dma2 semaphore(%run_scoped3A : memref<!tpu.dma_semaphore, #tpu.memory_space<semaphore_mem>>) src(%dma_wait3A_133 : memref<16x128xf32, #tpu.memory_space<vmem_shared>>) dst(%dma_wait3A_130 : memref<16x128xf32, #tpu.memory_space<hbm>>)
        tpu.yield
      }) : () -> ()
    } else {
    }
    %mul3A_68 = arith.constant 624 : i32
    %mul3A_69 = arith.muli %arg1, %mul3A_68 : i32
    %mul3A_70 = arith.constant 624 : i32
    %mul3A_71 = arith.muli %arg1, %mul3A_70 : i32
    "tpu.region"() ({
      %run_scoped3A = tpu.sem_alloc : memref<!tpu.dma_semaphore, #tpu.memory_space<semaphore_mem>>
      %dma_start3A_120 = arith.constant 0 : i32
      %dma_start3A_121 = tpu.memref_slice %arg12[%mul3A_71, %dma_start3A_120] : memref<10000x128xf32, #tpu.memory_space<vmem_shared>> -> memref<624x128xf32, #tpu.memory_space<vmem_shared>>
      %dma_start3A_122 = arith.constant 0 : i32
      %dma_start3A_123 = tpu.memref_slice %arg5[%mul3A_69, %dma_start3A_122] : memref<10000x128xf32, #tpu.memory_space<hbm>> -> memref<624x128xf32, #tpu.memory_space<hbm>>
      tpu.enqueue_dma source(%dma_start3A_123 : memref<624x128xf32, #tpu.memory_space<hbm>>) target(%dma_start3A_121 : memref<624x128xf32, #tpu.memory_space<vmem_shared>>) target_semaphore(%run_scoped3A : memref<!tpu.dma_semaphore, #tpu.memory_space<semaphore_mem>>)
      %dma_wait3A_124 = arith.constant 0 : i32
      %dma_wait3A_125 = tpu.memref_slice %arg12[%mul3A_71, %dma_wait3A_124] : memref<10000x128xf32, #tpu.memory_space<vmem_shared>> -> memref<624x128xf32, #tpu.memory_space<vmem_shared>>
      %dma_wait3A_126 = arith.constant 0 : i32
      %dma_wait3A_127 = tpu.memref_slice %arg5[%mul3A_69, %dma_wait3A_126] : memref<10000x128xf32, #tpu.memory_space<hbm>> -> memref<624x128xf32, #tpu.memory_space<hbm>>
      tpu.wait_dma2 semaphore(%run_scoped3A : memref<!tpu.dma_semaphore, #tpu.memory_space<semaphore_mem>>) src(%dma_wait3A_127 : memref<624x128xf32, #tpu.memory_space<hbm>>) dst(%dma_wait3A_125 : memref<624x128xf32, #tpu.memory_space<vmem_shared>>)
      tpu.yield
    }) : () -> ()
    %eq3A_72 = arith.constant 0 : i32
    %eq3A_73 = arith.cmpi eq, %arg1, %eq3A_72 : i32
    %convert_element_type3A_74 = arith.extui %eq3A_73 : i1 to i32
    %cond3A_75 = arith.constant 0 : i32
    %cond3A_76 = arith.cmpi ne, %convert_element_type3A_74, %cond3A_75 : i32
    scf.if %cond3A_76 {
      "tpu.region"() ({
        %run_scoped3A = tpu.sem_alloc : memref<!tpu.dma_semaphore, #tpu.memory_space<semaphore_mem>>
        %dma_start3A_120 = arith.constant 9984 : i32
        %dma_start3A_121 = arith.constant 0 : i32
        %dma_start3A_122 = tpu.memref_slice %arg12[%dma_start3A_120, %dma_start3A_121] : memref<10000x128xf32, #tpu.memory_space<vmem_shared>> -> memref<16x128xf32, #tpu.memory_space<vmem_shared>>
        %dma_start3A_123 = arith.constant 9984 : i32
        %dma_start3A_124 = arith.constant 0 : i32
        %dma_start3A_125 = tpu.memref_slice %arg5[%dma_start3A_123, %dma_start3A_124] : memref<10000x128xf32, #tpu.memory_space<hbm>> -> memref<16x128xf32, #tpu.memory_space<hbm>>
        tpu.enqueue_dma source(%dma_start3A_125 : memref<16x128xf32, #tpu.memory_space<hbm>>) target(%dma_start3A_122 : memref<16x128xf32, #tpu.memory_space<vmem_shared>>) target_semaphore(%run_scoped3A : memref<!tpu.dma_semaphore, #tpu.memory_space<semaphore_mem>>)
        %dma_wait3A_126 = arith.constant 9984 : i32
        %dma_wait3A_127 = arith.constant 0 : i32
        %dma_wait3A_128 = tpu.memref_slice %arg12[%dma_wait3A_126, %dma_wait3A_127] : memref<10000x128xf32, #tpu.memory_space<vmem_shared>> -> memref<16x128xf32, #tpu.memory_space<vmem_shared>>
        %dma_wait3A_129 = arith.constant 9984 : i32
        %dma_wait3A_130 = arith.constant 0 : i32
        %dma_wait3A_131 = tpu.memref_slice %arg5[%dma_wait3A_129, %dma_wait3A_130] : memref<10000x128xf32, #tpu.memory_space<hbm>> -> memref<16x128xf32, #tpu.memory_space<hbm>>
        tpu.wait_dma2 semaphore(%run_scoped3A : memref<!tpu.dma_semaphore, #tpu.memory_space<semaphore_mem>>) src(%dma_wait3A_131 : memref<16x128xf32, #tpu.memory_space<hbm>>) dst(%dma_wait3A_128 : memref<16x128xf32, #tpu.memory_space<vmem_shared>>)
        tpu.yield
      }) : () -> ()
    } else {
    }
    %barrier3A_77 = arith.constant 0 : index
    tpu.barrier barrier_id(%barrier3A_77)
    "tpu.region"() ({
      %run_scoped3A = tpu.sem_alloc : memref<!tpu.dma_semaphore, #tpu.memory_space<semaphore_mem>>
      tpu.enqueue_dma source(%arg4 : memref<80x128xf32, #tpu.memory_space<hbm>>) target(%arg10 : memref<80x128xf32, #tpu.memory_space<vmem>>) target_semaphore(%run_scoped3A : memref<!tpu.dma_semaphore, #tpu.memory_space<semaphore_mem>>)
      tpu.wait_dma2 semaphore(%run_scoped3A : memref<!tpu.dma_semaphore, #tpu.memory_space<semaphore_mem>>) src(%arg4 : memref<80x128xf32, #tpu.memory_space<hbm>>) dst(%arg10 : memref<80x128xf32, #tpu.memory_space<vmem>>)
      tpu.yield
    }) : () -> ()
    %mul3A_78 = arith.constant 10000 : i32
    %mul3A_79 = arith.muli %add3A, %mul3A_78 : i32
    %add3A_80 = arith.constant 0 : i32
    %add3A_81 = arith.addi %mul3A_79, %add3A_80 : i32
    %dma_start3A_82 = tpu.memref_slice %arg3[%add3A_81] : memref<320000xi32, #tpu.memory_space<hbm>> -> memref<80xi32, #tpu.memory_space<hbm>>
    %dma_start3A_83 = tpu.memref_slice %arg3[%add3A_81] : memref<320000xi32, #tpu.memory_space<hbm>> -> memref<80xi32, #tpu.memory_space<hbm>>
    tpu.enqueue_dma source(%dma_start3A_83 : memref<80xi32, #tpu.memory_space<hbm>>) target(%arg8 : memref<80xi32, #tpu.memory_space<vmem>>) target_semaphore(%arg13 : memref<!tpu.dma_semaphore, #tpu.memory_space<semaphore_mem>>)
    %mul3A_84 = arith.constant 10000 : i32
    %mul3A_85 = arith.muli %add3A, %mul3A_84 : i32
    %add3A_86 = arith.constant 80 : i32
    %add3A_87 = arith.addi %mul3A_85, %add3A_86 : i32
    %dma_start3A_88 = tpu.memref_slice %arg3[%add3A_87] : memref<320000xi32, #tpu.memory_space<hbm>> -> memref<80xi32, #tpu.memory_space<hbm>>
    %dma_start3A_89 = tpu.memref_slice %arg3[%add3A_87] : memref<320000xi32, #tpu.memory_space<hbm>> -> memref<80xi32, #tpu.memory_space<hbm>>
    tpu.enqueue_dma source(%dma_start3A_89 : memref<80xi32, #tpu.memory_space<hbm>>) target(%arg9 : memref<80xi32, #tpu.memory_space<vmem>>) target_semaphore(%arg14 : memref<!tpu.dma_semaphore, #tpu.memory_space<semaphore_mem>>)
    %scan3A_90 = arith.constant 0 : i32
    %scan3A_91 = arith.constant 0 : i32
    %scan3A_92 = arith.constant 62 : i32
    %scan3A_93 = arith.addi %scan3A_91, %scan3A_92 : i32
    %scan3A_94 = arith.constant 1 : i32
    %scan3A_95 = scf.for %scan3A_120 = %scan3A_91 to %scan3A_93 step %scan3A_94 iter_args(%scan3A_121 = %scan3A_90) -> (i32)  : i32 {
      %mul3A_122 = arith.constant 2 : i32
      %mul3A_123 = arith.muli %mul3A_122, %scan3A_120 : i32
      %dma_wait3A_124 = arith.constant 0 : i32
      %dma_wait3A_125 = tpu.memref_slice %arg3[%dma_wait3A_124] : memref<320000xi32, #tpu.memory_space<hbm>> -> memref<80xi32, #tpu.memory_space<hbm>>
      %dma_wait3A_126 = arith.constant 0 : i32
      %dma_wait3A_127 = tpu.memref_slice %arg3[%dma_wait3A_126] : memref<320000xi32, #tpu.memory_space<hbm>> -> memref<80xi32, #tpu.memory_space<hbm>>
      tpu.wait_dma2 semaphore(%arg13 : memref<!tpu.dma_semaphore, #tpu.memory_space<semaphore_mem>>) src(%dma_wait3A_127 : memref<80xi32, #tpu.memory_space<hbm>>) dst(%arg8 : memref<80xi32, #tpu.memory_space<vmem>>)
      %dma_start3A_128 = arith.constant 0 : i32
      %dma_start3A_129 = arith.constant 0 : i32
      %dma_start3A_130 = tpu.memref_slice %arg12[%dma_start3A_128, %dma_start3A_129] : memref<10000x128xf32, #tpu.memory_space<vmem_shared>> -> memref<10000x128xf32, #tpu.memory_space<vmem_shared>>
      tpu.enqueue_indirect_dma source(%arg10 : memref<80x128xf32, #tpu.memory_space<vmem>>) target(%dma_start3A_130 : memref<10000x128xf32, #tpu.memory_space<vmem_shared>>) offsets(%arg8 : memref<80xi32, #tpu.memory_space<vmem>>) semaphore(%arg17 : memref<!tpu.dma_semaphore, #tpu.memory_space<semaphore_mem>>) {add = true}
      %dma_wait3A_131 = arith.constant 0 : i32
      %dma_wait3A_132 = tpu.memref_slice %arg3[%dma_wait3A_131] : memref<320000xi32, #tpu.memory_space<hbm>> -> memref<80xi32, #tpu.memory_space<hbm>>
      %dma_wait3A_133 = arith.constant 0 : i32
      %dma_wait3A_134 = tpu.memref_slice %arg3[%dma_wait3A_133] : memref<320000xi32, #tpu.memory_space<hbm>> -> memref<80xi32, #tpu.memory_space<hbm>>
      tpu.wait_dma2 semaphore(%arg14 : memref<!tpu.dma_semaphore, #tpu.memory_space<semaphore_mem>>) src(%dma_wait3A_134 : memref<80xi32, #tpu.memory_space<hbm>>) dst(%arg9 : memref<80xi32, #tpu.memory_space<vmem>>)
      %dma_start3A_135 = arith.constant 0 : i32
      %dma_start3A_136 = arith.constant 0 : i32
      %dma_start3A_137 = tpu.memref_slice %arg12[%dma_start3A_135, %dma_start3A_136] : memref<10000x128xf32, #tpu.memory_space<vmem_shared>> -> memref<10000x128xf32, #tpu.memory_space<vmem_shared>>
      tpu.enqueue_indirect_dma source(%arg10 : memref<80x128xf32, #tpu.memory_space<vmem>>) target(%dma_start3A_137 : memref<10000x128xf32, #tpu.memory_space<vmem_shared>>) offsets(%arg9 : memref<80xi32, #tpu.memory_space<vmem>>) semaphore(%arg18 : memref<!tpu.dma_semaphore, #tpu.memory_space<semaphore_mem>>) {add = true}
      %dma_wait3A_138 = arith.constant 0 : i32
      %dma_wait3A_139 = arith.constant 0 : i32
      %dma_wait3A_140 = tpu.memref_slice %arg2[%dma_wait3A_138, %dma_wait3A_139] : memref<320000x128xf32, #tpu.memory_space<hbm>> -> memref<80x128xf32, #tpu.memory_space<hbm>>
      %dma_wait3A_141 = arith.constant 0 : i32
      %dma_wait3A_142 = arith.constant 0 : i32
      %dma_wait3A_143 = tpu.memref_slice %arg2[%dma_wait3A_141, %dma_wait3A_142] : memref<320000x128xf32, #tpu.memory_space<hbm>> -> memref<80x128xf32, #tpu.memory_space<hbm>>
      tpu.wait_dma2 semaphore(%arg17 : memref<!tpu.dma_semaphore, #tpu.memory_space<semaphore_mem>>) src(%dma_wait3A_143 : memref<80x128xf32, #tpu.memory_space<hbm>>) dst(%arg10 : memref<80x128xf32, #tpu.memory_space<vmem>>)
      %add3A_144 = arith.constant 2 : i32
      %add3A_145 = arith.addi %mul3A_123, %add3A_144 : i32
      %mul3A_146 = arith.constant 10000 : i32
      %mul3A_147 = arith.muli %add3A, %mul3A_146 : i32
      %mul3A_148 = arith.constant 80 : i32
      %mul3A_149 = arith.muli %add3A_145, %mul3A_148 : i32
      %add3A_150 = arith.addi %mul3A_147, %mul3A_149 : i32
      %dma_start3A_151 = tpu.memref_slice %arg3[%add3A_150] : memref<320000xi32, #tpu.memory_space<hbm>> -> memref<80xi32, #tpu.memory_space<hbm>>
      %dma_start3A_152 = tpu.memref_slice %arg3[%add3A_150] : memref<320000xi32, #tpu.memory_space<hbm>> -> memref<80xi32, #tpu.memory_space<hbm>>
      tpu.enqueue_dma source(%dma_start3A_152 : memref<80xi32, #tpu.memory_space<hbm>>) target(%arg8 : memref<80xi32, #tpu.memory_space<vmem>>) target_semaphore(%arg13 : memref<!tpu.dma_semaphore, #tpu.memory_space<semaphore_mem>>)
      %dma_wait3A_153 = arith.constant 0 : i32
      %dma_wait3A_154 = arith.constant 0 : i32
      %dma_wait3A_155 = tpu.memref_slice %arg2[%dma_wait3A_153, %dma_wait3A_154] : memref<320000x128xf32, #tpu.memory_space<hbm>> -> memref<80x128xf32, #tpu.memory_space<hbm>>
      %dma_wait3A_156 = arith.constant 0 : i32
      %dma_wait3A_157 = arith.constant 0 : i32
      %dma_wait3A_158 = tpu.memref_slice %arg2[%dma_wait3A_156, %dma_wait3A_157] : memref<320000x128xf32, #tpu.memory_space<hbm>> -> memref<80x128xf32, #tpu.memory_space<hbm>>
      tpu.wait_dma2 semaphore(%arg18 : memref<!tpu.dma_semaphore, #tpu.memory_space<semaphore_mem>>) src(%dma_wait3A_158 : memref<80x128xf32, #tpu.memory_space<hbm>>) dst(%arg10 : memref<80x128xf32, #tpu.memory_space<vmem>>)
      %add3A_159 = arith.constant 3 : i32
      %add3A_160 = arith.addi %mul3A_123, %add3A_159 : i32
      %lt3A = arith.constant 125 : i32
      %lt3A_161 = arith.cmpi slt, %add3A_160, %lt3A : i32
      %convert_element_type3A_162 = arith.extui %lt3A_161 : i1 to i32
      %cond3A_163 = arith.constant 0 : i32
      %cond3A_164 = arith.cmpi ne, %convert_element_type3A_162, %cond3A_163 : i32
      scf.if %cond3A_164 {
        %add3A_166 = arith.constant 3 : i32
        %add3A_167 = arith.addi %mul3A_123, %add3A_166 : i32
        %mul3A_168 = arith.constant 10000 : i32
        %mul3A_169 = arith.muli %add3A, %mul3A_168 : i32
        %mul3A_170 = arith.constant 80 : i32
        %mul3A_171 = arith.muli %add3A_167, %mul3A_170 : i32
        %add3A_172 = arith.addi %mul3A_169, %mul3A_171 : i32
        %dma_start3A_173 = tpu.memref_slice %arg3[%add3A_172] : memref<320000xi32, #tpu.memory_space<hbm>> -> memref<80xi32, #tpu.memory_space<hbm>>
        %dma_start3A_174 = tpu.memref_slice %arg3[%add3A_172] : memref<320000xi32, #tpu.memory_space<hbm>> -> memref<80xi32, #tpu.memory_space<hbm>>
        tpu.enqueue_dma source(%dma_start3A_174 : memref<80xi32, #tpu.memory_space<hbm>>) target(%arg9 : memref<80xi32, #tpu.memory_space<vmem>>) target_semaphore(%arg14 : memref<!tpu.dma_semaphore, #tpu.memory_space<semaphore_mem>>)
      } else {
      }
      %scan3A_165 = arith.constant 0 : i32
      scf.yield %scan3A_165 : i32
    }
    %scan3A_96 = arith.constant 62 : i32
    %dma_wait3A_97 = arith.constant 0 : i32
    %dma_wait3A_98 = tpu.memref_slice %arg3[%dma_wait3A_97] : memref<320000xi32, #tpu.memory_space<hbm>> -> memref<80xi32, #tpu.memory_space<hbm>>
    %dma_wait3A_99 = arith.constant 0 : i32
    %dma_wait3A_100 = tpu.memref_slice %arg3[%dma_wait3A_99] : memref<320000xi32, #tpu.memory_space<hbm>> -> memref<80xi32, #tpu.memory_space<hbm>>
    tpu.wait_dma2 semaphore(%arg13 : memref<!tpu.dma_semaphore, #tpu.memory_space<semaphore_mem>>) src(%dma_wait3A_100 : memref<80xi32, #tpu.memory_space<hbm>>) dst(%arg8 : memref<80xi32, #tpu.memory_space<vmem>>)
    %dma_start3A_101 = arith.constant 0 : i32
    %dma_start3A_102 = arith.constant 0 : i32
    %dma_start3A_103 = tpu.memref_slice %arg12[%dma_start3A_101, %dma_start3A_102] : memref<10000x128xf32, #tpu.memory_space<vmem_shared>> -> memref<10000x128xf32, #tpu.memory_space<vmem_shared>>
    tpu.enqueue_indirect_dma source(%arg10 : memref<80x128xf32, #tpu.memory_space<vmem>>) target(%dma_start3A_103 : memref<10000x128xf32, #tpu.memory_space<vmem_shared>>) offsets(%arg8 : memref<80xi32, #tpu.memory_space<vmem>>) semaphore(%arg17 : memref<!tpu.dma_semaphore, #tpu.memory_space<semaphore_mem>>) {add = true}
    %dma_wait3A_104 = arith.constant 0 : i32
    %dma_wait3A_105 = arith.constant 0 : i32
    %dma_wait3A_106 = tpu.memref_slice %arg2[%dma_wait3A_104, %dma_wait3A_105] : memref<320000x128xf32, #tpu.memory_space<hbm>> -> memref<80x128xf32, #tpu.memory_space<hbm>>
    %dma_wait3A_107 = arith.constant 0 : i32
    %dma_wait3A_108 = arith.constant 0 : i32
    %dma_wait3A_109 = tpu.memref_slice %arg2[%dma_wait3A_107, %dma_wait3A_108] : memref<320000x128xf32, #tpu.memory_space<hbm>> -> memref<80x128xf32, #tpu.memory_space<hbm>>
    tpu.wait_dma2 semaphore(%arg17 : memref<!tpu.dma_semaphore, #tpu.memory_space<semaphore_mem>>) src(%dma_wait3A_109 : memref<80x128xf32, #tpu.memory_space<hbm>>) dst(%arg10 : memref<80x128xf32, #tpu.memory_space<vmem>>)
    %barrier3A_110 = arith.constant 0 : index
    tpu.barrier barrier_id(%barrier3A_110)
    %mul3A_111 = arith.constant 624 : i32
    %mul3A_112 = arith.muli %arg1, %mul3A_111 : i32
    %mul3A_113 = arith.constant 624 : i32
    %mul3A_114 = arith.muli %arg1, %mul3A_113 : i32
    "tpu.region"() ({
      %run_scoped3A = tpu.sem_alloc : memref<!tpu.dma_semaphore, #tpu.memory_space<semaphore_mem>>
      %dma_start3A_120 = arith.constant 0 : i32
      %dma_start3A_121 = tpu.memref_slice %arg7[%arg0, %mul3A_114, %dma_start3A_120] : memref<2x10000x128xf32, #tpu.memory_space<hbm>> -> memref<1x624x128xf32, #tpu.memory_space<hbm>>
      %dma_start3A_122 = tpu.memref_squeeze %dma_start3A_121 : memref<1x624x128xf32, #tpu.memory_space<hbm>> -> memref<624x128xf32, #tpu.memory_space<hbm>>
      %dma_start3A_123 = arith.constant 0 : i32
      %dma_start3A_124 = tpu.memref_slice %arg12[%mul3A_112, %dma_start3A_123] : memref<10000x128xf32, #tpu.memory_space<vmem_shared>> -> memref<624x128xf32, #tpu.memory_space<vmem_shared>>
      tpu.enqueue_dma source(%dma_start3A_124 : memref<624x128xf32, #tpu.memory_space<vmem_shared>>) target(%dma_start3A_122 : memref<624x128xf32, #tpu.memory_space<hbm>>) target_semaphore(%run_scoped3A : memref<!tpu.dma_semaphore, #tpu.memory_space<semaphore_mem>>)
      %dma_wait3A_125 = arith.constant 0 : i32
      %dma_wait3A_126 = tpu.memref_slice %arg7[%arg0, %mul3A_114, %dma_wait3A_125] : memref<2x10000x128xf32, #tpu.memory_space<hbm>> -> memref<1x624x128xf32, #tpu.memory_space<hbm>>
      %dma_wait3A_127 = tpu.memref_squeeze %dma_wait3A_126 : memref<1x624x128xf32, #tpu.memory_space<hbm>> -> memref<624x128xf32, #tpu.memory_space<hbm>>
      %dma_wait3A_128 = arith.constant 0 : i32
      %dma_wait3A_129 = tpu.memref_slice %arg12[%mul3A_112, %dma_wait3A_128] : memref<10000x128xf32, #tpu.memory_space<vmem_shared>> -> memref<624x128xf32, #tpu.memory_space<vmem_shared>>
      tpu.wait_dma2 semaphore(%run_scoped3A : memref<!tpu.dma_semaphore, #tpu.memory_space<semaphore_mem>>) src(%dma_wait3A_129 : memref<624x128xf32, #tpu.memory_space<vmem_shared>>) dst(%dma_wait3A_127 : memref<624x128xf32, #tpu.memory_space<hbm>>)
      tpu.yield
    }) : () -> ()
    %eq3A_115 = arith.constant 0 : i32
    %eq3A_116 = arith.cmpi eq, %arg1, %eq3A_115 : i32
    %convert_element_type3A_117 = arith.extui %eq3A_116 : i1 to i32
    %cond3A_118 = arith.constant 0 : i32
    %cond3A_119 = arith.cmpi ne, %convert_element_type3A_117, %cond3A_118 : i32
    scf.if %cond3A_119 {
      "tpu.region"() ({
        %run_scoped3A = tpu.sem_alloc : memref<!tpu.dma_semaphore, #tpu.memory_space<semaphore_mem>>
        %dma_start3A_120 = arith.constant 9984 : i32
        %dma_start3A_121 = arith.constant 0 : i32
        %dma_start3A_122 = tpu.memref_slice %arg7[%arg0, %dma_start3A_120, %dma_start3A_121] : memref<2x10000x128xf32, #tpu.memory_space<hbm>> -> memref<1x16x128xf32, #tpu.memory_space<hbm>>
        %dma_start3A_123 = tpu.memref_squeeze %dma_start3A_122 : memref<1x16x128xf32, #tpu.memory_space<hbm>> -> memref<16x128xf32, #tpu.memory_space<hbm>>
        %dma_start3A_124 = arith.constant 9984 : i32
        %dma_start3A_125 = arith.constant 0 : i32
        %dma_start3A_126 = tpu.memref_slice %arg12[%dma_start3A_124, %dma_start3A_125] : memref<10000x128xf32, #tpu.memory_space<vmem_shared>> -> memref<16x128xf32, #tpu.memory_space<vmem_shared>>
        tpu.enqueue_dma source(%dma_start3A_126 : memref<16x128xf32, #tpu.memory_space<vmem_shared>>) target(%dma_start3A_123 : memref<16x128xf32, #tpu.memory_space<hbm>>) target_semaphore(%run_scoped3A : memref<!tpu.dma_semaphore, #tpu.memory_space<semaphore_mem>>)
        %dma_wait3A_127 = arith.constant 9984 : i32
        %dma_wait3A_128 = arith.constant 0 : i32
        %dma_wait3A_129 = tpu.memref_slice %arg7[%arg0, %dma_wait3A_127, %dma_wait3A_128] : memref<2x10000x128xf32, #tpu.memory_space<hbm>> -> memref<1x16x128xf32, #tpu.memory_space<hbm>>
        %dma_wait3A_130 = tpu.memref_squeeze %dma_wait3A_129 : memref<1x16x128xf32, #tpu.memory_space<hbm>> -> memref<16x128xf32, #tpu.memory_space<hbm>>
        %dma_wait3A_131 = arith.constant 9984 : i32
        %dma_wait3A_132 = arith.constant 0 : i32
        %dma_wait3A_133 = tpu.memref_slice %arg12[%dma_wait3A_131, %dma_wait3A_132] : memref<10000x128xf32, #tpu.memory_space<vmem_shared>> -> memref<16x128xf32, #tpu.memory_space<vmem_shared>>
        tpu.wait_dma2 semaphore(%run_scoped3A : memref<!tpu.dma_semaphore, #tpu.memory_space<semaphore_mem>>) src(%dma_wait3A_133 : memref<16x128xf32, #tpu.memory_space<vmem_shared>>) dst(%dma_wait3A_130 : memref<16x128xf32, #tpu.memory_space<hbm>>)
        tpu.yield
      }) : () -> ()
    } else {
    }
    return
  }
}

module attributes {stable_mosaic.version = 14 : i64} {
  func.func @_tc1_body(%arg0: i32, %arg1: memref<1x128xf32, #tpu.memory_space<vmem>>, %arg2: memref<128x128xf32, #tpu.memory_space<vmem>>, %arg3: memref<1x128xf32, #tpu.memory_space<vmem>>, %arg4: memref<128x128xf32, #tpu.memory_space<vmem>>, %arg5: memref<1x128xf32, #tpu.memory_space<vmem>>, %arg6: memref<2x1000x128xf32, #tpu.memory_space<vmem>>, %arg7: memref<2x1000x128xf32, #tpu.memory_space<vmem>>, %arg8: memref<1000x128xf32, #tpu.memory_space<vmem>>) attributes {dimension_semantics = [#tpu.dimension_semantics<arbitrary>], iteration_bounds = array<i64: 10>, scalar_prefetch = 0 : i64, scratch_operands = 0 : i64, tpu.core_type = #tpu.core_type<tc>, window_params = [{pipeline_mode = #tpu.pipeline_mode<synchronous>, transform_indices = @transform_0, window_bounds = array<i64: 1, 128>}, {pipeline_mode = #tpu.pipeline_mode<synchronous>, transform_indices = @transform_1, window_bounds = array<i64: 128, 128>}, {pipeline_mode = #tpu.pipeline_mode<synchronous>, transform_indices = @transform_2, window_bounds = array<i64: 1, 128>}, {pipeline_mode = #tpu.pipeline_mode<synchronous>, transform_indices = @transform_3, window_bounds = array<i64: 128, 128>}, {pipeline_mode = #tpu.pipeline_mode<synchronous>, transform_indices = @transform_4, window_bounds = array<i64: 1, 128>}, {transform_indices = @transform_5, window_bounds = array<i64: 2, 1000, 128>}, {transform_indices = @transform_6, window_bounds = array<i64: 2, 1000, 128>}, {transform_indices = @transform_7, window_bounds = array<i64: 1000, 128>}]} {
    %get3A = arith.constant 0 : index
    %get3A_0 = arith.constant 0 : index
    %get3A_1 = vector.load %arg1[%get3A, %get3A_0] : memref<1x128xf32, #tpu.memory_space<vmem>>, vector<1x128xf32>
    %get3A_2 = arith.constant 0 : index
    %get3A_3 = arith.constant 0 : index
    %get3A_4 = vector.load %arg2[%get3A_2, %get3A_3] : memref<128x128xf32, #tpu.memory_space<vmem>>, vector<128x128xf32>
    %dot_general3A = arith.constant dense<0.000000e+00> : vector<1x128xf32>
    %dot_general3A_5 = tpu.matmul %get3A_1, %get3A_4, %dot_general3A {dimension_numbers = #tpu.dot_dimension_numbers<[1], [0], [0], [1], [0, 0, 1, 1], [], []>, transpose_lhs_hint = false} : vector<1x128xf32>, vector<128x128xf32>, vector<1x128xf32> -> vector<1x128xf32>
    %get3A_6 = arith.constant 0 : index
    %get3A_7 = arith.constant 0 : index
    %get3A_8 = vector.load %arg3[%get3A_6, %get3A_7] : memref<1x128xf32, #tpu.memory_space<vmem>>, vector<1x128xf32>
    %add3A = arith.addf %dot_general3A_5, %get3A_8 : vector<1x128xf32>
    %get3A_9 = arith.constant 0 : index
    %get3A_10 = arith.constant 0 : index
    %get3A_11 = arith.constant 0 : index
    %get3A_12 = vector.load %arg7[%get3A_9, %get3A_10, %get3A_11] : memref<2x1000x128xf32, #tpu.memory_space<vmem>>, vector<1x1000x128xf32>
    %get3A_13 = vector.shape_cast %get3A_12 : vector<1x1000x128xf32> to vector<1000x128xf32>
    %get3A_14 = arith.constant 1 : index
    %get3A_15 = arith.constant 0 : index
    %get3A_16 = arith.constant 0 : index
    %get3A_17 = vector.load %arg7[%get3A_14, %get3A_15, %get3A_16] : memref<2x1000x128xf32, #tpu.memory_space<vmem>>, vector<1x1000x128xf32>
    %get3A_18 = vector.shape_cast %get3A_17 : vector<1x1000x128xf32> to vector<1000x128xf32>
    %add3A_19 = arith.addf %get3A_13, %get3A_18 : vector<1000x128xf32>
    %get3A_20 = arith.constant 0 : index
    %get3A_21 = arith.constant 0 : index
    %get3A_22 = arith.constant 0 : index
    %get3A_23 = vector.load %arg6[%get3A_20, %get3A_21, %get3A_22] : memref<2x1000x128xf32, #tpu.memory_space<vmem>>, vector<1x1000x128xf32>
    %get3A_24 = vector.shape_cast %get3A_23 : vector<1x1000x128xf32> to vector<1000x128xf32>
    %add3A_25 = arith.addf %add3A_19, %get3A_24 : vector<1000x128xf32>
    %get3A_26 = arith.constant 1 : index
    %get3A_27 = arith.constant 0 : index
    %get3A_28 = arith.constant 0 : index
    %get3A_29 = vector.load %arg6[%get3A_26, %get3A_27, %get3A_28] : memref<2x1000x128xf32, #tpu.memory_space<vmem>>, vector<1x1000x128xf32>
    %get3A_30 = vector.shape_cast %get3A_29 : vector<1x1000x128xf32> to vector<1000x128xf32>
    %add3A_31 = arith.addf %add3A_25, %get3A_30 : vector<1000x128xf32>
    %add3A_32 = vector.broadcast %add3A : vector<1x128xf32> to vector<1000x128xf32>
    %add3A_33 = arith.addf %add3A_31, %add3A_32 : vector<1000x128xf32>
    %max3A = arith.constant 0.000000e+00 : f32
    %max3A_34 = vector.broadcast %max3A : f32 to vector<1000x128xf32>
    %max3A_35 = arith.maximumf %add3A_33, %max3A_34 : vector<1000x128xf32>
    %get3A_36 = arith.constant 0 : index
    %get3A_37 = arith.constant 0 : index
    %get3A_38 = vector.load %arg4[%get3A_36, %get3A_37] : memref<128x128xf32, #tpu.memory_space<vmem>>, vector<128x128xf32>
    %dot_general3A_39 = arith.constant dense<0.000000e+00> : vector<1000x128xf32>
    %dot_general3A_40 = tpu.matmul %max3A_35, %get3A_38, %dot_general3A_39 {dimension_numbers = #tpu.dot_dimension_numbers<[1], [0], [0], [1], [0, 0, 1, 1], [], []>, transpose_lhs_hint = false} : vector<1000x128xf32>, vector<128x128xf32>, vector<1000x128xf32> -> vector<1000x128xf32>
    %get3A_41 = arith.constant 0 : index
    %get3A_42 = arith.constant 0 : index
    %get3A_43 = vector.load %arg5[%get3A_41, %get3A_42] : memref<1x128xf32, #tpu.memory_space<vmem>>, vector<1x128xf32>
    %add3A_44 = vector.broadcast %get3A_43 : vector<1x128xf32> to vector<1000x128xf32>
    %add3A_45 = arith.addf %dot_general3A_40, %add3A_44 : vector<1000x128xf32>
    %swap3A = arith.constant 0 : index
    %swap3A_46 = arith.constant 0 : index
    %swap3A_47 = vector.load %arg8[%swap3A, %swap3A_46] : memref<1000x128xf32, #tpu.memory_space<vmem>>, vector<1000x128xf32>
    tpu.vector_store %arg8[%swap3A, %swap3A_46], %add3A_45 {strides = array<i32>} : memref<1000x128xf32, #tpu.memory_space<vmem>>, vector<1000x128xf32>,
    return
  }
  func.func @transform_0(%arg0: i32) -> (i32, i32) {
    %c0_i32 = arith.constant 0 : i32
    %c0_i32_0 = arith.constant 0 : i32
    %c0_i32_1 = arith.constant 0 : i32
    return %c0_i32, %c0_i32_0 : i32, i32
  }
  func.func @transform_1(%arg0: i32) -> (i32, i32) {
    %c0_i32 = arith.constant 0 : i32
    %c0_i32_0 = arith.constant 0 : i32
    %c0_i32_1 = arith.constant 0 : i32
    return %c0_i32, %c0_i32_0 : i32, i32
  }
  func.func @transform_2(%arg0: i32) -> (i32, i32) {
    %c0_i32 = arith.constant 0 : i32
    %c0_i32_0 = arith.constant 0 : i32
    %c0_i32_1 = arith.constant 0 : i32
    return %c0_i32, %c0_i32_0 : i32, i32
  }
  func.func @transform_3(%arg0: i32) -> (i32, i32) {
    %c0_i32 = arith.constant 0 : i32
    %c0_i32_0 = arith.constant 0 : i32
    %c0_i32_1 = arith.constant 0 : i32
    return %c0_i32, %c0_i32_0 : i32, i32
  }
  func.func @transform_4(%arg0: i32) -> (i32, i32) {
    %c0_i32 = arith.constant 0 : i32
    %c0_i32_0 = arith.constant 0 : i32
    %c0_i32_1 = arith.constant 0 : i32
    return %c0_i32, %c0_i32_0 : i32, i32
  }
  func.func @transform_5(%arg0: i32) -> (i32, i32, i32) {
    %c0_i32 = arith.constant 0 : i32
    %c0_i32_0 = arith.constant 0 : i32
    %c0_i32_1 = arith.constant 0 : i32
    return %c0_i32, %arg0, %c0_i32_0 : i32, i32, i32
  }
  func.func @transform_6(%arg0: i32) -> (i32, i32, i32) {
    %c0_i32 = arith.constant 0 : i32
    %c0_i32_0 = arith.constant 0 : i32
    %c0_i32_1 = arith.constant 0 : i32
    return %c0_i32, %arg0, %c0_i32_0 : i32, i32, i32
  }
  func.func @transform_7(%arg0: i32) -> (i32, i32) {
    %c0_i32 = arith.constant 0 : i32
    %c0_i32_0 = arith.constant 0 : i32
    return %arg0, %c0_i32 : i32, i32
  }
}

module attributes {stable_mosaic.version = 14 : i64} {
  func.func @_tc_mid_body(%arg0: i32, %arg1: memref<2x1000x128xf32, #tpu.memory_space<vmem>>, %arg2: memref<2x1000x128xf32, #tpu.memory_space<vmem>>, %arg3: memref<1000x128xf32, #tpu.memory_space<vmem>>, %arg4: memref<128x128xf32, #tpu.memory_space<vmem>>, %arg5: memref<1x128xf32, #tpu.memory_space<vmem>>, %arg6: memref<1000x128xf32, #tpu.memory_space<vmem>>) attributes {dimension_semantics = [#tpu.dimension_semantics<arbitrary>], iteration_bounds = array<i64: 10>, scalar_prefetch = 0 : i64, scratch_operands = 0 : i64, tpu.core_type = #tpu.core_type<tc>, window_params = [{transform_indices = @transform_0, window_bounds = array<i64: 2, 1000, 128>}, {transform_indices = @transform_1, window_bounds = array<i64: 2, 1000, 128>}, {transform_indices = @transform_2, window_bounds = array<i64: 1000, 128>}, {pipeline_mode = #tpu.pipeline_mode<synchronous>, transform_indices = @transform_3, window_bounds = array<i64: 128, 128>}, {pipeline_mode = #tpu.pipeline_mode<synchronous>, transform_indices = @transform_4, window_bounds = array<i64: 1, 128>}, {transform_indices = @transform_5, window_bounds = array<i64: 1000, 128>}]} {
    %get3A = arith.constant 0 : index
    %get3A_0 = arith.constant 0 : index
    %get3A_1 = arith.constant 0 : index
    %get3A_2 = vector.load %arg1[%get3A, %get3A_0, %get3A_1] : memref<2x1000x128xf32, #tpu.memory_space<vmem>>, vector<1x1000x128xf32>
    %get3A_3 = vector.shape_cast %get3A_2 : vector<1x1000x128xf32> to vector<1000x128xf32>
    %get3A_4 = arith.constant 1 : index
    %get3A_5 = arith.constant 0 : index
    %get3A_6 = arith.constant 0 : index
    %get3A_7 = vector.load %arg1[%get3A_4, %get3A_5, %get3A_6] : memref<2x1000x128xf32, #tpu.memory_space<vmem>>, vector<1x1000x128xf32>
    %get3A_8 = vector.shape_cast %get3A_7 : vector<1x1000x128xf32> to vector<1000x128xf32>
    %add3A = arith.addf %get3A_3, %get3A_8 : vector<1000x128xf32>
    %get3A_9 = arith.constant 0 : index
    %get3A_10 = arith.constant 0 : index
    %get3A_11 = arith.constant 0 : index
    %get3A_12 = vector.load %arg2[%get3A_9, %get3A_10, %get3A_11] : memref<2x1000x128xf32, #tpu.memory_space<vmem>>, vector<1x1000x128xf32>
    %get3A_13 = vector.shape_cast %get3A_12 : vector<1x1000x128xf32> to vector<1000x128xf32>
    %add3A_14 = arith.addf %add3A, %get3A_13 : vector<1000x128xf32>
    %get3A_15 = arith.constant 1 : index
    %get3A_16 = arith.constant 0 : index
    %get3A_17 = arith.constant 0 : index
    %get3A_18 = vector.load %arg2[%get3A_15, %get3A_16, %get3A_17] : memref<2x1000x128xf32, #tpu.memory_space<vmem>>, vector<1x1000x128xf32>
    %get3A_19 = vector.shape_cast %get3A_18 : vector<1x1000x128xf32> to vector<1000x128xf32>
    %add3A_20 = arith.addf %add3A_14, %get3A_19 : vector<1000x128xf32>
    %get3A_21 = arith.constant 0 : index
    %get3A_22 = arith.constant 0 : index
    %get3A_23 = vector.load %arg3[%get3A_21, %get3A_22] : memref<1000x128xf32, #tpu.memory_space<vmem>>, vector<1000x128xf32>
    %add3A_24 = arith.addf %add3A_20, %get3A_23 : vector<1000x128xf32>
    %max3A = arith.constant 0.000000e+00 : f32
    %max3A_25 = vector.broadcast %max3A : f32 to vector<1000x128xf32>
    %max3A_26 = arith.maximumf %add3A_24, %max3A_25 : vector<1000x128xf32>
    %get3A_27 = arith.constant 0 : index
    %get3A_28 = arith.constant 0 : index
    %get3A_29 = vector.load %arg4[%get3A_27, %get3A_28] : memref<128x128xf32, #tpu.memory_space<vmem>>, vector<128x128xf32>
    %dot_general3A = arith.constant dense<0.000000e+00> : vector<1000x128xf32>
    %dot_general3A_30 = tpu.matmul %max3A_26, %get3A_29, %dot_general3A {dimension_numbers = #tpu.dot_dimension_numbers<[1], [0], [0], [1], [0, 0, 1, 1], [], []>, transpose_lhs_hint = false} : vector<1000x128xf32>, vector<128x128xf32>, vector<1000x128xf32> -> vector<1000x128xf32>
    %get3A_31 = arith.constant 0 : index
    %get3A_32 = arith.constant 0 : index
    %get3A_33 = vector.load %arg5[%get3A_31, %get3A_32] : memref<1x128xf32, #tpu.memory_space<vmem>>, vector<1x128xf32>
    %add3A_34 = vector.broadcast %get3A_33 : vector<1x128xf32> to vector<1000x128xf32>
    %add3A_35 = arith.addf %dot_general3A_30, %add3A_34 : vector<1000x128xf32>
    %swap3A = arith.constant 0 : index
    %swap3A_36 = arith.constant 0 : index
    %swap3A_37 = vector.load %arg6[%swap3A, %swap3A_36] : memref<1000x128xf32, #tpu.memory_space<vmem>>, vector<1000x128xf32>
    tpu.vector_store %arg6[%swap3A, %swap3A_36], %add3A_35 {strides = array<i32>} : memref<1000x128xf32, #tpu.memory_space<vmem>>, vector<1000x128xf32>,
    return
  }
  func.func @transform_0(%arg0: i32) -> (i32, i32, i32) {
    %c0_i32 = arith.constant 0 : i32
    %c0_i32_0 = arith.constant 0 : i32
    %c0_i32_1 = arith.constant 0 : i32
    return %c0_i32, %arg0, %c0_i32_0 : i32, i32, i32
  }
  func.func @transform_1(%arg0: i32) -> (i32, i32, i32) {
    %c0_i32 = arith.constant 0 : i32
    %c0_i32_0 = arith.constant 0 : i32
    %c0_i32_1 = arith.constant 0 : i32
    return %c0_i32, %arg0, %c0_i32_0 : i32, i32, i32
  }
  func.func @transform_2(%arg0: i32) -> (i32, i32) {
    %c0_i32 = arith.constant 0 : i32
    %c0_i32_0 = arith.constant 0 : i32
    return %arg0, %c0_i32 : i32, i32
  }
  func.func @transform_3(%arg0: i32) -> (i32, i32) {
    %c0_i32 = arith.constant 0 : i32
    %c0_i32_0 = arith.constant 0 : i32
    %c0_i32_1 = arith.constant 0 : i32
    return %c0_i32, %c0_i32_0 : i32, i32
  }
  func.func @transform_4(%arg0: i32) -> (i32, i32) {
    %c0_i32 = arith.constant 0 : i32
    %c0_i32_0 = arith.constant 0 : i32
    %c0_i32_1 = arith.constant 0 : i32
    return %c0_i32, %c0_i32_0 : i32, i32
  }
  func.func @transform_5(%arg0: i32) -> (i32, i32) {
    %c0_i32 = arith.constant 0 : i32
    %c0_i32_0 = arith.constant 0 : i32
    return %arg0, %c0_i32 : i32, i32
  }
}

module attributes {stable_mosaic.version = 14 : i64} {
  func.func @_tc_final_body(%arg0: i32, %arg1: memref<2x1000x128xf32, #tpu.memory_space<vmem>>, %arg2: memref<2x1000x128xf32, #tpu.memory_space<vmem>>, %arg3: memref<1000x128xf32, #tpu.memory_space<vmem>>, %arg4: memref<1000x1xi32, #tpu.memory_space<vmem>>, %arg5: memref<128x40xf32, #tpu.memory_space<vmem>>, %arg6: memref<1x40xf32, #tpu.memory_space<vmem>>, %arg7: memref<128x40xf32, #tpu.memory_space<vmem>>, %arg8: memref<128x128xf32, #tpu.memory_space<vmem>>, %arg9: memref<128x128xf32, #tpu.memory_space<vmem>>) attributes {dimension_semantics = [#tpu.dimension_semantics<arbitrary>], iteration_bounds = array<i64: 10>, scalar_prefetch = 0 : i64, scratch_operands = 2 : i64, tpu.core_type = #tpu.core_type<tc>, window_params = [{transform_indices = @transform_0, window_bounds = array<i64: 2, 1000, 128>}, {transform_indices = @transform_1, window_bounds = array<i64: 2, 1000, 128>}, {transform_indices = @transform_2, window_bounds = array<i64: 1000, 128>}, {transform_indices = @transform_3, window_bounds = array<i64: 1000, 1>}, {pipeline_mode = #tpu.pipeline_mode<synchronous>, transform_indices = @transform_4, window_bounds = array<i64: 128, 40>}, {pipeline_mode = #tpu.pipeline_mode<synchronous>, transform_indices = @transform_5, window_bounds = array<i64: 1, 40>}, {pipeline_mode = #tpu.pipeline_mode<synchronous>, transform_indices = @transform_6, window_bounds = array<i64: 128, 40>}]} {
    %eq3A = arith.constant 0 : i32
    %eq3A_0 = arith.cmpi eq, %arg0, %eq3A : i32
    %convert_element_type3A = arith.extui %eq3A_0 : i1 to i32
    %cond3A = arith.constant 0 : i32
    %cond3A_1 = arith.cmpi ne, %convert_element_type3A, %cond3A : i32
    scf.if %cond3A_1 {
      %broadcast_in_dim3A_56 = arith.constant 0.000000e+00 : f32
      %broadcast_in_dim3A_57 = vector.broadcast %broadcast_in_dim3A_56 : f32 to vector<128x128xf32>
      %swap3A_58 = arith.constant 0 : index
      %swap3A_59 = arith.constant 0 : index
      %swap3A_60 = vector.load %arg8[%swap3A_58, %swap3A_59] : memref<128x128xf32, #tpu.memory_space<vmem>>, vector<128x128xf32>
      tpu.vector_store %arg8[%swap3A_58, %swap3A_59], %broadcast_in_dim3A_57 {strides = array<i32>} : memref<128x128xf32, #tpu.memory_space<vmem>>, vector<128x128xf32>,
      %broadcast_in_dim3A_61 = arith.constant 0.000000e+00 : f32
      %broadcast_in_dim3A_62 = vector.broadcast %broadcast_in_dim3A_61 : f32 to vector<128x128xf32>
      %swap3A_63 = arith.constant 0 : index
      %swap3A_64 = arith.constant 0 : index
      %swap3A_65 = vector.load %arg9[%swap3A_63, %swap3A_64] : memref<128x128xf32, #tpu.memory_space<vmem>>, vector<128x128xf32>
      tpu.vector_store %arg9[%swap3A_63, %swap3A_64], %broadcast_in_dim3A_62 {strides = array<i32>} : memref<128x128xf32, #tpu.memory_space<vmem>>, vector<128x128xf32>,
    } else {
    }
    %get3A = arith.constant 0 : index
    %get3A_2 = arith.constant 0 : index
    %get3A_3 = arith.constant 0 : index
    %get3A_4 = vector.load %arg1[%get3A, %get3A_2, %get3A_3] : memref<2x1000x128xf32, #tpu.memory_space<vmem>>, vector<1x1000x128xf32>
    %get3A_5 = vector.shape_cast %get3A_4 : vector<1x1000x128xf32> to vector<1000x128xf32>
    %get3A_6 = arith.constant 1 : index
    %get3A_7 = arith.constant 0 : index
    %get3A_8 = arith.constant 0 : index
    %get3A_9 = vector.load %arg1[%get3A_6, %get3A_7, %get3A_8] : memref<2x1000x128xf32, #tpu.memory_space<vmem>>, vector<1x1000x128xf32>
    %get3A_10 = vector.shape_cast %get3A_9 : vector<1x1000x128xf32> to vector<1000x128xf32>
    %add3A = arith.addf %get3A_5, %get3A_10 : vector<1000x128xf32>
    %get3A_11 = arith.constant 0 : index
    %get3A_12 = arith.constant 0 : index
    %get3A_13 = arith.constant 0 : index
    %get3A_14 = vector.load %arg2[%get3A_11, %get3A_12, %get3A_13] : memref<2x1000x128xf32, #tpu.memory_space<vmem>>, vector<1x1000x128xf32>
    %get3A_15 = vector.shape_cast %get3A_14 : vector<1x1000x128xf32> to vector<1000x128xf32>
    %add3A_16 = arith.addf %add3A, %get3A_15 : vector<1000x128xf32>
    %get3A_17 = arith.constant 1 : index
    %get3A_18 = arith.constant 0 : index
    %get3A_19 = arith.constant 0 : index
    %get3A_20 = vector.load %arg2[%get3A_17, %get3A_18, %get3A_19] : memref<2x1000x128xf32, #tpu.memory_space<vmem>>, vector<1x1000x128xf32>
    %get3A_21 = vector.shape_cast %get3A_20 : vector<1x1000x128xf32> to vector<1000x128xf32>
    %add3A_22 = arith.addf %add3A_16, %get3A_21 : vector<1000x128xf32>
    %get3A_23 = arith.constant 0 : index
    %get3A_24 = arith.constant 0 : index
    %get3A_25 = vector.load %arg3[%get3A_23, %get3A_24] : memref<1000x128xf32, #tpu.memory_space<vmem>>, vector<1000x128xf32>
    %add3A_26 = arith.addf %add3A_22, %get3A_25 : vector<1000x128xf32>
    %get3A_27 = arith.constant 0 : index
    %get3A_28 = arith.constant 0 : index
    %get3A_29 = vector.load %arg4[%get3A_27, %get3A_28] : memref<1000x1xi32, #tpu.memory_space<vmem>>, vector<1000x1xi32>
    %iota3A = tpu.iota {dimensions = array<i32: 1>} : vector<1000x128xi32>
    %eq3A_30 = vector.broadcast %get3A_29 : vector<1000x1xi32> to vector<1000x128xi32>
    %eq3A_31 = arith.cmpi eq, %eq3A_30, %iota3A : vector<1000x128xi32>
    %convert_element_type3A_32 = arith.extui %eq3A_31 : vector<1000x128xi1> to vector<1000x128xi32>
    %convert_element_type3A_33 = arith.sitofp %convert_element_type3A_32 : vector<1000x128xi32> to vector<1000x128xf32>
    %get3A_34 = arith.constant 0 : index
    %get3A_35 = arith.constant 0 : index
    %get3A_36 = vector.load %arg8[%get3A_34, %get3A_35] : memref<128x128xf32, #tpu.memory_space<vmem>>, vector<128x128xf32>
    %dot_general3A = arith.constant dense<0.000000e+00> : vector<128x128xf32>
    %dot_general3A_37 = tpu.matmul %convert_element_type3A_33, %add3A_26, %dot_general3A {dimension_numbers = #tpu.dot_dimension_numbers<[0], [0], [1], [1], [0, 1, 1, 1], [], []>, transpose_lhs_hint = false} : vector<1000x128xf32>, vector<1000x128xf32>, vector<128x128xf32> -> vector<128x128xf32>
    %add3A_38 = arith.addf %get3A_36, %dot_general3A_37 : vector<128x128xf32>
    %swap3A = arith.constant 0 : index
    %swap3A_39 = arith.constant 0 : index
    %swap3A_40 = vector.load %arg8[%swap3A, %swap3A_39] : memref<128x128xf32, #tpu.memory_space<vmem>>, vector<128x128xf32>
    tpu.vector_store %arg8[%swap3A, %swap3A_39], %add3A_38 {strides = array<i32>} : memref<128x128xf32, #tpu.memory_space<vmem>>, vector<128x128xf32>,
    %get3A_41 = arith.constant 0 : index
    %get3A_42 = arith.constant 0 : index
    %get3A_43 = vector.load %arg9[%get3A_41, %get3A_42] : memref<128x128xf32, #tpu.memory_space<vmem>>, vector<128x128xf32>
    %broadcast_in_dim3A = arith.constant 1.000000e+00 : f32
    %broadcast_in_dim3A_44 = vector.broadcast %broadcast_in_dim3A : f32 to vector<1000x128xf32>
    %dot_general3A_45 = arith.constant dense<0.000000e+00> : vector<128x128xf32>
    %dot_general3A_46 = tpu.matmul %convert_element_type3A_33, %broadcast_in_dim3A_44, %dot_general3A_45 {dimension_numbers = #tpu.dot_dimension_numbers<[0], [0], [1], [1], [0, 1, 1, 1], [], []>, transpose_lhs_hint = false} : vector<1000x128xf32>, vector<1000x128xf32>, vector<128x128xf32> -> vector<128x128xf32>
    %add3A_47 = arith.addf %get3A_43, %dot_general3A_46 : vector<128x128xf32>
    %swap3A_48 = arith.constant 0 : index
    %swap3A_49 = arith.constant 0 : index
    %swap3A_50 = vector.load %arg9[%swap3A_48, %swap3A_49] : memref<128x128xf32, #tpu.memory_space<vmem>>, vector<128x128xf32>
    tpu.vector_store %arg9[%swap3A_48, %swap3A_49], %add3A_47 {strides = array<i32>} : memref<128x128xf32, #tpu.memory_space<vmem>>, vector<128x128xf32>,
    %eq3A_51 = arith.constant 9 : i32
    %eq3A_52 = arith.cmpi eq, %arg0, %eq3A_51 : i32
    %convert_element_type3A_53 = arith.extui %eq3A_52 : i1 to i32
    %cond3A_54 = arith.constant 0 : i32
    %cond3A_55 = arith.cmpi ne, %convert_element_type3A_53, %cond3A_54 : i32
    scf.if %cond3A_55 {
      %get3A_56 = arith.constant 0 : index
      %get3A_57 = arith.constant 0 : index
      %get3A_58 = vector.load %arg8[%get3A_56, %get3A_57] : memref<128x128xf32, #tpu.memory_space<vmem>>, vector<128x128xf32>
      %get3A_59 = arith.constant 0 : index
      %get3A_60 = arith.constant 0 : index
      %get3A_61 = vector.load %arg9[%get3A_59, %get3A_60] : memref<128x128xf32, #tpu.memory_space<vmem>>, vector<128x128xf32>
      %max3A = arith.constant 1.000000e+00 : f32
      %max3A_62 = vector.broadcast %max3A : f32 to vector<128x128xf32>
      %max3A_63 = arith.maximumf %get3A_61, %max3A_62 : vector<128x128xf32>
      %div3A = arith.divf %get3A_58, %max3A_63 : vector<128x128xf32>
      %get3A_64 = arith.constant 0 : index
      %get3A_65 = arith.constant 0 : index
      %get3A_66 = vector.load %arg5[%get3A_64, %get3A_65] : memref<128x40xf32, #tpu.memory_space<vmem>>, vector<128x40xf32>
      %dot_general3A_67 = arith.constant dense<0.000000e+00> : vector<128x40xf32>
      %dot_general3A_68 = tpu.matmul %div3A, %get3A_66, %dot_general3A_67 {dimension_numbers = #tpu.dot_dimension_numbers<[1], [0], [0], [1], [0, 0, 1, 1], [], []>, transpose_lhs_hint = false} : vector<128x128xf32>, vector<128x40xf32>, vector<128x40xf32> -> vector<128x40xf32>
      %get3A_69 = arith.constant 0 : index
      %get3A_70 = arith.constant 0 : index
      %get3A_71 = vector.load %arg6[%get3A_69, %get3A_70] : memref<1x40xf32, #tpu.memory_space<vmem>>, vector<1x40xf32>
      %add3A_72 = vector.broadcast %get3A_71 : vector<1x40xf32> to vector<128x40xf32>
      %add3A_73 = arith.addf %dot_general3A_68, %add3A_72 : vector<128x40xf32>
      %swap3A_74 = arith.constant 0 : index
      %swap3A_75 = arith.constant 0 : index
      %swap3A_76 = vector.load %arg7[%swap3A_74, %swap3A_75] : memref<128x40xf32, #tpu.memory_space<vmem>>, vector<128x40xf32>
      tpu.vector_store %arg7[%swap3A_74, %swap3A_75], %add3A_73 {strides = array<i32>} : memref<128x40xf32, #tpu.memory_space<vmem>>, vector<128x40xf32>,
    } else {
    }
    return
  }
  func.func @transform_0(%arg0: i32) -> (i32, i32, i32) {
    %c0_i32 = arith.constant 0 : i32
    %c0_i32_0 = arith.constant 0 : i32
    %c0_i32_1 = arith.constant 0 : i32
    return %c0_i32, %arg0, %c0_i32_0 : i32, i32, i32
  }
  func.func @transform_1(%arg0: i32) -> (i32, i32, i32) {
    %c0_i32 = arith.constant 0 : i32
    %c0_i32_0 = arith.constant 0 : i32
    %c0_i32_1 = arith.constant 0 : i32
    return %c0_i32, %arg0, %c0_i32_0 : i32, i32, i32
  }
  func.func @transform_2(%arg0: i32) -> (i32, i32) {
    %c0_i32 = arith.constant 0 : i32
    %c0_i32_0 = arith.constant 0 : i32
    return %arg0, %c0_i32 : i32, i32
  }
  func.func @transform_3(%arg0: i32) -> (i32, i32) {
    %c0_i32 = arith.constant 0 : i32
    %c0_i32_0 = arith.constant 0 : i32
    return %arg0, %c0_i32 : i32, i32
  }
  func.func @transform_4(%arg0: i32) -> (i32, i32) {
    %c0_i32 = arith.constant 0 : i32
    %c0_i32_0 = arith.constant 0 : i32
    %c0_i32_1 = arith.constant 0 : i32
    return %c0_i32, %c0_i32_0 : i32, i32
  }
  func.func @transform_5(%arg0: i32) -> (i32, i32) {
    %c0_i32 = arith.constant 0 : i32
    %c0_i32_0 = arith.constant 0 : i32
    %c0_i32_1 = arith.constant 0 : i32
    return %c0_i32, %c0_i32_0 : i32, i32
  }
  func.func @transform_6(%arg0: i32) -> (i32, i32) {
    %c0_i32 = arith.constant 0 : i32
    %c0_i32_0 = arith.constant 0 : i32
    %c0_i32_1 = arith.constant 0 : i32
    return %c0_i32, %c0_i32_0 : i32, i32
  }
}

</mosaic_0001>

<sc_bundles>
// kernel: kernel.11.cloned.1.call-start
scs
__scs_entry_jumppad:
0x0: {  	(pc) =	sbr.rel $0x88, $3  }
0x1: {  	(tag) =	ssettag $0x0;
	lr =	simm.s32 $0x1  }
0x2: {  	[smem:$0x3F99] =	sst lr;
	_ =	strace $0xD0000000  }
0x3: {  	_ = 	snop  }
0x4: {  	_ = 	snop  }
0x5: {  	_ = 	snop  }
0x6: {  	_ = 	snop  }
0x7: {  	_ = 	snop  }
__scs_overlays_trampoline_lowered:
0x8: {  	[smem:$0x3FA8] =	sst s0  }
0x9: {  	[smem:$0x3FA9] =	sst s1  }
0xa: {  	[smem:$0x3FAA] =	sst s2  }
0xb: {  	[smem:$0x3FAB] =	sst s3  }
0xc: {  	[smem:$0x3FAC] =	sst s4  }
0xd: {  	[smem:$0x3FAD] =	sst s5  }
0xe: {  	[smem:$0x3FAE] =	sst s6  }
0xf: {  	[smem:$0x3FAF] =	sst s7  }
0x10: {  	[smem:$0x3FB0] =	sst s8  }
0x11: {  	[smem:$0x3FB1] =	sst s9;
	s0 =	simm.s32 @!p0 $0x0  }
0x12: {  	s1 =	sld [smem:$0x3F97];
	s0 =	simm.s32 @p0 $0x1  }
0x13: {  	[smem:$0x3FB2] =	sst s0;
	s0 =	simm.s32 @!p1 $0x0  }
0x14: {  	s2 =	sld [smem:$0x3F96];
	s0 =	simm.s32 @p1 $0x1  }
0x15: {  	[smem:$0x3FB3] =	sst s0;
	s0 =	simm.s32 @!p2 $0x0  }
0x16: {  	s3 =	sld [smem:$0x3FDB];
	s0 =	simm.s32 @p2 $0x1  }
0x17: {  	s4 =	simm.s32 $0x1BF5;
	[smem:$0x3FB5] =	sst s0  }
0x18: {  	s0 =	sld [smem:$0x3F98];
	_ =	swait.ge [sflag:s4], $0x0  }
0x19: {  	s7 =	sld [smem:$0x3F99]  }
0x1a: {  	s8 =	sadd.s32 $0xFFFFE003, lr  }
0x1b: {  	s9 =	sadd.s32 $0xFFFFFEF7, lr;
	s5 =	simm.s32 $0xFFFFFFFF;
	p2 =	slt.u32 s8, $0xFFFFF086  }
0x1c: {  	p1 =	slt.u32 s9, $0xF7A;
	s5 =	simm.s32 @!p2 $0x0  }
0x1d: {  	s5 =	simm.s32 @p1 $0x1;
	p0 =	seq.s32 s7, s2  }
0x1e: {  	s7 =	smul.u32 @!p0 $0xF7A, s2;
	p2 =	seq.s32 @!p0 s5, $0x0  }
0x1f: {  	s9 =	smul.u32 $0xF7A, s1;
	s8 =	simm.s32 @!p0 $0x1BF5;
	p2 =	por !p2, p0  }
0x20: {  	[sflag:s8] =	ssyncset.s32 @!p0 $0xFFFFF086;
	s6 =	sadd.s32 @!p0 s3, s7;
	s7 =	simm.s32 @!p0 $0x108  }
0x21: {  	s3 =	sadd.s32 s3, s9;
	s6 =	sadd.s32 @!p0 $0x88, s6;
	s7 =	simm.s32 @p2 $0x1082  }
0x22: {  	[simem:s7], [sflag:s8] =	dma.local @!p0 [hbm:s6], $0xF7A  }
0x23: {  	s9 =	sor.u32 $0xD0000000, s2;
	s6 =	simm.s32 $0x108;
	_ =	swait.ge @!p0 [sflag:s8], $0x0  }
0x24: {  	s3 =	sadd.s32 $0x88, s3;
	s6 =	simm.s32 @!p1 $0x1082;
	[sflag:s4] =	ssyncset.s32 $0xFFFFF086  }
0x25: {  	[simem:s6], [sflag:s4] =	dma.local [hbm:s3], $0xF7A  }
0x26: {  	[smem:$0x3F99] =	sst s1;
	(tag) =	ssettag s2;
	_ =	strace s9  }
0x27: {  	s1 =	sld [smem:$0x3FA9]  }
0x28: {  	s2 =	sld [smem:$0x3FAA]  }
0x29: {  	s4 =	sld [smem:$0x3FAC]  }
0x2a: {  	p0 =	seq.s32 s5, $0x0;
	s5 =	sld [smem:$0x3FAD]  }
0x2b: {  	s6 =	sld [smem:$0x3FAE]  }
0x2c: {  	s7 =	sld [smem:$0x3FAF]  }
0x2d: {  	s3 =	simm.s32 $0x108;
	s8 =	sld [smem:$0x3FB0]  }
0x2e: {  	s3 =	simm.s32 @!p0 $0x1082;
	s9 =	sld [smem:$0x3FB1]  }
0x2f: {  	lr =	sadd.s32 s0, s3;
	s0 =	sld [smem:$0x3FA8]  }
0x30: {  	s3 =	sld [smem:$0x3FAB]  }
0x31: {  	[smem:$0x3FB4] =	sst s10  }
0x32: {  	s10 =	sld [smem:$0x3FB2];
	_ =	sdelay $0x3  }
0x33: {  	p0 =	seq.s32 s10, $0x1;
	s10 =	sld [smem:$0x3FB4];
	_ =	sdelay $0x3  }
0x34: {  	[smem:$0x3FB4] =	sst s10  }
0x35: {  	s10 =	sld [smem:$0x3FB3];
	_ =	sdelay $0x3  }
0x36: {  	p1 =	seq.s32 s10, $0x1;
	s10 =	sld [smem:$0x3FB4];
	_ =	sdelay $0x3  }
0x37: {  	[smem:$0x3FB4] =	sst s10  }
0x38: {  	s10 =	sld [smem:$0x3FB5]  }
0x39: {  	_ = 	snop;
	(pc) =	sbr.ind lr, $3  }
0x3a: {  	_ = 	snop  }
0x3b: {  	_ = 	snop  }
0x3c: {  	p2 =	seq.s32 s10, $0x1;
	s10 =	sld [smem:$0x3FB4]  }
0x3d: {  	_ =	shalt  }
0x3e: {  	_ =	shalt  }
0x3f: {  	_ =	shalt  }
0x40: {  	_ =	shalt  }
0x41: {  	_ =	shalt  }
0x42: {  	_ =	shalt  }
0x43: {  	_ =	shalt  }
0x44: {  	_ =	shalt  }
0x45: {  	_ =	shalt  }
0x46: {  	_ =	shalt  }
0x47: {  	_ =	shalt  }
0x48: {  	_ =	shalt  }
0x49: {  	_ =	shalt  }
0x4a: {  	_ =	shalt  }
0x4b: {  	_ =	shalt  }
0x4c: {  	_ =	shalt  }
0x4d: {  	_ =	shalt  }
0x4e: {  	_ =	shalt  }
0x4f: {  	_ =	shalt  }
0x50: {  	_ =	shalt  }
0x51: {  	_ =	shalt  }
0x52: {  	_ =	shalt  }
0x53: {  	_ =	shalt  }
0x54: {  	_ =	shalt  }
0x55: {  	_ =	shalt  }
0x56: {  	_ =	shalt  }
0x57: {  	_ =	shalt  }
0x58: {  	_ =	shalt  }
0x59: {  	_ =	shalt  }
0x5a: {  	_ =	shalt  }
0x5b: {  	_ =	shalt  }
0x5c: {  	_ =	shalt  }
0x5d: {  	_ =	shalt  }
0x5e: {  	_ =	shalt  }
0x5f: {  	_ =	shalt  }
0x60: {  	_ =	shalt  }
0x61: {  	_ =	shalt  }
0x62: {  	_ =	shalt  }
0x63: {  	_ =	shalt  }
0x64: {  	_ =	shalt  }
0x65: {  	_ =	shalt  }
0x66: {  	_ =	shalt  }
0x67: {  	_ =	shalt  }
0x68: {  	_ =	shalt  }
0x69: {  	_ =	shalt  }
0x6a: {  	_ =	shalt  }
0x6b: {  	_ =	shalt  }
0x6c: {  	_ =	shalt  }
0x6d: {  	_ =	shalt  }
0x6e: {  	_ =	shalt  }
0x6f: {  	_ =	shalt  }
0x70: {  	_ =	shalt  }
0x71: {  	_ =	shalt  }
0x72: {  	_ =	shalt  }
0x73: {  	_ =	shalt  }
0x74: {  	_ =	shalt  }
0x75: {  	_ =	shalt  }
0x76: {  	_ =	shalt  }
0x77: {  	_ =	shalt  }
0x78: {  	_ =	shalt  }
0x79: {  	_ =	shalt  }
0x7a: {  	_ =	shalt  }
0x7b: {  	_ =	shalt  }
0x7c: {  	_ =	shalt  }
0x7d: {  	_ =	shalt  }
0x7e: {  	_ =	shalt  }
0x7f: {  	_ =	shalt  }
0x80: {  	_ =	shalt  }
0x81: {  	_ =	shalt  }
0x82: {  	_ =	shalt  }
0x83: {  	_ =	shalt  }
0x84: {  	_ =	shalt  }
0x85: {  	_ =	shalt  }
0x86: {  	_ =	shalt  }
0x87: {  	_ =	shalt  }
.Lfunc_end0:
.L_simem_size_0:
called_computation.1_lowered:
.L_overlay_start_0:
0x88: {  	s2 =	sld [smem:$0x3FD9]  }
0x89: {  	s3 =	sld [smem:$0x3FFE];
	_ =	sdelay $0x1  }
0x8a: {  	s1 =	srdreg.scid  }
0x8b: {  	s0 =	sand.u32 $0x1, s1  }
0x8c: {  	s16 =	sshll.u32 s0, $0xA;
	s2 =	sadd.s32 s3, s2  }
0x8d: {  	s2 =	sadd.s32 s2, s16  }
0x8e: {  	[smem:$0x3FC0] =	sst s2  }
0x8f: {  	_ = 	snop  }
0x90: {  	(tm) =	ssettm $0x1  }
0x91: {  	s17 =	sld [smem:$0x3FFB];
	_ =	sdelay $0x3  }
0x92: {  	_ =	strace s17  }
0x93: {  	s2 =	sld [smem:$0x3FFC];
	_ =	sdelay $0x3  }
0x94: {  	_ =	strace s2  }
0x95: {  	s2 =	sld [smem:$0x3FFD];
	_ =	sdelay $0x3  }
0x96: {  	_ =	strace s2  }
0x97: {  	_ =	strace $0x8FFFFFFF  }
0x98: {  	s18 =	sld [smem:$0x3FDB];
	_ =	sdelay $0x1  }
0x99: {  	s19 =	simm.s32 $_scs_section_size  }
0x9a: {  	s4 =	simm.s32 $_size__tile_overlayer_lowered;
	s5 =	simm.s32 $_tile_overlayer_lowered  }
0x9b: {  	s22 =	simm.s32 $0x1BFF;
	s21 =	sshll.u32 s5, $0x1;
	s2 =	sadd.s32 s19, s18  }
0x9c: {  	s6 =	simm.s32 $0x0;
	s20 =	sshll.u32 s4, $0x1;
	s4 =	sadd.s32 s21, s2  }
0x9d: {  	[timem:s6], [sflag:s22] =	dma.local [hbm:s4], s20  }
0x9e: {  	_ =	swait.ge [sflag:s22], s20  }
0x9f: {  	s3 =	ssub.s32 $0x0, s20;
	[sflag:s22] =	ssyncset.done $0x0  }
0xa0: {  	[sflag:s22] =	ssyncadd.s32 s3;
	_ =	sdelay $0x1  }
0xa1: {  	s23 =	simm.s32 $0x1B8B  }
0xa2: {  	_ =	swait.ge [sflag:s23], $0x1  }
0xa3: {  	[sflag:s23] =	ssyncset.done $0x0  }
0xa4: {  	s25 =	simm.s32 $0x1B8E;
	s24 =	sld [smem:$0x3FFE];
	[sflag:s23] =	ssyncadd.s32 $0xFFFFFFFF  }
0xa5: {  	s26 =	simm.s32 $execute0_lowered;
	[smem:$0x3FD2] =	sst s25  }
0xa6: {  	s4 =	sshll.u32 s26, $0x1;
	_ =	strace $0x80000049;
	[dreg:$0x1] =	wrdreg $0xFFFFFFFF  }
0xa7: {  	s28 =	simm.s32 $_size_execute0_lowered;
	s2 =	sadd.s32 s2, s4;
	[dreg:$0x0] =	wrdreg $0x0  }
0xa8: {  	s4 =	sshll.u32 s28, $0x1;
	[dreg:$0x2] =	wrdreg s2  }
0xa9: {  	[dreg:$0x3] =	wrdreg s4  }
0xaa: {  	[dreg:$0x4] =	wrdreg $0xC0  }
0xab: {  	_ =	task [dreg:s6], $0x5FFFF  }
0xac: {  	[dreg:$0x1] =	wrdreg $0xFFFFFFFF  }
0xad: {  	[dreg:$0x0] =	wrdreg $0x60  }
0xae: {  	[dreg:$0x2] =	wrdreg s24  }
0xaf: {  	[dreg:$0x3] =	wrdreg $0x52000  }
0xb0: {  	[dreg:$0x4] =	wrdreg $0x9  }
0xb1: {  	_ =	task.clear_ibuf [dreg:s6], $0x5FFFF;
	_ =	strace $0x90000049  }
0xb2: {  	s29 =	simm.s32 $0x9;
	_ =	strace $0x8000004B  }
0xb3: {  	_ =	swait.ge [sflag:s29], $0x1  }
0xb4: {  	[sflag:s29] =	ssyncadd.s32 $0xFFFFFFFF  }
0xb5: {  	_ =	strace $0x9000004B  }
0xb6: {  	_ =	sfence  }
0xb7: {  	s30 =	sld [smem:$0x0];
	_ =	sdelay $0x2  }
0xb8: {  	s31 =	sshll.u32 s1, $0xD;
	s1 =	sshrl.u32 s1, $0x2  }
0xb9: {  	s3 =	sand.u32 $0x4000, s31;
	s1 =	sadd.s32 s1, s30  }
0xba: {  	s0 =	sor.u32 s3, s0;
	s1 =	sshll.u32 s1, $0x11  }
0xbb: {  	s0 =	sor.u32 s1, s0  }
0xbc: {  	s0 =	sadd.s32 $0x8F2B, s0  }
0xbd: {  	[sflag:s0] =	ssyncadd.remote.s32 $0x1  }
0xbe: {  	_ =	sfence.sel $0xFFFF  }
0xbf: {  	[dreg:$0x0] =	wrdreg $0xFFFFFFFF;
	(pc) =	sbr.abs _section_cstart, $3  }
0xc0: {  	[dreg:$0x1] =	wrdreg $0xFFFFFFFF  }
0xc1: {  	_ =	task.clear_ibuf [dreg:s6], $0x2FFFF;
	_ =	strace $0x9FFFFFFF  }
0xc2: {  	(tm) =	ssettm $0x7FFFFFFF  }
0xc3: {  	_ =	shalt  }
tec
execute0_lowered:
.L_overlay_start_1:
0x0: {  	(tag) =	ssettag $0x1  }
0x1: {  	s0 =	rddreg [dreg:$0x0]  }
0x2: {  	s1 =	rddreg [dreg:$0x1];
	s2 =	simm.s32 $0x0  }
0x3: {  	s6 =	stileid.u32;
	s5 =	srdreg.scid;
	s28 =	simm.s32 $0x200  }
0x4: {  	s29 =	simm.s32 $0x100;
	s30 =	simm.s32 $0x180;
	s31 =	simm.s32 $0x2  }
0x5: {  	[smem:$0x7FF] =	sst s2;
	s7 =	smul.u32 $0x13800, s6;
	s3 =	sadd.s32 $0x3DA00, s0  }
0x6: {  	s4 =	sadd.s32 $0x2600, s0;
	s9 =	sand.u32 $0x1, s5;
	s5 =	sadd.s32 $0xC400, s0  }
0x7: {  	s12 =	sshll.u32 s6, $0x1;
	s13 =	smul.u32 $0x4E000, s6;
	s14 =	sadd.s32 $0xD9E00, s0  }
0x8: {  	s24 =	sshll.u32 s6, $0x6;
	s25 =	sadd.s32 $0x138000, s1;
	s19 =	smul.u32 $0x4E20, s6  }
0x9: {  	p0 =	sne.s32 s6, $0x0;
	s6 =	simm.s32 $0x3;
	_ =	strace $0x8000004A  }
0xa: {  	s10 =	ssub.s32 $0x2, s9;
	s22 =	sor.u32 s9, s12;
	s16 =	smul.u32 $0x138800, s9  }
0xb: {  	[dreg:$0x5] =	wrdreg s25;
	s9 =	smul.u32 $0x2710, s9;
	s8 =	sshrl.u32 s7, $0x3  }
0xc: {  	s11 =	sshrl.u32 s10, $0x1;
	s23 =	sshrl.u32 s13, $0x2;
	s8 =	sadd.s32 s8, s0  }
0xd: {  	s10 =	ssub.s32 s10, s11;
	s11 =	smul.u32 $0x2710, s22;
	s12 =	sadd.s32 s23, s1  }
0xe: {  	s0 =	sadd.s32 $0x3D800, s0;
	s7 =	sadd.s32 s7, s16;
	s22 =	sadd.s32 s9, s19  }
0xf: {  	s9 =	simm.s32 $0x5;
	[dreg:$0x3] =	wrdreg s12;
	s8 =	sadd.s32 $0x16800, s8  }
0x10: {  	[dreg:$0x6] =	wrdreg s0;
	s12 =	sshrl.u32 s16, $0x3;
	s7 =	sshrl.u32 s7, $0x3  }
0x11: {  	s23 =	smax.u32 s10, $0x1;
	s10 =	simm.s32 $0x6;
	[dreg:$0x4] =	wrdreg s8  }
0x12: {  	s8 =	sor.u32 $0x1C07, s24;
	s26 =	sshrl.u32 s11, $0x3;
	s20 =	sadd.s32 s14, s12  }
0x13: {  	s7 =	sadd.s32 s14, s7;
	[dreg:$0xd] =	wrdreg s23;
	s24 =	sadd.s32 $0xF0, s22  }
0x14: {  	s22 =	sadd.s32 $0xA0, s22;
	s23 =	simm.s32 $0x7;
	s11 =	sadd.s32 s4, s26  }
0x15: {  	s15 =	sadd.s32 $0xA, s26;
	s17 =	sadd.s32 s5, s26;
	[dreg:$0xb] =	wrdreg s7  }
0x16: {  	s21 =	sadd.s32 $0x27000, s20;
	s0 =	sadd.s32 $0x4D8, s26;
	s26 =	sshrl.u32 s24, $0x3  }
0x17: {  	s24 =	simm.s32 $0x80;
	s7 =	simm.s32 $0x4;
	[dreg:$0x7] =	wrdreg s11  }
0x18: {  	[dreg:$0x8] =	wrdreg s17;
	s18 =	sadd.s32 s4, s15;
	s11 =	sadd.s32 s5, s15  }
0x19: {  	[dreg:$0xc] =	wrdreg s21;
	s25 =	sadd.s32 s4, s0;
	s19 =	sadd.s32 s5, s0  }
0x1a: {  	s20 =	sadd.s32 s26, s5;
	s21 =	sadd.s32 s26, s4;
	[dreg:$0x9] =	wrdreg s18  }
0x1b: {  	s26 =	simm.s32 $0x50;
	s0 =	simm.s32 $0x2A00;
	[dreg:$0xa] =	wrdreg s11  }
0x1c: {  	[dreg:$0xe] =	wrdreg s25;
	s25 =	simm.s32 $0x1;
	s11 =	simm.s32 $0x0  }
.LBB2_1:
0x1d: {  	s12 =	rddreg [dreg:$0x3]  }
0x1e: {  	s13 =	rddreg [dreg:$0x4];
	s12 =	sshrl.u32 s12, $0x3  }
0x1f: {  	[spmem:s12], [sflag:s8] =	dma.local [hbm:s13], $0x2700  }
0x20: {  	_ =	swait.ge [sflag:s23], $0x2700  }
0x21: {  	[sflag:s23] =	ssyncset.done $0x0;
	s13 =	rddreg [dreg:$0x5]  }
0x22: {  	s14 =	rddreg [dreg:$0x6];
	[sflag:s23] =	ssyncadd.s32 $0xFFFFD900;
	s13 =	sshrl.u32 @!p0 s13, $0x3  }
0x23: {  	[spmem:s13], [sflag:s8] =	dma.local @!p0 [hbm:s14], $0x100  }
0x24: {  	s14 =	simm.s32 @!p0 $0x7  }
0x25: {  	_ =	swait.ge @!p0 [sflag:s14], $0x100  }
0x26: {  	[sflag:s14] =	ssyncset.done @!p0 $0x0  }
0x27: {  	[sflag:s14] =	ssyncadd.s32 @!p0 $0xFFFFFF00  }
0x28: {  	[bflag:$0x0] =	sbarrier.arrive $0xFFFF  }
0x29: {  	s16 =	rddreg [dreg:$0x7]  }
0x2a: {  	[tilespmem:s2], [sflag:$0x1] =	stream.linear.gather [hbm4b:s16+s2], $0x50, $0x38;
	[tilespmem:$0x18A80] =	vst v63  }
0x2b: {  	s17 =	rddreg [dreg:$0x8]  }
0x2c: {  	[tilespmem:s24], [sflag:$0x1] =	stream.linear.gather [hbm4b:s17+s2], $0x50, $0x38;
	[tilespmem:$0x18A80] =	vst v63  }
0x2d: {  	_ =	swait.ge [sflag:s25], $0x50  }
0x2e: {  	[sflag:s25] =	ssyncset.done $0x0  }
0x2f: {  	[sflag:s25] =	ssyncadd.s32 $0xFFFFFFB0  }
0x30: {  	_ =	swait.ge [sflag:s25], $0x50  }
0x31: {  	[sflag:s25] =	ssyncset.done $0x0  }
0x32: {  	[sflag:s25] =	ssyncadd.s32 $0xFFFFFFB0  }
0x33: {  	[tilespmem:s28], [sflag:$0x3] =	stream.indirect.gather [hbm4b:s3+s26], $0x80, s2, s26, $0xb8;
	[tilespmem:$0x18A80] =	vst v63  }
0x34: {  	s18 =	rddreg [dreg:$0x9]  }
0x35: {  	[tilespmem:s29], [sflag:$0x2] =	stream.linear.gather [hbm4b:s18+s2], $0x50, $0x38;
	[tilespmem:$0x18A80] =	vst v63  }
0x36: {  	s15 =	rddreg [dreg:$0xa]  }
0x37: {  	[tilespmem:s30], [sflag:$0x2] =	stream.linear.gather [hbm4b:s15+s2], $0x50, $0x38;
	[tilespmem:$0x18A80] =	vst v63  }
0x38: {  	_ =	swait.ge [sflag:s31], $0x50  }
0x39: {  	[sflag:s31] =	ssyncset.done $0x0  }
0x3a: {  	[sflag:s31] =	ssyncadd.s32 $0xFFFFFFB0  }
0x3b: {  	_ =	swait.ge [sflag:s31], $0x50  }
0x3c: {  	[sflag:s31] =	ssyncset.done $0x0  }
0x3d: {  	[sflag:s31] =	ssyncadd.s32 $0xFFFFFFB0  }
0x3e: {  	[tilespmem:s0], [sflag:$0x4] =	stream.indirect.gather [hbm4b:s3+s26], $0x80, s29, s26, $0xb8;
	[tilespmem:$0x18A80] =	vst v63  }
0x3f: {  	_ =	swait.ge [sflag:s6], $0x2800  }
0x40: {  	[sflag:s6] =	ssyncset.done $0x0  }
0x41: {  	[sflag:s6] =	ssyncadd.s32 $0xFFFFD800  }
0x42: {  	[spmem:s1] =	stream.indirect.scatter.add.f32 [tilespmem:s28], [sflag:$0x5], $0x80, s24, s26, $0xb8;
	[tilespmem:$0x18A80] =	vst v63  }
0x43: {  	_ =	swait.ge [sflag:s7], $0x2800  }
0x44: {  	[sflag:s7] =	ssyncset.done $0x0  }
0x45: {  	[sflag:s7] =	ssyncadd.s32 $0xFFFFD800  }
0x46: {  	[spmem:s1] =	stream.indirect.scatter.add.f32 [tilespmem:s0], [sflag:$0x6], $0x80, s30, s26, $0xb8;
	[tilespmem:$0x18A80] =	vst v63  }
0x47: {  	_ =	swait.ge [sflag:s9], $0x2800  }
0x48: {  	s16 =	sshrl.u32 s22, $0x3;
	[sflag:s9] =	ssyncset.done $0x0  }
0x49: {  	s15 =	sadd.s32 s4, s16;
	[sflag:s9] =	ssyncadd.s32 $0xFFFFD800  }
0x4a: {  	[tilespmem:s2], [sflag:$0x1] =	stream.linear.gather [hbm4b:s15+s2], $0x50, $0x38;
	[tilespmem:$0x18A80] =	vst v63  }
0x4b: {  	s14 =	sadd.s32 s5, s16  }
0x4c: {  	[tilespmem:s24], [sflag:$0x1] =	stream.linear.gather [hbm4b:s14+s2], $0x50, $0x38;
	[tilespmem:$0x18A80] =	vst v63  }
0x4d: {  	_ =	swait.ge [sflag:s25], $0x50  }
0x4e: {  	[sflag:s25] =	ssyncset.done $0x0  }
0x4f: {  	[sflag:s25] =	ssyncadd.s32 $0xFFFFFFB0  }
0x50: {  	_ =	swait.ge [sflag:s25], $0x50  }
0x51: {  	[sflag:s25] =	ssyncset.done $0x0  }
0x52: {  	[sflag:s25] =	ssyncadd.s32 $0xFFFFFFB0  }
0x53: {  	[tilespmem:s28], [sflag:$0x3] =	stream.indirect.gather [hbm4b:s3+s26], $0x80, s2, s26, $0xb8;
	[tilespmem:$0x18A80] =	vst v63  }
0x54: {  	_ =	swait.ge [sflag:s10], $0x2800  }
0x55: {  	[sflag:s10] =	ssyncset.done $0x0  }
0x56: {  	s17 =	sadd.s32 $0x0, s21;
	[sflag:s10] =	ssyncadd.s32 $0xFFFFD800  }
0x57: {  	[tilespmem:s29], [sflag:$0x2] =	stream.linear.gather [hbm4b:s17+s2], $0x50, $0x38;
	[tilespmem:$0x18A80] =	vst v63  }
0x58: {  	s18 =	sadd.s32 $0x0, s20  }
0x59: {  	[tilespmem:s30], [sflag:$0x2] =	stream.linear.gather [hbm4b:s18+s2], $0x50, $0x38;
	[tilespmem:$0x18A80] =	vst v63  }
0x5a: {  	_ =	swait.ge [sflag:s31], $0x50  }
0x5b: {  	[sflag:s31] =	ssyncset.done $0x0  }
0x5c: {  	[sflag:s31] =	ssyncadd.s32 $0xFFFFFFB0  }
0x5d: {  	_ =	swait.ge [sflag:s31], $0x50  }
0x5e: {  	[sflag:s31] =	ssyncset.done $0x0  }
0x5f: {  	s15 =	sadd.s32 $0xA0, s22;
	s14 =	simm.s32 $0x14;
	[sflag:s31] =	ssyncadd.s32 $0xFFFFFFB0  }
.LBB2_2:
0x60: {  	[tilespmem:s0], [sflag:$0x4] =	stream.indirect.gather [hbm4b:s3+s26], $0x80, s29, s26, $0xb8;
	[tilespmem:$0x18A80] =	vst v63  }
0x61: {  	s16 =	smov.u32 s14  }
0x62: {  	p1 =	sne.s32 s14, $0x4B0;
	s14 =	sadd.s32 $0x14, s14;
	_ =	swait.ge [sflag:s6], $0x2800  }
0x63: {  	[sflag:s6] =	ssyncset.done $0x0  }
0x64: {  	[sflag:s6] =	ssyncadd.s32 $0xFFFFD800  }
0x65: {  	[spmem:s1] =	stream.indirect.scatter.add.f32 [tilespmem:s28], [sflag:$0x5], $0x80, s24, s26, $0xb8;
	[tilespmem:$0x18A80] =	vst v63  }
0x66: {  	_ =	swait.ge [sflag:s7], $0x2800  }
0x67: {  	[sflag:s7] =	ssyncset.done $0x0  }
0x68: {  	[sflag:s7] =	ssyncadd.s32 $0xFFFFD800  }
0x69: {  	[spmem:s1] =	stream.indirect.scatter.add.f32 [tilespmem:s0], [sflag:$0x6], $0x80, s30, s26, $0xb8;
	[tilespmem:$0x18A80] =	vst v63  }
0x6a: {  	_ =	swait.ge [sflag:s9], $0x2800  }
0x6b: {  	s17 =	sshrl.u32 s15, $0x3;
	[sflag:s9] =	ssyncset.done $0x0  }
0x6c: {  	s18 =	sadd.s32 s4, s17;
	[sflag:s9] =	ssyncadd.s32 $0xFFFFD800  }
0x6d: {  	[tilespmem:s2], [sflag:$0x1] =	stream.linear.gather [hbm4b:s18+s2], $0x50, $0x38;
	[tilespmem:$0x18A80] =	vst v63  }
0x6e: {  	s17 =	sadd.s32 s5, s17  }
0x6f: {  	[tilespmem:s24], [sflag:$0x1] =	stream.linear.gather [hbm4b:s17+s2], $0x50, $0x38;
	[tilespmem:$0x18A80] =	vst v63  }
0x70: {  	_ =	swait.ge [sflag:s25], $0x50  }
0x71: {  	[sflag:s25] =	ssyncset.done $0x0  }
0x72: {  	[sflag:s25] =	ssyncadd.s32 $0xFFFFFFB0  }
0x73: {  	_ =	swait.ge [sflag:s25], $0x50  }
0x74: {  	[sflag:s25] =	ssyncset.done $0x0  }
0x75: {  	[sflag:s25] =	ssyncadd.s32 $0xFFFFFFB0  }
0x76: {  	[tilespmem:s28], [sflag:$0x3] =	stream.indirect.gather [hbm4b:s3+s26], $0x80, s2, s26, $0xb8;
	[tilespmem:$0x18A80] =	vst v63  }
0x77: {  	_ =	swait.ge [sflag:s10], $0x2800  }
0x78: {  	[sflag:s10] =	ssyncset.done $0x0  }
0x79: {  	s17 =	sadd.s32 s16, s21;
	[sflag:s10] =	ssyncadd.s32 $0xFFFFD800  }
0x7a: {  	[tilespmem:s29], [sflag:$0x2] =	stream.linear.gather [hbm4b:s17+s2], $0x50, $0x38;
	[tilespmem:$0x18A80] =	vst v63  }
0x7b: {  	s16 =	sadd.s32 s16, s20  }
0x7c: {  	[tilespmem:s30], [sflag:$0x2] =	stream.linear.gather [hbm4b:s16+s2], $0x50, $0x38;
	[tilespmem:$0x18A80] =	vst v63  }
0x7d: {  	_ =	swait.ge [sflag:s31], $0x50  }
.Ltmp0:
0x7e: {  	[sflag:s31] =	ssyncset.done $0x0;
	(pc) =	sbr.rel @p1 .LBB2_2-.Ltmp0, $4  }
0x7f: {  	[sflag:s31] =	ssyncadd.s32 $0xFFFFFFB0  }
0x80: {  	_ =	swait.ge [sflag:s31], $0x50  }
0x81: {  	[sflag:s31] =	ssyncset.done $0x0  }
0x82: {  	s15 =	sadd.s32 $0xA0, s15;
	[sflag:s31] =	ssyncadd.s32 $0xFFFFFFB0  }
0x83: {  	[tilespmem:s0], [sflag:$0x4] =	stream.indirect.gather [hbm4b:s3+s26], $0x80, s29, s26, $0xb8;
	[tilespmem:$0x18A80] =	vst v63  }
0x84: {  	_ =	swait.ge [sflag:s6], $0x2800  }
0x85: {  	[sflag:s6] =	ssyncset.done $0x0  }
0x86: {  	[sflag:s6] =	ssyncadd.s32 $0xFFFFD800  }
0x87: {  	[spmem:s1] =	stream.indirect.scatter.add.f32 [tilespmem:s28], [sflag:$0x5], $0x80, s24, s26, $0xb8;
	[tilespmem:$0x18A80] =	vst v63  }
0x88: {  	_ =	swait.ge [sflag:s7], $0x2800  }
0x89: {  	[sflag:s7] =	ssyncset.done $0x0  }
0x8a: {  	[sflag:s7] =	ssyncadd.s32 $0xFFFFD800  }
0x8b: {  	[spmem:s1] =	stream.indirect.scatter.add.f32 [tilespmem:s0], [sflag:$0x6], $0x80, s30, s26, $0xb8;
	[tilespmem:$0x18A80] =	vst v63  }
0x8c: {  	_ =	swait.ge [sflag:s9], $0x2800  }
0x8d: {  	[sflag:s9] =	ssyncset.done $0x0  }
0x8e: {  	s14 =	rddreg [dreg:$0xe];
	[sflag:s9] =	ssyncadd.s32 $0xFFFFD800  }
0x8f: {  	[tilespmem:s2], [sflag:$0x1] =	stream.linear.gather [hbm4b:s14+s2], $0x50, $0x38;
	[tilespmem:$0x18A80] =	vst v63  }
0x90: {  	_ = 	snop  }
0x91: {  	[tilespmem:s24], [sflag:$0x1] =	stream.linear.gather [hbm4b:s19+s2], $0x50, $0x38;
	[tilespmem:$0x18A80] =	vst v63  }
0x92: {  	_ =	swait.ge [sflag:s25], $0x50  }
0x93: {  	[sflag:s25] =	ssyncset.done $0x0  }
0x94: {  	[sflag:s25] =	ssyncadd.s32 $0xFFFFFFB0  }
0x95: {  	_ =	swait.ge [sflag:s25], $0x50  }
0x96: {  	[sflag:s25] =	ssyncset.done $0x0  }
0x97: {  	[sflag:s25] =	ssyncadd.s32 $0xFFFFFFB0  }
0x98: {  	[tilespmem:s28], [sflag:$0x3] =	stream.indirect.gather [hbm4b:s3+s26], $0x80, s2, s26, $0xb8;
	[tilespmem:$0x18A80] =	vst v63  }
0x99: {  	_ =	swait.ge [sflag:s10], $0x2800  }
0x9a: {  	[sflag:s10] =	ssyncset.done $0x0  }
0x9b: {  	[sflag:s10] =	ssyncadd.s32 $0xFFFFD800  }
0x9c: {  	_ =	swait.ge [sflag:s6], $0x2800  }
0x9d: {  	[sflag:s6] =	ssyncset.done $0x0  }
0x9e: {  	[sflag:s6] =	ssyncadd.s32 $0xFFFFD800  }
0x9f: {  	[spmem:s1] =	stream.indirect.scatter.add.f32 [tilespmem:s28], [sflag:$0x5], $0x80, s24, s26, $0xb8;
	[tilespmem:$0x18A80] =	vst v63  }
0xa0: {  	_ =	swait.ge [sflag:s9], $0x2800  }
0xa1: {  	[sflag:s9] =	ssyncset.done $0x0  }
0xa2: {  	[sflag:s9] =	ssyncadd.s32 $0xFFFFD800  }
0xa3: {  	[bflag:$0x0] =	sbarrier.arrive $0xFFFF  }
0xa4: {  	s17 =	rddreg [dreg:$0xb]  }
0xa5: {  	[hbm:s17], [sflag:s8] =	dma.local [spmem:s12], $0x2700  }
0xa6: {  	_ =	swait.ge [sflag:s23], $0x2700  }
0xa7: {  	[sflag:s23] =	ssyncset.done $0x0  }
0xa8: {  	s12 =	rddreg [dreg:$0xc];
	[sflag:s23] =	ssyncadd.s32 $0xFFFFD900  }
0xa9: {  	[hbm:s12], [sflag:s8] =	dma.local @!p0 [spmem:s13], $0x100  }
0xaa: {  	s12 =	simm.s32 @!p0 $0x7  }
0xab: {  	_ =	swait.ge @!p0 [sflag:s12], $0x100  }
0xac: {  	s11 =	sadd.s32 $0x1, s11;
	s18 =	rddreg [dreg:$0xd]  }
0xad: {  	p1 =	sne.s32 s11, s18  }
.Ltmp1:
0xae: {  	_ = 	snop;
	(pc) =	sbr.rel @p1 .LBB2_1-.Ltmp1, $3  }
0xaf: {  	_ =	sdelay $0x1  }
0xb0: {  	[sflag:s12] =	ssyncset.done @!p0 $0x0  }
0xb1: {  	[sflag:s12] =	ssyncadd.s32 @!p0 $0xFFFFFF00  }
0xb2: {  	_ =	sfence.sel $0x180000  }
0xb3: {  	[bflag:$0x0] =	sbarrier.arrive $0xFFFF  }
0xb4: {  	_ =	strace $0x9000004A  }
0xb5: {  	[bflag:$0x2] =	sbarrier.arrive $0xFFFF  }
0xb6: {  	s0 =	rddreg [dreg:$0x2]  }
0xb7: {  	s0 =	sadd.s32 @!p0 $0x100000, s0  }
0xb8: {  	[sflag:s0] =	ssyncadd.tile.s32 @!p0 $0x1;
	_ =	shalt  }
.Lfunc_end2:
_tile_overlayer_lowered:
.L_overlay_start_2:
0xb9: {  	(tag) =	ssettag $0x2  }
0xba: {  	s0 =	rddreg [dreg:$0x0];
	s2 =	stileid.u32  }
0xbb: {  	s1 =	rddreg [dreg:$0x1];
	p0 =	sne.s32 s2, $0x0  }
0xbc: {  	s3 =	rddreg [dreg:$0x2];
	[bflag:$0x3] =	sbarrier.arrive $0xFFFF;
	s2 =	simm.s32 @!p0 $0x1C07  }
0xbd: {  	[timem:s3], [sflag:s2] =	dma.local @!p0 [hbm:s0], s1  }
0xbe: {  	s0 =	simm.s32 @!p0 $0x7  }
0xbf: {  	_ =	swait.ge @!p0 [sflag:s0], s1  }
0xc0: {  	s1 =	ssub.s32 @!p0 $0x0, s1;
	[sflag:s0] =	ssyncset.done @!p0 $0x0  }
0xc1: {  	[sflag:s0] =	ssyncadd.s32 @!p0 s1  }
0xc2: {  	[bflag:$0x3] =	sbarrier.arrive $0xFFFF  }
0xc3: {  	_ =	shalt  }

// kernel: kernel.14.cloned.1.call-start
scs
__scs_entry_jumppad:
0x0: {  	(pc) =	sbr.rel $0x88, $3  }
0x1: {  	(tag) =	ssettag $0x0;
	lr =	simm.s32 $0x1  }
0x2: {  	[smem:$0x3F99] =	sst lr;
	_ =	strace $0xD0000000  }
0x3: {  	_ = 	snop  }
0x4: {  	_ = 	snop  }
0x5: {  	_ = 	snop  }
0x6: {  	_ = 	snop  }
0x7: {  	_ = 	snop  }
__scs_overlays_trampoline_lowered:
0x8: {  	[smem:$0x3FA8] =	sst s0  }
0x9: {  	[smem:$0x3FA9] =	sst s1  }
0xa: {  	[smem:$0x3FAA] =	sst s2  }
0xb: {  	[smem:$0x3FAB] =	sst s3  }
0xc: {  	[smem:$0x3FAC] =	sst s4  }
0xd: {  	[smem:$0x3FAD] =	sst s5  }
0xe: {  	[smem:$0x3FAE] =	sst s6  }
0xf: {  	[smem:$0x3FAF] =	sst s7  }
0x10: {  	[smem:$0x3FB0] =	sst s8  }
0x11: {  	[smem:$0x3FB1] =	sst s9;
	s0 =	simm.s32 @!p0 $0x0  }
0x12: {  	s1 =	sld [smem:$0x3F97];
	s0 =	simm.s32 @p0 $0x1  }
0x13: {  	[smem:$0x3FB2] =	sst s0;
	s0 =	simm.s32 @!p1 $0x0  }
0x14: {  	s2 =	sld [smem:$0x3F96];
	s0 =	simm.s32 @p1 $0x1  }
0x15: {  	[smem:$0x3FB3] =	sst s0;
	s0 =	simm.s32 @!p2 $0x0  }
0x16: {  	s3 =	sld [smem:$0x3FDB];
	s0 =	simm.s32 @p2 $0x1  }
0x17: {  	s4 =	simm.s32 $0x1BF5;
	[smem:$0x3FB5] =	sst s0  }
0x18: {  	s0 =	sld [smem:$0x3F98];
	_ =	swait.ge [sflag:s4], $0x0  }
0x19: {  	s7 =	sld [smem:$0x3F99]  }
0x1a: {  	s8 =	sadd.s32 $0xFFFFE003, lr  }
0x1b: {  	s9 =	sadd.s32 $0xFFFFFEF7, lr;
	s5 =	simm.s32 $0xFFFFFFFF;
	p2 =	slt.u32 s8, $0xFFFFF086  }
0x1c: {  	p1 =	slt.u32 s9, $0xF7A;
	s5 =	simm.s32 @!p2 $0x0  }
0x1d: {  	s5 =	simm.s32 @p1 $0x1;
	p0 =	seq.s32 s7, s2  }
0x1e: {  	s7 =	smul.u32 @!p0 $0xF7A, s2;
	p2 =	seq.s32 @!p0 s5, $0x0  }
0x1f: {  	s9 =	smul.u32 $0xF7A, s1;
	s8 =	simm.s32 @!p0 $0x1BF5;
	p2 =	por !p2, p0  }
0x20: {  	[sflag:s8] =	ssyncset.s32 @!p0 $0xFFFFF086;
	s6 =	sadd.s32 @!p0 s3, s7;
	s7 =	simm.s32 @!p0 $0x108  }
0x21: {  	s3 =	sadd.s32 s3, s9;
	s6 =	sadd.s32 @!p0 $0x88, s6;
	s7 =	simm.s32 @p2 $0x1082  }
0x22: {  	[simem:s7], [sflag:s8] =	dma.local @!p0 [hbm:s6], $0xF7A  }
0x23: {  	s9 =	sor.u32 $0xD0000000, s2;
	s6 =	simm.s32 $0x108;
	_ =	swait.ge @!p0 [sflag:s8], $0x0  }
0x24: {  	s3 =	sadd.s32 $0x88, s3;
	s6 =	simm.s32 @!p1 $0x1082;
	[sflag:s4] =	ssyncset.s32 $0xFFFFF086  }
0x25: {  	[simem:s6], [sflag:s4] =	dma.local [hbm:s3], $0xF7A  }
0x26: {  	[smem:$0x3F99] =	sst s1;
	(tag) =	ssettag s2;
	_ =	strace s9  }
0x27: {  	s1 =	sld [smem:$0x3FA9]  }
0x28: {  	s2 =	sld [smem:$0x3FAA]  }
0x29: {  	s4 =	sld [smem:$0x3FAC]  }
0x2a: {  	p0 =	seq.s32 s5, $0x0;
	s5 =	sld [smem:$0x3FAD]  }
0x2b: {  	s6 =	sld [smem:$0x3FAE]  }
0x2c: {  	s7 =	sld [smem:$0x3FAF]  }
0x2d: {  	s3 =	simm.s32 $0x108;
	s8 =	sld [smem:$0x3FB0]  }
0x2e: {  	s3 =	simm.s32 @!p0 $0x1082;
	s9 =	sld [smem:$0x3FB1]  }
0x2f: {  	lr =	sadd.s32 s0, s3;
	s0 =	sld [smem:$0x3FA8]  }
0x30: {  	s3 =	sld [smem:$0x3FAB]  }
0x31: {  	[smem:$0x3FB4] =	sst s10  }
0x32: {  	s10 =	sld [smem:$0x3FB2];
	_ =	sdelay $0x3  }
0x33: {  	p0 =	seq.s32 s10, $0x1;
	s10 =	sld [smem:$0x3FB4];
	_ =	sdelay $0x3  }
0x34: {  	[smem:$0x3FB4] =	sst s10  }
0x35: {  	s10 =	sld [smem:$0x3FB3];
	_ =	sdelay $0x3  }
0x36: {  	p1 =	seq.s32 s10, $0x1;
	s10 =	sld [smem:$0x3FB4];
	_ =	sdelay $0x3  }
0x37: {  	[smem:$0x3FB4] =	sst s10  }
0x38: {  	s10 =	sld [smem:$0x3FB5]  }
0x39: {  	_ = 	snop;
	(pc) =	sbr.ind lr, $3  }
0x3a: {  	_ = 	snop  }
0x3b: {  	_ = 	snop  }
0x3c: {  	p2 =	seq.s32 s10, $0x1;
	s10 =	sld [smem:$0x3FB4]  }
0x3d: {  	_ =	shalt  }
0x3e: {  	_ =	shalt  }
0x3f: {  	_ =	shalt  }
0x40: {  	_ =	shalt  }
0x41: {  	_ =	shalt  }
0x42: {  	_ =	shalt  }
0x43: {  	_ =	shalt  }
0x44: {  	_ =	shalt  }
0x45: {  	_ =	shalt  }
0x46: {  	_ =	shalt  }
0x47: {  	_ =	shalt  }
0x48: {  	_ =	shalt  }
0x49: {  	_ =	shalt  }
0x4a: {  	_ =	shalt  }
0x4b: {  	_ =	shalt  }
0x4c: {  	_ =	shalt  }
0x4d: {  	_ =	shalt  }
0x4e: {  	_ =	shalt  }
0x4f: {  	_ =	shalt  }
0x50: {  	_ =	shalt  }
0x51: {  	_ =	shalt  }
0x52: {  	_ =	shalt  }
0x53: {  	_ =	shalt  }
0x54: {  	_ =	shalt  }
0x55: {  	_ =	shalt  }
0x56: {  	_ =	shalt  }
0x57: {  	_ =	shalt  }
0x58: {  	_ =	shalt  }
0x59: {  	_ =	shalt  }
0x5a: {  	_ =	shalt  }
0x5b: {  	_ =	shalt  }
0x5c: {  	_ =	shalt  }
0x5d: {  	_ =	shalt  }
0x5e: {  	_ =	shalt  }
0x5f: {  	_ =	shalt  }
0x60: {  	_ =	shalt  }
0x61: {  	_ =	shalt  }
0x62: {  	_ =	shalt  }
0x63: {  	_ =	shalt  }
0x64: {  	_ =	shalt  }
0x65: {  	_ =	shalt  }
0x66: {  	_ =	shalt  }
0x67: {  	_ =	shalt  }
0x68: {  	_ =	shalt  }
0x69: {  	_ =	shalt  }
0x6a: {  	_ =	shalt  }
0x6b: {  	_ =	shalt  }
0x6c: {  	_ =	shalt  }
0x6d: {  	_ =	shalt  }
0x6e: {  	_ =	shalt  }
0x6f: {  	_ =	shalt  }
0x70: {  	_ =	shalt  }
0x71: {  	_ =	shalt  }
0x72: {  	_ =	shalt  }
0x73: {  	_ =	shalt  }
0x74: {  	_ =	shalt  }
0x75: {  	_ =	shalt  }
0x76: {  	_ =	shalt  }
0x77: {  	_ =	shalt  }
0x78: {  	_ =	shalt  }
0x79: {  	_ =	shalt  }
0x7a: {  	_ =	shalt  }
0x7b: {  	_ =	shalt  }
0x7c: {  	_ =	shalt  }
0x7d: {  	_ =	shalt  }
0x7e: {  	_ =	shalt  }
0x7f: {  	_ =	shalt  }
0x80: {  	_ =	shalt  }
0x81: {  	_ =	shalt  }
0x82: {  	_ =	shalt  }
0x83: {  	_ =	shalt  }
0x84: {  	_ =	shalt  }
0x85: {  	_ =	shalt  }
0x86: {  	_ =	shalt  }
0x87: {  	_ =	shalt  }
.Lfunc_end0:
.L_simem_size_0:
called_computation.2_lowered:
.L_overlay_start_0:
0x88: {  	s2 =	sld [smem:$0x3FD9]  }
0x89: {  	s3 =	sld [smem:$0x3FFE];
	_ =	sdelay $0x1  }
0x8a: {  	s1 =	srdreg.scid  }
0x8b: {  	s0 =	sand.u32 $0x1, s1  }
0x8c: {  	s16 =	sshll.u32 s0, $0xA;
	s2 =	sadd.s32 s3, s2  }
0x8d: {  	s2 =	sadd.s32 s2, s16  }
0x8e: {  	[smem:$0x3FC0] =	sst s2  }
0x8f: {  	_ = 	snop  }
0x90: {  	(tm) =	ssettm $0x1  }
0x91: {  	s17 =	sld [smem:$0x3FFB];
	_ =	sdelay $0x3  }
0x92: {  	_ =	strace s17  }
0x93: {  	s2 =	sld [smem:$0x3FFC];
	_ =	sdelay $0x3  }
0x94: {  	_ =	strace s2  }
0x95: {  	s2 =	sld [smem:$0x3FFD];
	_ =	sdelay $0x3  }
0x96: {  	_ =	strace s2  }
0x97: {  	_ =	strace $0x8FFFFFFF  }
0x98: {  	s18 =	sld [smem:$0x3FDB];
	_ =	sdelay $0x1  }
0x99: {  	s19 =	simm.s32 $_scs_section_size  }
0x9a: {  	s4 =	simm.s32 $_size__tile_overlayer_lowered;
	s5 =	simm.s32 $_tile_overlayer_lowered  }
0x9b: {  	s22 =	simm.s32 $0x1BFF;
	s21 =	sshll.u32 s5, $0x1;
	s2 =	sadd.s32 s19, s18  }
0x9c: {  	s6 =	simm.s32 $0x0;
	s20 =	sshll.u32 s4, $0x1;
	s4 =	sadd.s32 s21, s2  }
0x9d: {  	[timem:s6], [sflag:s22] =	dma.local [hbm:s4], s20  }
0x9e: {  	_ =	swait.ge [sflag:s22], s20  }
0x9f: {  	s3 =	ssub.s32 $0x0, s20;
	[sflag:s22] =	ssyncset.done $0x0  }
0xa0: {  	[sflag:s22] =	ssyncadd.s32 s3;
	_ =	sdelay $0x1  }
0xa1: {  	s23 =	simm.s32 $0x1B8B  }
0xa2: {  	_ =	swait.ge [sflag:s23], $0x1  }
0xa3: {  	[sflag:s23] =	ssyncset.done $0x0  }
0xa4: {  	s25 =	simm.s32 $0x1B8E;
	s24 =	sld [smem:$0x3FFE];
	[sflag:s23] =	ssyncadd.s32 $0xFFFFFFFF  }
0xa5: {  	s26 =	simm.s32 $execute0_lowered;
	[smem:$0x3FD2] =	sst s25  }
0xa6: {  	s4 =	sshll.u32 s26, $0x1;
	_ =	strace $0x8000004C;
	[dreg:$0x1] =	wrdreg $0xFFFFFFFF  }
0xa7: {  	s28 =	simm.s32 $_size_execute0_lowered;
	s2 =	sadd.s32 s2, s4;
	[dreg:$0x0] =	wrdreg $0x0  }
0xa8: {  	s4 =	sshll.u32 s28, $0x1;
	[dreg:$0x2] =	wrdreg s2  }
0xa9: {  	[dreg:$0x3] =	wrdreg s4  }
0xaa: {  	[dreg:$0x4] =	wrdreg $0xC0  }
0xab: {  	_ =	task [dreg:s6], $0x5FFFF  }
0xac: {  	[dreg:$0x1] =	wrdreg $0xFFFFFFFF  }
0xad: {  	[dreg:$0x0] =	wrdreg $0x60  }
0xae: {  	[dreg:$0x2] =	wrdreg s24  }
0xaf: {  	[dreg:$0x3] =	wrdreg $0x52000  }
0xb0: {  	[dreg:$0x4] =	wrdreg $0x9  }
0xb1: {  	_ =	task.clear_ibuf [dreg:s6], $0x5FFFF;
	_ =	strace $0x9000004C  }
0xb2: {  	s29 =	simm.s32 $0x9;
	_ =	strace $0x8000004E  }
0xb3: {  	_ =	swait.ge [sflag:s29], $0x1  }
0xb4: {  	[sflag:s29] =	ssyncadd.s32 $0xFFFFFFFF  }
0xb5: {  	_ =	strace $0x9000004E  }
0xb6: {  	_ =	sfence  }
0xb7: {  	s30 =	sld [smem:$0x0];
	_ =	sdelay $0x2  }
0xb8: {  	s31 =	sshll.u32 s1, $0xD;
	s1 =	sshrl.u32 s1, $0x2  }
0xb9: {  	s3 =	sand.u32 $0x4000, s31;
	s1 =	sadd.s32 s1, s30  }
0xba: {  	s0 =	sor.u32 s3, s0;
	s1 =	sshll.u32 s1, $0x11  }
0xbb: {  	s0 =	sor.u32 s1, s0  }
0xbc: {  	s0 =	sadd.s32 $0x8F2B, s0  }
0xbd: {  	[sflag:s0] =	ssyncadd.remote.s32 $0x1  }
0xbe: {  	_ =	sfence.sel $0xFFFF  }
0xbf: {  	[dreg:$0x0] =	wrdreg $0xFFFFFFFF;
	(pc) =	sbr.abs _section_cstart, $3  }
0xc0: {  	[dreg:$0x1] =	wrdreg $0xFFFFFFFF  }
0xc1: {  	_ =	task.clear_ibuf [dreg:s6], $0x2FFFF;
	_ =	strace $0x9FFFFFFF  }
0xc2: {  	(tm) =	ssettm $0x7FFFFFFF  }
0xc3: {  	_ =	shalt  }
tec
execute0_lowered:
.L_overlay_start_1:
0x0: {  	(tag) =	ssettag $0x1  }
0x1: {  	s0 =	rddreg [dreg:$0x0]  }
0x2: {  	s1 =	rddreg [dreg:$0x1];
	s2 =	simm.s32 $0x0  }
0x3: {  	s6 =	stileid.u32;
	s5 =	srdreg.scid;
	s28 =	simm.s32 $0x200  }
0x4: {  	s29 =	simm.s32 $0x100;
	s30 =	simm.s32 $0x180;
	s31 =	simm.s32 $0x2  }
0x5: {  	[smem:$0x7FF] =	sst s2;
	s7 =	smul.u32 $0x13800, s6;
	s3 =	sadd.s32 $0x3DA00, s0  }
0x6: {  	s4 =	sadd.s32 $0x2600, s0;
	s9 =	sand.u32 $0x1, s5;
	s5 =	sadd.s32 $0xC400, s0  }
0x7: {  	s12 =	sshll.u32 s6, $0x1;
	s13 =	smul.u32 $0x4E000, s6;
	s14 =	sadd.s32 $0xD9E00, s0  }
0x8: {  	s24 =	sshll.u32 s6, $0x6;
	s25 =	sadd.s32 $0x138000, s1;
	s19 =	smul.u32 $0x4E20, s6  }
0x9: {  	p0 =	sne.s32 s6, $0x0;
	s6 =	simm.s32 $0x3;
	_ =	strace $0x8000004D  }
0xa: {  	s10 =	ssub.s32 $0x2, s9;
	s22 =	sor.u32 s9, s12;
	s16 =	smul.u32 $0x138800, s9  }
0xb: {  	[dreg:$0x5] =	wrdreg s25;
	s9 =	smul.u32 $0x2710, s9;
	s8 =	sshrl.u32 s7, $0x3  }
0xc: {  	s11 =	sshrl.u32 s10, $0x1;
	s23 =	sshrl.u32 s13, $0x2;
	s8 =	sadd.s32 s8, s0  }
0xd: {  	s10 =	ssub.s32 s10, s11;
	s11 =	smul.u32 $0x2710, s22;
	s12 =	sadd.s32 s23, s1  }
0xe: {  	s0 =	sadd.s32 $0x3D800, s0;
	s7 =	sadd.s32 s7, s16;
	s22 =	sadd.s32 s9, s19  }
0xf: {  	s9 =	simm.s32 $0x5;
	[dreg:$0x3] =	wrdreg s12;
	s8 =	sadd.s32 $0x16800, s8  }
0x10: {  	[dreg:$0x6] =	wrdreg s0;
	s12 =	sshrl.u32 s16, $0x3;
	s7 =	sshrl.u32 s7, $0x3  }
0x11: {  	s23 =	smax.u32 s10, $0x1;
	s10 =	simm.s32 $0x6;
	[dreg:$0x4] =	wrdreg s8  }
0x12: {  	s8 =	sor.u32 $0x1C07, s24;
	s26 =	sshrl.u32 s11, $0x3;
	s20 =	sadd.s32 s14, s12  }
0x13: {  	s7 =	sadd.s32 s14, s7;
	[dreg:$0xd] =	wrdreg s23;
	s24 =	sadd.s32 $0xF0, s22  }
0x14: {  	s22 =	sadd.s32 $0xA0, s22;
	s23 =	simm.s32 $0x7;
	s11 =	sadd.s32 s4, s26  }
0x15: {  	s15 =	sadd.s32 $0xA, s26;
	s17 =	sadd.s32 s5, s26;
	[dreg:$0xb] =	wrdreg s7  }
0x16: {  	s21 =	sadd.s32 $0x27000, s20;
	s0 =	sadd.s32 $0x4D8, s26;
	s26 =	sshrl.u32 s24, $0x3  }
0x17: {  	s24 =	simm.s32 $0x80;
	s7 =	simm.s32 $0x4;
	[dreg:$0x7] =	wrdreg s11  }
0x18: {  	[dreg:$0x8] =	wrdreg s17;
	s18 =	sadd.s32 s4, s15;
	s11 =	sadd.s32 s5, s15  }
0x19: {  	[dreg:$0xc] =	wrdreg s21;
	s25 =	sadd.s32 s4, s0;
	s19 =	sadd.s32 s5, s0  }
0x1a: {  	s20 =	sadd.s32 s26, s5;
	s21 =	sadd.s32 s26, s4;
	[dreg:$0x9] =	wrdreg s18  }
0x1b: {  	s26 =	simm.s32 $0x50;
	s0 =	simm.s32 $0x2A00;
	[dreg:$0xa] =	wrdreg s11  }
0x1c: {  	[dreg:$0xe] =	wrdreg s25;
	s25 =	simm.s32 $0x1;
	s11 =	simm.s32 $0x0  }
.LBB2_1:
0x1d: {  	s12 =	rddreg [dreg:$0x3]  }
0x1e: {  	s13 =	rddreg [dreg:$0x4];
	s12 =	sshrl.u32 s12, $0x3  }
0x1f: {  	[spmem:s12], [sflag:s8] =	dma.local [hbm:s13], $0x2700  }
0x20: {  	_ =	swait.ge [sflag:s23], $0x2700  }
0x21: {  	[sflag:s23] =	ssyncset.done $0x0;
	s13 =	rddreg [dreg:$0x5]  }
0x22: {  	s14 =	rddreg [dreg:$0x6];
	[sflag:s23] =	ssyncadd.s32 $0xFFFFD900;
	s13 =	sshrl.u32 @!p0 s13, $0x3  }
0x23: {  	[spmem:s13], [sflag:s8] =	dma.local @!p0 [hbm:s14], $0x100  }
0x24: {  	s14 =	simm.s32 @!p0 $0x7  }
0x25: {  	_ =	swait.ge @!p0 [sflag:s14], $0x100  }
0x26: {  	[sflag:s14] =	ssyncset.done @!p0 $0x0  }
0x27: {  	[sflag:s14] =	ssyncadd.s32 @!p0 $0xFFFFFF00  }
0x28: {  	[bflag:$0x0] =	sbarrier.arrive $0xFFFF  }
0x29: {  	s16 =	rddreg [dreg:$0x7]  }
0x2a: {  	[tilespmem:s2], [sflag:$0x1] =	stream.linear.gather [hbm4b:s16+s2], $0x50, $0x38;
	[tilespmem:$0x18A80] =	vst v63  }
0x2b: {  	s17 =	rddreg [dreg:$0x8]  }
0x2c: {  	[tilespmem:s24], [sflag:$0x1] =	stream.linear.gather [hbm4b:s17+s2], $0x50, $0x38;
	[tilespmem:$0x18A80] =	vst v63  }
0x2d: {  	_ =	swait.ge [sflag:s25], $0x50  }
0x2e: {  	[sflag:s25] =	ssyncset.done $0x0  }
0x2f: {  	[sflag:s25] =	ssyncadd.s32 $0xFFFFFFB0  }
0x30: {  	_ =	swait.ge [sflag:s25], $0x50  }
0x31: {  	[sflag:s25] =	ssyncset.done $0x0  }
0x32: {  	[sflag:s25] =	ssyncadd.s32 $0xFFFFFFB0  }
0x33: {  	[tilespmem:s28], [sflag:$0x3] =	stream.indirect.gather [hbm4b:s3+s26], $0x80, s2, s26, $0xb8;
	[tilespmem:$0x18A80] =	vst v63  }
0x34: {  	s18 =	rddreg [dreg:$0x9]  }
0x35: {  	[tilespmem:s29], [sflag:$0x2] =	stream.linear.gather [hbm4b:s18+s2], $0x50, $0x38;
	[tilespmem:$0x18A80] =	vst v63  }
0x36: {  	s15 =	rddreg [dreg:$0xa]  }
0x37: {  	[tilespmem:s30], [sflag:$0x2] =	stream.linear.gather [hbm4b:s15+s2], $0x50, $0x38;
	[tilespmem:$0x18A80] =	vst v63  }
0x38: {  	_ =	swait.ge [sflag:s31], $0x50  }
0x39: {  	[sflag:s31] =	ssyncset.done $0x0  }
0x3a: {  	[sflag:s31] =	ssyncadd.s32 $0xFFFFFFB0  }
0x3b: {  	_ =	swait.ge [sflag:s31], $0x50  }
0x3c: {  	[sflag:s31] =	ssyncset.done $0x0  }
0x3d: {  	[sflag:s31] =	ssyncadd.s32 $0xFFFFFFB0  }
0x3e: {  	[tilespmem:s0], [sflag:$0x4] =	stream.indirect.gather [hbm4b:s3+s26], $0x80, s29, s26, $0xb8;
	[tilespmem:$0x18A80] =	vst v63  }
0x3f: {  	_ =	swait.ge [sflag:s6], $0x2800  }
0x40: {  	[sflag:s6] =	ssyncset.done $0x0  }
0x41: {  	[sflag:s6] =	ssyncadd.s32 $0xFFFFD800  }
0x42: {  	[spmem:s1] =	stream.indirect.scatter.add.f32 [tilespmem:s28], [sflag:$0x5], $0x80, s24, s26, $0xb8;
	[tilespmem:$0x18A80] =	vst v63  }
0x43: {  	_ =	swait.ge [sflag:s7], $0x2800  }
0x44: {  	[sflag:s7] =	ssyncset.done $0x0  }
0x45: {  	[sflag:s7] =	ssyncadd.s32 $0xFFFFD800  }
0x46: {  	[spmem:s1] =	stream.indirect.scatter.add.f32 [tilespmem:s0], [sflag:$0x6], $0x80, s30, s26, $0xb8;
	[tilespmem:$0x18A80] =	vst v63  }
0x47: {  	_ =	swait.ge [sflag:s9], $0x2800  }
0x48: {  	s16 =	sshrl.u32 s22, $0x3;
	[sflag:s9] =	ssyncset.done $0x0  }
0x49: {  	s15 =	sadd.s32 s4, s16;
	[sflag:s9] =	ssyncadd.s32 $0xFFFFD800  }
0x4a: {  	[tilespmem:s2], [sflag:$0x1] =	stream.linear.gather [hbm4b:s15+s2], $0x50, $0x38;
	[tilespmem:$0x18A80] =	vst v63  }
0x4b: {  	s14 =	sadd.s32 s5, s16  }
0x4c: {  	[tilespmem:s24], [sflag:$0x1] =	stream.linear.gather [hbm4b:s14+s2], $0x50, $0x38;
	[tilespmem:$0x18A80] =	vst v63  }
0x4d: {  	_ =	swait.ge [sflag:s25], $0x50  }
0x4e: {  	[sflag:s25] =	ssyncset.done $0x0  }
0x4f: {  	[sflag:s25] =	ssyncadd.s32 $0xFFFFFFB0  }
0x50: {  	_ =	swait.ge [sflag:s25], $0x50  }
0x51: {  	[sflag:s25] =	ssyncset.done $0x0  }
0x52: {  	[sflag:s25] =	ssyncadd.s32 $0xFFFFFFB0  }
0x53: {  	[tilespmem:s28], [sflag:$0x3] =	stream.indirect.gather [hbm4b:s3+s26], $0x80, s2, s26, $0xb8;
	[tilespmem:$0x18A80] =	vst v63  }
0x54: {  	_ =	swait.ge [sflag:s10], $0x2800  }
0x55: {  	[sflag:s10] =	ssyncset.done $0x0  }
0x56: {  	s17 =	sadd.s32 $0x0, s21;
	[sflag:s10] =	ssyncadd.s32 $0xFFFFD800  }
0x57: {  	[tilespmem:s29], [sflag:$0x2] =	stream.linear.gather [hbm4b:s17+s2], $0x50, $0x38;
	[tilespmem:$0x18A80] =	vst v63  }
0x58: {  	s18 =	sadd.s32 $0x0, s20  }
0x59: {  	[tilespmem:s30], [sflag:$0x2] =	stream.linear.gather [hbm4b:s18+s2], $0x50, $0x38;
	[tilespmem:$0x18A80] =	vst v63  }
0x5a: {  	_ =	swait.ge [sflag:s31], $0x50  }
0x5b: {  	[sflag:s31] =	ssyncset.done $0x0  }
0x5c: {  	[sflag:s31] =	ssyncadd.s32 $0xFFFFFFB0  }
0x5d: {  	_ =	swait.ge [sflag:s31], $0x50  }
0x5e: {  	[sflag:s31] =	ssyncset.done $0x0  }
0x5f: {  	s15 =	sadd.s32 $0xA0, s22;
	s14 =	simm.s32 $0x14;
	[sflag:s31] =	ssyncadd.s32 $0xFFFFFFB0  }
.LBB2_2:
0x60: {  	[tilespmem:s0], [sflag:$0x4] =	stream.indirect.gather [hbm4b:s3+s26], $0x80, s29, s26, $0xb8;
	[tilespmem:$0x18A80] =	vst v63  }
0x61: {  	s16 =	smov.u32 s14  }
0x62: {  	p1 =	sne.s32 s14, $0x4B0;
	s14 =	sadd.s32 $0x14, s14;
	_ =	swait.ge [sflag:s6], $0x2800  }
0x63: {  	[sflag:s6] =	ssyncset.done $0x0  }
0x64: {  	[sflag:s6] =	ssyncadd.s32 $0xFFFFD800  }
0x65: {  	[spmem:s1] =	stream.indirect.scatter.add.f32 [tilespmem:s28], [sflag:$0x5], $0x80, s24, s26, $0xb8;
	[tilespmem:$0x18A80] =	vst v63  }
0x66: {  	_ =	swait.ge [sflag:s7], $0x2800  }
0x67: {  	[sflag:s7] =	ssyncset.done $0x0  }
0x68: {  	[sflag:s7] =	ssyncadd.s32 $0xFFFFD800  }
0x69: {  	[spmem:s1] =	stream.indirect.scatter.add.f32 [tilespmem:s0], [sflag:$0x6], $0x80, s30, s26, $0xb8;
	[tilespmem:$0x18A80] =	vst v63  }
0x6a: {  	_ =	swait.ge [sflag:s9], $0x2800  }
0x6b: {  	s17 =	sshrl.u32 s15, $0x3;
	[sflag:s9] =	ssyncset.done $0x0  }
0x6c: {  	s18 =	sadd.s32 s4, s17;
	[sflag:s9] =	ssyncadd.s32 $0xFFFFD800  }
0x6d: {  	[tilespmem:s2], [sflag:$0x1] =	stream.linear.gather [hbm4b:s18+s2], $0x50, $0x38;
	[tilespmem:$0x18A80] =	vst v63  }
0x6e: {  	s17 =	sadd.s32 s5, s17  }
0x6f: {  	[tilespmem:s24], [sflag:$0x1] =	stream.linear.gather [hbm4b:s17+s2], $0x50, $0x38;
	[tilespmem:$0x18A80] =	vst v63  }
0x70: {  	_ =	swait.ge [sflag:s25], $0x50  }
0x71: {  	[sflag:s25] =	ssyncset.done $0x0  }
0x72: {  	[sflag:s25] =	ssyncadd.s32 $0xFFFFFFB0  }
0x73: {  	_ =	swait.ge [sflag:s25], $0x50  }
0x74: {  	[sflag:s25] =	ssyncset.done $0x0  }
0x75: {  	[sflag:s25] =	ssyncadd.s32 $0xFFFFFFB0  }
0x76: {  	[tilespmem:s28], [sflag:$0x3] =	stream.indirect.gather [hbm4b:s3+s26], $0x80, s2, s26, $0xb8;
	[tilespmem:$0x18A80] =	vst v63  }
0x77: {  	_ =	swait.ge [sflag:s10], $0x2800  }
0x78: {  	[sflag:s10] =	ssyncset.done $0x0  }
0x79: {  	s17 =	sadd.s32 s16, s21;
	[sflag:s10] =	ssyncadd.s32 $0xFFFFD800  }
0x7a: {  	[tilespmem:s29], [sflag:$0x2] =	stream.linear.gather [hbm4b:s17+s2], $0x50, $0x38;
	[tilespmem:$0x18A80] =	vst v63  }
0x7b: {  	s16 =	sadd.s32 s16, s20  }
0x7c: {  	[tilespmem:s30], [sflag:$0x2] =	stream.linear.gather [hbm4b:s16+s2], $0x50, $0x38;
	[tilespmem:$0x18A80] =	vst v63  }
0x7d: {  	_ =	swait.ge [sflag:s31], $0x50  }
.Ltmp0:
0x7e: {  	[sflag:s31] =	ssyncset.done $0x0;
	(pc) =	sbr.rel @p1 .LBB2_2-.Ltmp0, $4  }
0x7f: {  	[sflag:s31] =	ssyncadd.s32 $0xFFFFFFB0  }
0x80: {  	_ =	swait.ge [sflag:s31], $0x50  }
0x81: {  	[sflag:s31] =	ssyncset.done $0x0  }
0x82: {  	s15 =	sadd.s32 $0xA0, s15;
	[sflag:s31] =	ssyncadd.s32 $0xFFFFFFB0  }
0x83: {  	[tilespmem:s0], [sflag:$0x4] =	stream.indirect.gather [hbm4b:s3+s26], $0x80, s29, s26, $0xb8;
	[tilespmem:$0x18A80] =	vst v63  }
0x84: {  	_ =	swait.ge [sflag:s6], $0x2800  }
0x85: {  	[sflag:s6] =	ssyncset.done $0x0  }
0x86: {  	[sflag:s6] =	ssyncadd.s32 $0xFFFFD800  }
0x87: {  	[spmem:s1] =	stream.indirect.scatter.add.f32 [tilespmem:s28], [sflag:$0x5], $0x80, s24, s26, $0xb8;
	[tilespmem:$0x18A80] =	vst v63  }
0x88: {  	_ =	swait.ge [sflag:s7], $0x2800  }
0x89: {  	[sflag:s7] =	ssyncset.done $0x0  }
0x8a: {  	[sflag:s7] =	ssyncadd.s32 $0xFFFFD800  }
0x8b: {  	[spmem:s1] =	stream.indirect.scatter.add.f32 [tilespmem:s0], [sflag:$0x6], $0x80, s30, s26, $0xb8;
	[tilespmem:$0x18A80] =	vst v63  }
0x8c: {  	_ =	swait.ge [sflag:s9], $0x2800  }
0x8d: {  	[sflag:s9] =	ssyncset.done $0x0  }
0x8e: {  	s14 =	rddreg [dreg:$0xe];
	[sflag:s9] =	ssyncadd.s32 $0xFFFFD800  }
0x8f: {  	[tilespmem:s2], [sflag:$0x1] =	stream.linear.gather [hbm4b:s14+s2], $0x50, $0x38;
	[tilespmem:$0x18A80] =	vst v63  }
0x90: {  	_ = 	snop  }
0x91: {  	[tilespmem:s24], [sflag:$0x1] =	stream.linear.gather [hbm4b:s19+s2], $0x50, $0x38;
	[tilespmem:$0x18A80] =	vst v63  }
0x92: {  	_ =	swait.ge [sflag:s25], $0x50  }
0x93: {  	[sflag:s25] =	ssyncset.done $0x0  }
0x94: {  	[sflag:s25] =	ssyncadd.s32 $0xFFFFFFB0  }
0x95: {  	_ =	swait.ge [sflag:s25], $0x50  }
0x96: {  	[sflag:s25] =	ssyncset.done $0x0  }
0x97: {  	[sflag:s25] =	ssyncadd.s32 $0xFFFFFFB0  }
0x98: {  	[tilespmem:s28], [sflag:$0x3] =	stream.indirect.gather [hbm4b:s3+s26], $0x80, s2, s26, $0xb8;
	[tilespmem:$0x18A80] =	vst v63  }
0x99: {  	_ =	swait.ge [sflag:s10], $0x2800  }
0x9a: {  	[sflag:s10] =	ssyncset.done $0x0  }
0x9b: {  	[sflag:s10] =	ssyncadd.s32 $0xFFFFD800  }
0x9c: {  	_ =	swait.ge [sflag:s6], $0x2800  }
0x9d: {  	[sflag:s6] =	ssyncset.done $0x0  }
0x9e: {  	[sflag:s6] =	ssyncadd.s32 $0xFFFFD800  }
0x9f: {  	[spmem:s1] =	stream.indirect.scatter.add.f32 [tilespmem:s28], [sflag:$0x5], $0x80, s24, s26, $0xb8;
	[tilespmem:$0x18A80] =	vst v63  }
0xa0: {  	_ =	swait.ge [sflag:s9], $0x2800  }
0xa1: {  	[sflag:s9] =	ssyncset.done $0x0  }
0xa2: {  	[sflag:s9] =	ssyncadd.s32 $0xFFFFD800  }
0xa3: {  	[bflag:$0x0] =	sbarrier.arrive $0xFFFF  }
0xa4: {  	s17 =	rddreg [dreg:$0xb]  }
0xa5: {  	[hbm:s17], [sflag:s8] =	dma.local [spmem:s12], $0x2700  }
0xa6: {  	_ =	swait.ge [sflag:s23], $0x2700  }
0xa7: {  	[sflag:s23] =	ssyncset.done $0x0  }
0xa8: {  	s12 =	rddreg [dreg:$0xc];
	[sflag:s23] =	ssyncadd.s32 $0xFFFFD900  }
0xa9: {  	[hbm:s12], [sflag:s8] =	dma.local @!p0 [spmem:s13], $0x100  }
0xaa: {  	s12 =	simm.s32 @!p0 $0x7  }
0xab: {  	_ =	swait.ge @!p0 [sflag:s12], $0x100  }
0xac: {  	s11 =	sadd.s32 $0x1, s11;
	s18 =	rddreg [dreg:$0xd]  }
0xad: {  	p1 =	sne.s32 s11, s18  }
.Ltmp1:
0xae: {  	_ = 	snop;
	(pc) =	sbr.rel @p1 .LBB2_1-.Ltmp1, $3  }
0xaf: {  	_ =	sdelay $0x1  }
0xb0: {  	[sflag:s12] =	ssyncset.done @!p0 $0x0  }
0xb1: {  	[sflag:s12] =	ssyncadd.s32 @!p0 $0xFFFFFF00  }
0xb2: {  	_ =	sfence.sel $0x180000  }
0xb3: {  	[bflag:$0x0] =	sbarrier.arrive $0xFFFF  }
0xb4: {  	_ =	strace $0x9000004D  }
0xb5: {  	[bflag:$0x2] =	sbarrier.arrive $0xFFFF  }
0xb6: {  	s0 =	rddreg [dreg:$0x2]  }
0xb7: {  	s0 =	sadd.s32 @!p0 $0x100000, s0  }
0xb8: {  	[sflag:s0] =	ssyncadd.tile.s32 @!p0 $0x1;
	_ =	shalt  }
.Lfunc_end2:
_tile_overlayer_lowered:
.L_overlay_start_2:
0xb9: {  	(tag) =	ssettag $0x2  }
0xba: {  	s0 =	rddreg [dreg:$0x0];
	s2 =	stileid.u32  }
0xbb: {  	s1 =	rddreg [dreg:$0x1];
	p0 =	sne.s32 s2, $0x0  }
0xbc: {  	s3 =	rddreg [dreg:$0x2];
	[bflag:$0x3] =	sbarrier.arrive $0xFFFF;
	s2 =	simm.s32 @!p0 $0x1C07  }
0xbd: {  	[timem:s3], [sflag:s2] =	dma.local @!p0 [hbm:s0], s1  }
0xbe: {  	s0 =	simm.s32 @!p0 $0x7  }
0xbf: {  	_ =	swait.ge @!p0 [sflag:s0], s1  }
0xc0: {  	s1 =	ssub.s32 @!p0 $0x0, s1;
	[sflag:s0] =	ssyncset.done @!p0 $0x0  }
0xc1: {  	[sflag:s0] =	ssyncadd.s32 @!p0 s1  }
0xc2: {  	[bflag:$0x3] =	sbarrier.arrive $0xFFFF  }
0xc3: {  	_ =	shalt  }

// kernel: kernel.8.cloned.1.call-start
scs
__scs_entry_jumppad:
0x0: {  	(pc) =	sbr.rel $0x88, $3  }
0x1: {  	(tag) =	ssettag $0x0;
	lr =	simm.s32 $0x1  }
0x2: {  	[smem:$0x3F99] =	sst lr;
	_ =	strace $0xD0000000  }
0x3: {  	_ = 	snop  }
0x4: {  	_ = 	snop  }
0x5: {  	_ = 	snop  }
0x6: {  	_ = 	snop  }
0x7: {  	_ = 	snop  }
__scs_overlays_trampoline_lowered:
0x8: {  	[smem:$0x3FA8] =	sst s0  }
0x9: {  	[smem:$0x3FA9] =	sst s1  }
0xa: {  	[smem:$0x3FAA] =	sst s2  }
0xb: {  	[smem:$0x3FAB] =	sst s3  }
0xc: {  	[smem:$0x3FAC] =	sst s4  }
0xd: {  	[smem:$0x3FAD] =	sst s5  }
0xe: {  	[smem:$0x3FAE] =	sst s6  }
0xf: {  	[smem:$0x3FAF] =	sst s7  }
0x10: {  	[smem:$0x3FB0] =	sst s8  }
0x11: {  	[smem:$0x3FB1] =	sst s9;
	s0 =	simm.s32 @!p0 $0x0  }
0x12: {  	s1 =	sld [smem:$0x3F97];
	s0 =	simm.s32 @p0 $0x1  }
0x13: {  	[smem:$0x3FB2] =	sst s0;
	s0 =	simm.s32 @!p1 $0x0  }
0x14: {  	s2 =	sld [smem:$0x3F96];
	s0 =	simm.s32 @p1 $0x1  }
0x15: {  	[smem:$0x3FB3] =	sst s0;
	s0 =	simm.s32 @!p2 $0x0  }
0x16: {  	s3 =	sld [smem:$0x3FDB];
	s0 =	simm.s32 @p2 $0x1  }
0x17: {  	s4 =	simm.s32 $0x1BF5;
	[smem:$0x3FB5] =	sst s0  }
0x18: {  	s0 =	sld [smem:$0x3F98];
	_ =	swait.ge [sflag:s4], $0x0  }
0x19: {  	s7 =	sld [smem:$0x3F99]  }
0x1a: {  	s8 =	sadd.s32 $0xFFFFE003, lr  }
0x1b: {  	s9 =	sadd.s32 $0xFFFFFEF7, lr;
	s5 =	simm.s32 $0xFFFFFFFF;
	p2 =	slt.u32 s8, $0xFFFFF086  }
0x1c: {  	p1 =	slt.u32 s9, $0xF7A;
	s5 =	simm.s32 @!p2 $0x0  }
0x1d: {  	s5 =	simm.s32 @p1 $0x1;
	p0 =	seq.s32 s7, s2  }
0x1e: {  	s7 =	smul.u32 @!p0 $0xF7A, s2;
	p2 =	seq.s32 @!p0 s5, $0x0  }
0x1f: {  	s9 =	smul.u32 $0xF7A, s1;
	s8 =	simm.s32 @!p0 $0x1BF5;
	p2 =	por !p2, p0  }
0x20: {  	[sflag:s8] =	ssyncset.s32 @!p0 $0xFFFFF086;
	s6 =	sadd.s32 @!p0 s3, s7;
	s7 =	simm.s32 @!p0 $0x108  }
0x21: {  	s3 =	sadd.s32 s3, s9;
	s6 =	sadd.s32 @!p0 $0x88, s6;
	s7 =	simm.s32 @p2 $0x1082  }
0x22: {  	[simem:s7], [sflag:s8] =	dma.local @!p0 [hbm:s6], $0xF7A  }
0x23: {  	s9 =	sor.u32 $0xD0000000, s2;
	s6 =	simm.s32 $0x108;
	_ =	swait.ge @!p0 [sflag:s8], $0x0  }
0x24: {  	s3 =	sadd.s32 $0x88, s3;
	s6 =	simm.s32 @!p1 $0x1082;
	[sflag:s4] =	ssyncset.s32 $0xFFFFF086  }
0x25: {  	[simem:s6], [sflag:s4] =	dma.local [hbm:s3], $0xF7A  }
0x26: {  	[smem:$0x3F99] =	sst s1;
	(tag) =	ssettag s2;
	_ =	strace s9  }
0x27: {  	s1 =	sld [smem:$0x3FA9]  }
0x28: {  	s2 =	sld [smem:$0x3FAA]  }
0x29: {  	s4 =	sld [smem:$0x3FAC]  }
0x2a: {  	p0 =	seq.s32 s5, $0x0;
	s5 =	sld [smem:$0x3FAD]  }
0x2b: {  	s6 =	sld [smem:$0x3FAE]  }
0x2c: {  	s7 =	sld [smem:$0x3FAF]  }
0x2d: {  	s3 =	simm.s32 $0x108;
	s8 =	sld [smem:$0x3FB0]  }
0x2e: {  	s3 =	simm.s32 @!p0 $0x1082;
	s9 =	sld [smem:$0x3FB1]  }
0x2f: {  	lr =	sadd.s32 s0, s3;
	s0 =	sld [smem:$0x3FA8]  }
0x30: {  	s3 =	sld [smem:$0x3FAB]  }
0x31: {  	[smem:$0x3FB4] =	sst s10  }
0x32: {  	s10 =	sld [smem:$0x3FB2];
	_ =	sdelay $0x3  }
0x33: {  	p0 =	seq.s32 s10, $0x1;
	s10 =	sld [smem:$0x3FB4];
	_ =	sdelay $0x3  }
0x34: {  	[smem:$0x3FB4] =	sst s10  }
0x35: {  	s10 =	sld [smem:$0x3FB3];
	_ =	sdelay $0x3  }
0x36: {  	p1 =	seq.s32 s10, $0x1;
	s10 =	sld [smem:$0x3FB4];
	_ =	sdelay $0x3  }
0x37: {  	[smem:$0x3FB4] =	sst s10  }
0x38: {  	s10 =	sld [smem:$0x3FB5]  }
0x39: {  	_ = 	snop;
	(pc) =	sbr.ind lr, $3  }
0x3a: {  	_ = 	snop  }
0x3b: {  	_ = 	snop  }
0x3c: {  	p2 =	seq.s32 s10, $0x1;
	s10 =	sld [smem:$0x3FB4]  }
0x3d: {  	_ =	shalt  }
0x3e: {  	_ =	shalt  }
0x3f: {  	_ =	shalt  }
0x40: {  	_ =	shalt  }
0x41: {  	_ =	shalt  }
0x42: {  	_ =	shalt  }
0x43: {  	_ =	shalt  }
0x44: {  	_ =	shalt  }
0x45: {  	_ =	shalt  }
0x46: {  	_ =	shalt  }
0x47: {  	_ =	shalt  }
0x48: {  	_ =	shalt  }
0x49: {  	_ =	shalt  }
0x4a: {  	_ =	shalt  }
0x4b: {  	_ =	shalt  }
0x4c: {  	_ =	shalt  }
0x4d: {  	_ =	shalt  }
0x4e: {  	_ =	shalt  }
0x4f: {  	_ =	shalt  }
0x50: {  	_ =	shalt  }
0x51: {  	_ =	shalt  }
0x52: {  	_ =	shalt  }
0x53: {  	_ =	shalt  }
0x54: {  	_ =	shalt  }
0x55: {  	_ =	shalt  }
0x56: {  	_ =	shalt  }
0x57: {  	_ =	shalt  }
0x58: {  	_ =	shalt  }
0x59: {  	_ =	shalt  }
0x5a: {  	_ =	shalt  }
0x5b: {  	_ =	shalt  }
0x5c: {  	_ =	shalt  }
0x5d: {  	_ =	shalt  }
0x5e: {  	_ =	shalt  }
0x5f: {  	_ =	shalt  }
0x60: {  	_ =	shalt  }
0x61: {  	_ =	shalt  }
0x62: {  	_ =	shalt  }
0x63: {  	_ =	shalt  }
0x64: {  	_ =	shalt  }
0x65: {  	_ =	shalt  }
0x66: {  	_ =	shalt  }
0x67: {  	_ =	shalt  }
0x68: {  	_ =	shalt  }
0x69: {  	_ =	shalt  }
0x6a: {  	_ =	shalt  }
0x6b: {  	_ =	shalt  }
0x6c: {  	_ =	shalt  }
0x6d: {  	_ =	shalt  }
0x6e: {  	_ =	shalt  }
0x6f: {  	_ =	shalt  }
0x70: {  	_ =	shalt  }
0x71: {  	_ =	shalt  }
0x72: {  	_ =	shalt  }
0x73: {  	_ =	shalt  }
0x74: {  	_ =	shalt  }
0x75: {  	_ =	shalt  }
0x76: {  	_ =	shalt  }
0x77: {  	_ =	shalt  }
0x78: {  	_ =	shalt  }
0x79: {  	_ =	shalt  }
0x7a: {  	_ =	shalt  }
0x7b: {  	_ =	shalt  }
0x7c: {  	_ =	shalt  }
0x7d: {  	_ =	shalt  }
0x7e: {  	_ =	shalt  }
0x7f: {  	_ =	shalt  }
0x80: {  	_ =	shalt  }
0x81: {  	_ =	shalt  }
0x82: {  	_ =	shalt  }
0x83: {  	_ =	shalt  }
0x84: {  	_ =	shalt  }
0x85: {  	_ =	shalt  }
0x86: {  	_ =	shalt  }
0x87: {  	_ =	shalt  }
.Lfunc_end0:
.L_simem_size_0:
called_computation_lowered:
.L_overlay_start_0:
0x88: {  	s2 =	sld [smem:$0x3FD9]  }
0x89: {  	s3 =	sld [smem:$0x3FFE];
	_ =	sdelay $0x1  }
0x8a: {  	s1 =	srdreg.scid  }
0x8b: {  	s0 =	sand.u32 $0x1, s1  }
0x8c: {  	s17 =	sshll.u32 s0, $0xA;
	s2 =	sadd.s32 s3, s2  }
0x8d: {  	s2 =	sadd.s32 s2, s17  }
0x8e: {  	[smem:$0x3FC0] =	sst s2  }
0x8f: {  	_ = 	snop  }
0x90: {  	s2 =	sld [smem:$0x3FC8];
	(tm) =	ssettm $0x1  }
0x91: {  	s18 =	sld [smem:$0x3FFB];
	_ =	sdelay $0x3  }
0x92: {  	_ =	strace s18  }
0x93: {  	s3 =	sld [smem:$0x3FFC];
	_ =	sdelay $0x3  }
0x94: {  	_ =	strace s3  }
0x95: {  	s3 =	sld [smem:$0x3FFD];
	_ =	sdelay $0x3  }
0x96: {  	_ =	strace s3  }
0x97: {  	_ =	strace $0x8FFFFFFF  }
0x98: {  	s19 =	sld [smem:$0x3FDB];
	_ =	sdelay $0x1  }
0x99: {  	s4 =	simm.s32 $_scs_section_size  }
0x9a: {  	s5 =	simm.s32 $_size__tile_overlayer_lowered;
	s6 =	simm.s32 $_tile_overlayer_lowered  }
0x9b: {  	s22 =	simm.s32 $0x1BFF;
	s21 =	sshll.u32 s6, $0x1;
	s3 =	sadd.s32 s4, s19  }
0x9c: {  	s7 =	simm.s32 $0x0;
	s20 =	sshll.u32 s5, $0x1;
	s5 =	sadd.s32 s21, s3  }
0x9d: {  	[timem:s7], [sflag:s22] =	dma.local [hbm:s5], s20  }
0x9e: {  	_ =	swait.ge [sflag:s22], s20  }
0x9f: {  	s4 =	ssub.s32 $0x0, s20;
	[sflag:s22] =	ssyncset.done $0x0  }
0xa0: {  	[sflag:s22] =	ssyncadd.s32 s4;
	_ =	sdelay $0x1  }
0xa1: {  	s23 =	simm.s32 $0x1B8B  }
0xa2: {  	_ =	swait.ge [sflag:s23], $0x1  }
0xa3: {  	[sflag:s23] =	ssyncset.done $0x0  }
0xa4: {  	s25 =	simm.s32 $0x1B8E;
	s24 =	sld [smem:$0x3FFE];
	[sflag:s23] =	ssyncadd.s32 $0xFFFFFFFF  }
0xa5: {  	s26 =	simm.s32 $execute0_lowered;
	[smem:$0x3FD2] =	sst s25  }
0xa6: {  	s5 =	sshll.u32 s26, $0x1;
	_ =	strace $0x80000046;
	[dreg:$0x1] =	wrdreg $0xFFFFFFFF  }
0xa7: {  	s28 =	simm.s32 $_size_execute0_lowered;
	s3 =	sadd.s32 s3, s5;
	[dreg:$0x0] =	wrdreg $0x0  }
0xa8: {  	s5 =	sshll.u32 s28, $0x1;
	[dreg:$0x2] =	wrdreg s3  }
0xa9: {  	[dreg:$0x3] =	wrdreg s5  }
0xaa: {  	[dreg:$0x4] =	wrdreg $0xC0  }
0xab: {  	_ =	task [dreg:s7], $0x5FFFF  }
0xac: {  	[dreg:$0x1] =	wrdreg $0xFFFFFFFF  }
0xad: {  	[dreg:$0x0] =	wrdreg $0x60  }
0xae: {  	[dreg:$0x2] =	wrdreg s2  }
0xaf: {  	[dreg:$0x3] =	wrdreg s24  }
0xb0: {  	[dreg:$0x4] =	wrdreg $0x51000  }
0xb1: {  	[dreg:$0x5] =	wrdreg $0x9  }
0xb2: {  	_ =	task.clear_ibuf [dreg:s7], $0x6FFFF;
	_ =	strace $0x90000046  }
0xb3: {  	s29 =	simm.s32 $0x9;
	_ =	strace $0x80000048  }
0xb4: {  	_ =	swait.ge [sflag:s29], $0x1  }
0xb5: {  	[sflag:s29] =	ssyncadd.s32 $0xFFFFFFFF  }
0xb6: {  	_ =	strace $0x90000048  }
0xb7: {  	_ =	sfence  }
0xb8: {  	s30 =	sld [smem:$0x0];
	_ =	sdelay $0x2  }
0xb9: {  	s31 =	sshll.u32 s1, $0xD;
	s1 =	sshrl.u32 s1, $0x2  }
0xba: {  	s3 =	sand.u32 $0x4000, s31;
	s1 =	sadd.s32 s1, s30  }
0xbb: {  	s0 =	sor.u32 s3, s0;
	s1 =	sshll.u32 s1, $0x11  }
0xbc: {  	s0 =	sor.u32 s1, s0  }
0xbd: {  	s0 =	sadd.s32 $0x8F2B, s0  }
0xbe: {  	[sflag:s0] =	ssyncadd.remote.s32 $0x1  }
0xbf: {  	_ =	sfence.sel $0xFFFF  }
0xc0: {  	[dreg:$0x0] =	wrdreg $0xFFFFFFFF;
	(pc) =	sbr.abs _section_cstart, $3  }
0xc1: {  	[dreg:$0x1] =	wrdreg $0xFFFFFFFF  }
0xc2: {  	_ =	task.clear_ibuf [dreg:s7], $0x2FFFF;
	_ =	strace $0x9FFFFFFF  }
0xc3: {  	(tm) =	ssettm $0x7FFFFFFF  }
tec
execute0_lowered:
.L_overlay_start_1:
0x0: {  	(tag) =	ssettag $0x1  }
0x1: {  	s4 =	rddreg [dreg:$0x0]  }
0x2: {  	s8 =	rddreg [dreg:$0x1]  }
0x3: {  	s1 =	rddreg [dreg:$0x2];
	s0 =	stileid.u32;
	s2 =	simm.s32 $0x0  }
0x4: {  	s16 =	srdreg.scid;
	s28 =	simm.s32 $0x80;
	s29 =	simm.s32 $0x3  }
0x5: {  	s30 =	simm.s32 $0x1;
	s31 =	simm.s32 $0x50;
	s9 =	smul.u32 $0x13800, s0  }
0x6: {  	[smem:$0x7FF] =	sst s2;
	s3 =	sadd.s32 $0xC400, s8;
	s6 =	sadd.s32 $0x16200, s8  }
0x7: {  	s10 =	sadd.s32 $0x8BC00, s8;
	s11 =	sand.u32 $0x1, s16;
	s17 =	smul.u32 $0x4E000, s0  }
0x8: {  	s12 =	sadd.s32 $0x3DA00, s8;
	s13 =	sshll.u32 s0, $0x1;
	s20 =	sshll.u32 s0, $0x6  }
0x9: {  	s16 =	sadd.s32 $0x138000, s1;
	p0 =	sne.s32 s0, $0x0;
	_ =	strace $0x80000047  }
0xa: {  	[dreg:$0x4] =	wrdreg s6;
	s7 =	ssub.s32 $0x2, s11;
	s21 =	smul.u32 $0x138800, s11  }
0xb: {  	s13 =	sor.u32 s11, s13;
	[dreg:$0x5] =	wrdreg s16;
	s6 =	smul.u32 $0x4E200, s0  }
0xc: {  	s5 =	sshrl.u32 s9, $0x3;
	s14 =	sshrl.u32 s7, $0x1;
	s15 =	smul.u32 $0x2710, s13  }
0xd: {  	s13 =	smul.u32 $0x27100, s13;
	s26 =	sadd.s32 s5, s8;
	s5 =	sshrl.u32 s17, $0x2  }
0xe: {  	s14 =	ssub.s32 s7, s14;
	s7 =	sor.u32 $0x1C07, s20;
	s20 =	smul.u32 $0x2710, s11  }
0xf: {  	s9 =	sadd.s32 s9, s21;
	s16 =	sshrl.u32 s21, $0x3;
	s11 =	smul.u32 $0x27100, s11  }
0x10: {  	s19 =	sadd.s32 s5, s1;
	s18 =	sadd.s32 $0x16800, s26;
	s22 =	sadd.s32 s4, s13  }
0x11: {  	s23 =	sshrl.u32 s15, $0x3;
	s24 =	sadd.s32 $0x50, s15;
	s9 =	sshrl.u32 s9, $0x3  }
0x12: {  	s16 =	sadd.s32 $0x27000, s16;
	s26 =	sadd.s32 $0x26C0, s15;
	[dreg:$0xd] =	wrdreg s18  }
0x13: {  	s18 =	sadd.s32 $0x3D800, s8;
	[dreg:$0x6] =	wrdreg s22;
	s17 =	sshll.u32 s24, $0x4  }
0x14: {  	s25 =	sadd.s32 s10, s9;
	s10 =	sadd.s32 s10, s16;
	s9 =	sadd.s32 s12, s9  }
0x15: {  	s12 =	sadd.s32 s12, s16;
	s15 =	sshll.u32 s26, $0x4;
	[dreg:$0x8] =	wrdreg s25  }
0x16: {  	s16 =	smul.u32 $0x4E20, s0;
	s21 =	sshrl.u32 s24, $0x3;
	[dreg:$0x9] =	wrdreg s10  }
0x17: {  	s0 =	simm.s32 $0x4;
	s8 =	simm.s32 $0x5;
	[dreg:$0xa] =	wrdreg s9  }
0x18: {  	s17 =	sadd.s32 s4, s17;
	[dreg:$0xb] =	wrdreg s12;
	s12 =	sadd.s32 s4, s15  }
0x19: {  	s4 =	sadd.s32 s6, s4;
	s22 =	sadd.s32 s3, s21;
	[dreg:$0x7] =	wrdreg s17  }
0x1a: {  	s9 =	sshrl.u32 s26, $0x3;
	[dreg:$0xc] =	wrdreg s12;
	s17 =	sadd.s32 s3, s23  }
0x1b: {  	[dreg:$0xe] =	wrdreg s22;
	s23 =	smax.u32 s14, $0x1;
	s24 =	sadd.s32 s20, s16  }
0x1c: {  	s4 =	sadd.s32 s11, s4;
	s25 =	sadd.s32 s3, s9;
	[dreg:$0xf] =	wrdreg s23  }
0x1d: {  	s11 =	simm.s32 $0x0;
	s10 =	sadd.s32 $0xF0, s24;
	[dreg:$0x10] =	wrdreg s25  }
0x1e: {  	s21 =	sadd.s32 $0xF00, s4;
	s23 =	sadd.s32 $0xA0, s24;
	s24 =	simm.s32 $0x7  }
0x1f: {  	s25 =	simm.s32 $0x100;
	s4 =	simm.s32 $0x2;
	s26 =	sshrl.u32 s10, $0x3  }
0x20: {  	s10 =	simm.s32 $0x6;
	s22 =	sadd.s32 s26, s3;
	s26 =	simm.s32 $0x2900  }
.LBB2_1:
0x21: {  	s12 =	sshrl.u32 s19, $0x3;
	s5 =	rddreg [dreg:$0xd]  }
0x22: {  	[spmem:s12], [sflag:s7] =	dma.local [hbm:s5], $0x2700  }
0x23: {  	_ =	swait.ge [sflag:s24], $0x2700  }
0x24: {  	[sflag:s24] =	ssyncset.done $0x0;
	s9 =	rddreg [dreg:$0x5]  }
0x25: {  	[sflag:s24] =	ssyncadd.s32 $0xFFFFD900;
	s13 =	sshrl.u32 @!p0 s9, $0x3;
	s9 =	simm.s32 @!p0 $0x7  }
0x26: {  	[spmem:s13], [sflag:s7] =	dma.local @!p0 [hbm:s18], $0x100  }
0x27: {  	_ =	swait.ge @!p0 [sflag:s9], $0x100  }
0x28: {  	[sflag:s9] =	ssyncset.done @!p0 $0x0  }
0x29: {  	[sflag:s9] =	ssyncadd.s32 @!p0 $0xFFFFFF00  }
0x2a: {  	[bflag:$0x0] =	sbarrier.arrive $0xFFFF  }
0x2b: {  	s16 =	rddreg [dreg:$0x6]  }
0x2c: {  	[tilespmem:s25], [sflag:$0x3] =	stream.linear.gather [hbm4b:s16+s2], $0x2800, $0x38;
	[tilespmem:$0x18980] =	vst v63  }
0x2d: {  	_ = 	snop  }
0x2e: {  	[tilespmem:s2], [sflag:$0x1] =	stream.linear.gather [hbm4b:s17+s2], $0x50, $0x38;
	[tilespmem:$0x18980] =	vst v63  }
0x2f: {  	s5 =	smov.u32 s17;
	s17 =	rddreg [dreg:$0x7]  }
0x30: {  	[tilespmem:s26], [sflag:$0x4] =	stream.linear.gather [hbm4b:s17+s2], $0x2800, $0x38;
	[tilespmem:$0x18980] =	vst v63  }
0x31: {  	s20 =	smov.u32 s18;
	s18 =	rddreg [dreg:$0xe]  }
0x32: {  	[tilespmem:s28], [sflag:$0x2] =	stream.linear.gather [hbm4b:s18+s2], $0x50, $0x38;
	[tilespmem:$0x18980] =	vst v63  }
0x33: {  	_ =	swait.ge [sflag:s29], $0x2800  }
0x34: {  	[sflag:s29] =	ssyncset.done $0x0  }
0x35: {  	[sflag:s29] =	ssyncadd.s32 $0xFFFFD800  }
0x36: {  	_ =	swait.ge [sflag:s30], $0x50  }
0x37: {  	[sflag:s30] =	ssyncset.done $0x0  }
0x38: {  	[sflag:s30] =	ssyncadd.s32 $0xFFFFFFB0  }
0x39: {  	[spmem:s1] =	stream.indirect.scatter.add.f32 [tilespmem:s25], [sflag:$0x5], $0x80, s2, s31, $0xb8;
	[tilespmem:$0x18980] =	vst v63  }
0x3a: {  	_ =	swait.ge [sflag:s0], $0x2800  }
0x3b: {  	[sflag:s0] =	ssyncset.done $0x0  }
0x3c: {  	[sflag:s0] =	ssyncadd.s32 $0xFFFFD800  }
0x3d: {  	_ =	swait.ge [sflag:s4], $0x50  }
0x3e: {  	[sflag:s4] =	ssyncset.done $0x0  }
0x3f: {  	[sflag:s4] =	ssyncadd.s32 $0xFFFFFFB0  }
0x40: {  	[spmem:s1] =	stream.indirect.scatter.add.f32 [tilespmem:s26], [sflag:$0x6], $0x80, s28, s31, $0xb8;
	[tilespmem:$0x18980] =	vst v63  }
0x41: {  	_ =	swait.ge [sflag:s8], $0x2800  }
0x42: {  	s6 =	smov.u32 s19;
	[sflag:s8] =	ssyncset.done $0x0  }
0x43: {  	s19 =	sadd.s32 $0xFFFFFB00, s21;
	s14 =	sshrl.u32 s23, $0x3;
	[sflag:s8] =	ssyncadd.s32 $0xFFFFD800  }
0x44: {  	[tilespmem:s25], [sflag:$0x3] =	stream.linear.gather [hbm4b:s19+s2], $0x2800, $0x38;
	[tilespmem:$0x18980] =	vst v63  }
0x45: {  	s14 =	sadd.s32 s3, s14  }
0x46: {  	[tilespmem:s2], [sflag:$0x1] =	stream.linear.gather [hbm4b:s14+s2], $0x50, $0x38;
	[tilespmem:$0x18980] =	vst v63  }
0x47: {  	_ =	swait.ge [sflag:s10], $0x2800  }
0x48: {  	s15 =	simm.s32 $0x14;
	s9 =	sadd.s32 $0x0, s22;
	[sflag:s10] =	ssyncset.done $0x0  }
0x49: {  	s16 =	sadd.s32 $0xA00, s21;
	s19 =	sadd.s32 $0xA0, s23;
	[sflag:s10] =	ssyncadd.s32 $0xFFFFD800  }
0x4a: {  	[tilespmem:s26], [sflag:$0x4] =	stream.linear.gather [hbm4b:s21+s2], $0x2800, $0x38;
	[tilespmem:$0x18980] =	vst v63  }
.LBB2_2:
0x4b: {  	[tilespmem:s28], [sflag:$0x2] =	stream.linear.gather [hbm4b:s9+s2], $0x50, $0x38;
	[tilespmem:$0x18980] =	vst v63  }
0x4c: {  	s9 =	smov.u32 s15  }
0x4d: {  	p1 =	sne.s32 s15, $0x4B0;
	s15 =	sadd.s32 $0x14, s15;
	_ =	swait.ge [sflag:s29], $0x2800  }
0x4e: {  	[sflag:s29] =	ssyncset.done $0x0  }
0x4f: {  	[sflag:s29] =	ssyncadd.s32 $0xFFFFD800  }
0x50: {  	_ =	swait.ge [sflag:s30], $0x50  }
0x51: {  	[sflag:s30] =	ssyncset.done $0x0  }
0x52: {  	[sflag:s30] =	ssyncadd.s32 $0xFFFFFFB0  }
0x53: {  	[spmem:s1] =	stream.indirect.scatter.add.f32 [tilespmem:s25], [sflag:$0x5], $0x80, s2, s31, $0xb8;
	[tilespmem:$0x18980] =	vst v63  }
0x54: {  	_ =	swait.ge [sflag:s0], $0x2800  }
0x55: {  	[sflag:s0] =	ssyncset.done $0x0  }
0x56: {  	[sflag:s0] =	ssyncadd.s32 $0xFFFFD800  }
0x57: {  	_ =	swait.ge [sflag:s4], $0x50  }
0x58: {  	[sflag:s4] =	ssyncset.done $0x0  }
0x59: {  	[sflag:s4] =	ssyncadd.s32 $0xFFFFFFB0  }
0x5a: {  	[spmem:s1] =	stream.indirect.scatter.add.f32 [tilespmem:s26], [sflag:$0x6], $0x80, s28, s31, $0xb8;
	[tilespmem:$0x18980] =	vst v63  }
0x5b: {  	_ =	swait.ge [sflag:s8], $0x2800  }
0x5c: {  	[sflag:s8] =	ssyncset.done $0x0  }
0x5d: {  	s17 =	sadd.s32 $0xFFFFFB00, s16;
	s18 =	sshrl.u32 s19, $0x3;
	[sflag:s8] =	ssyncadd.s32 $0xFFFFD800  }
0x5e: {  	[tilespmem:s25], [sflag:$0x3] =	stream.linear.gather [hbm4b:s17+s2], $0x2800, $0x38;
	[tilespmem:$0x18980] =	vst v63  }
0x5f: {  	s17 =	sadd.s32 s3, s18  }
0x60: {  	[tilespmem:s2], [sflag:$0x1] =	stream.linear.gather [hbm4b:s17+s2], $0x50, $0x38;
	[tilespmem:$0x18980] =	vst v63  }
.Ltmp0:
0x61: {  	_ =	swait.ge [sflag:s10], $0x2800;
	(pc) =	sbr.rel @p1 .LBB2_2-.Ltmp0, $4  }
0x62: {  	[sflag:s10] =	ssyncset.done $0x0  }
0x63: {  	[sflag:s10] =	ssyncadd.s32 $0xFFFFD800  }
0x64: {  	[tilespmem:s26], [sflag:$0x4] =	stream.linear.gather [hbm4b:s16+s2], $0x2800, $0x38;
	[tilespmem:$0x18980] =	vst v63  }
0x65: {  	s19 =	sadd.s32 $0xA0, s19;
	s9 =	sadd.s32 s9, s22;
	s16 =	sadd.s32 $0xA00, s16  }
0x66: {  	[tilespmem:s28], [sflag:$0x2] =	stream.linear.gather [hbm4b:s9+s2], $0x50, $0x38;
	[tilespmem:$0x18980] =	vst v63  }
0x67: {  	_ =	swait.ge [sflag:s29], $0x2800  }
0x68: {  	[sflag:s29] =	ssyncset.done $0x0  }
0x69: {  	[sflag:s29] =	ssyncadd.s32 $0xFFFFD800  }
0x6a: {  	_ =	swait.ge [sflag:s30], $0x50  }
0x6b: {  	[sflag:s30] =	ssyncset.done $0x0  }
0x6c: {  	[sflag:s30] =	ssyncadd.s32 $0xFFFFFFB0  }
0x6d: {  	[spmem:s1] =	stream.indirect.scatter.add.f32 [tilespmem:s25], [sflag:$0x5], $0x80, s2, s31, $0xb8;
	[tilespmem:$0x18980] =	vst v63  }
0x6e: {  	_ =	swait.ge [sflag:s0], $0x2800  }
0x6f: {  	[sflag:s0] =	ssyncset.done $0x0  }
0x70: {  	[sflag:s0] =	ssyncadd.s32 $0xFFFFD800  }
0x71: {  	_ =	swait.ge [sflag:s4], $0x50  }
0x72: {  	[sflag:s4] =	ssyncset.done $0x0  }
0x73: {  	[sflag:s4] =	ssyncadd.s32 $0xFFFFFFB0  }
0x74: {  	[spmem:s1] =	stream.indirect.scatter.add.f32 [tilespmem:s26], [sflag:$0x6], $0x80, s28, s31, $0xb8;
	[tilespmem:$0x18980] =	vst v63  }
0x75: {  	_ =	swait.ge [sflag:s8], $0x2800  }
0x76: {  	[sflag:s8] =	ssyncset.done $0x0  }
0x77: {  	s18 =	rddreg [dreg:$0xc];
	[sflag:s8] =	ssyncadd.s32 $0xFFFFD800  }
0x78: {  	[tilespmem:s25], [sflag:$0x3] =	stream.linear.gather [hbm4b:s18+s2], $0x2800, $0x38;
	[tilespmem:$0x18980] =	vst v63  }
0x79: {  	s19 =	rddreg [dreg:$0x10]  }
0x7a: {  	[tilespmem:s2], [sflag:$0x1] =	stream.linear.gather [hbm4b:s19+s2], $0x50, $0x38;
	[tilespmem:$0x18980] =	vst v63  }
0x7b: {  	_ =	swait.ge [sflag:s10], $0x2800  }
0x7c: {  	[sflag:s10] =	ssyncset.done $0x0  }
0x7d: {  	[sflag:s10] =	ssyncadd.s32 $0xFFFFD800  }
0x7e: {  	_ =	swait.ge [sflag:s29], $0x2800  }
0x7f: {  	[sflag:s29] =	ssyncset.done $0x0  }
0x80: {  	[sflag:s29] =	ssyncadd.s32 $0xFFFFD800  }
0x81: {  	_ =	swait.ge [sflag:s30], $0x50  }
0x82: {  	[sflag:s30] =	ssyncset.done $0x0  }
0x83: {  	[sflag:s30] =	ssyncadd.s32 $0xFFFFFFB0  }
0x84: {  	[spmem:s1] =	stream.indirect.scatter.add.f32 [tilespmem:s25], [sflag:$0x5], $0x80, s2, s31, $0xb8;
	[tilespmem:$0x18980] =	vst v63  }
0x85: {  	_ =	swait.ge [sflag:s8], $0x2800  }
0x86: {  	[sflag:s8] =	ssyncset.done $0x0  }
0x87: {  	[sflag:s8] =	ssyncadd.s32 $0xFFFFD800  }
0x88: {  	[bflag:$0x0] =	sbarrier.arrive $0xFFFF  }
0x89: {  	s15 =	rddreg [dreg:$0x8]  }
0x8a: {  	[hbm:s15], [sflag:s7] =	dma.local [spmem:s12], $0x2700  }
0x8b: {  	_ =	swait.ge [sflag:s24], $0x2700  }
0x8c: {  	s9 =	sshrl.u32 @p0 s6, $0x3;
	[sflag:s24] =	ssyncset.done $0x0  }
0x8d: {  	s19 =	smov.u32 s6;
	s6 =	rddreg [dreg:$0xd];
	[sflag:s24] =	ssyncadd.s32 $0xFFFFD900  }
0x8e: {  	[spmem:s9], [sflag:s7] =	dma.local @p0 [hbm:s6], $0x2700  }
0x8f: {  	s9 =	simm.s32 @p0 $0x7  }
0x90: {  	_ =	swait.ge @p0 [sflag:s9], $0x2700  }
0x91: {  	[sflag:s9] =	ssyncset.done @p0 $0x0  }
0x92: {  	[sflag:s9] =	ssyncadd.s32 @p0 $0xFFFFD900;
	s9 =	rddreg [dreg:$0x9]  }
0x93: {  	[hbm:s9], [sflag:s7] =	dma.local @!p0 [spmem:s13], $0x100  }
0x94: {  	s9 =	simm.s32 @!p0 $0x7  }
0x95: {  	_ =	swait.ge @!p0 [sflag:s9], $0x100  }
0x96: {  	[sflag:s9] =	ssyncset.done @!p0 $0x0  }
0x97: {  	s15 =	sshrl.u32 @!p0 s19, $0x3;
	[sflag:s9] =	ssyncadd.s32 @!p0 $0xFFFFFF00  }
0x98: {  	[spmem:s15], [sflag:s7] =	dma.local @!p0 [hbm:s6], $0x2700  }
0x99: {  	_ =	swait.ge @!p0 [sflag:s9], $0x2700  }
0x9a: {  	[sflag:s9] =	ssyncset.done @!p0 $0x0  }
0x9b: {  	[sflag:s9] =	ssyncadd.s32 @!p0 $0xFFFFD900  }
0x9c: {  	[spmem:s13], [sflag:s7] =	dma.local @!p0 [hbm:s20], $0x100  }
0x9d: {  	_ =	swait.ge @!p0 [sflag:s9], $0x100  }
0x9e: {  	[sflag:s9] =	ssyncset.done @!p0 $0x0  }
0x9f: {  	[sflag:s9] =	ssyncadd.s32 @!p0 $0xFFFFFF00  }
0xa0: {  	[bflag:$0x0] =	sbarrier.arrive $0xFFFF  }
0xa1: {  	s16 =	simm.s32 $0x0;
	s17 =	rddreg [dreg:$0x4]  }
0xa2: {  	[tilespmem:s25], [sflag:$0x7] =	stream.linear.gather [hbm4b:s17+s16], $0x2800, $0x38;
	[tilespmem:$0x18980] =	vst v63  }
0xa3: {  	_ =	swait.ge [sflag:s24], $0x2800  }
0xa4: {  	[sflag:s24] =	ssyncset.done $0x0  }
0xa5: {  	[sflag:s24] =	ssyncadd.s32 $0xFFFFD800  }
0xa6: {  	[tilespmem:s16], [sflag:$0x1] =	stream.linear.gather [hbm4b:s5+s16], $0x50, $0x38;
	[tilespmem:$0x18980] =	vst v63  }
0xa7: {  	s18 =	smov.u32 s20;
	s20 =	rddreg [dreg:$0xe]  }
0xa8: {  	[tilespmem:s28], [sflag:$0x2] =	stream.linear.gather [hbm4b:s20+s16], $0x50, $0x38;
	[tilespmem:$0x18980] =	vst v63  }
0xa9: {  	_ =	swait.ge [sflag:s30], $0x50  }
0xaa: {  	[sflag:s30] =	ssyncset.done $0x0  }
0xab: {  	[sflag:s30] =	ssyncadd.s32 $0xFFFFFFB0  }
0xac: {  	[spmem:s1] =	stream.indirect.scatter.add.f32 [tilespmem:s25], [sflag:$0x5], $0x80, s2, s31, $0xb8;
	[tilespmem:$0x18980] =	vst v63  }
0xad: {  	_ =	swait.ge [sflag:s4], $0x50  }
0xae: {  	[sflag:s4] =	ssyncset.done $0x0  }
0xaf: {  	[sflag:s4] =	ssyncadd.s32 $0xFFFFFFB0  }
0xb0: {  	[spmem:s1] =	stream.indirect.scatter.add.f32 [tilespmem:s25], [sflag:$0x6], $0x80, s28, s31, $0xb8;
	[tilespmem:$0x18980] =	vst v63  }
0xb1: {  	_ =	swait.ge [sflag:s8], $0x2800  }
0xb2: {  	[sflag:s8] =	ssyncset.done $0x0  }
0xb3: {  	[sflag:s8] =	ssyncadd.s32 $0xFFFFD800  }
0xb4: {  	[tilespmem:s2], [sflag:$0x1] =	stream.linear.gather [hbm4b:s14+s2], $0x50, $0x38;
	[tilespmem:$0x18980] =	vst v63  }
0xb5: {  	_ =	swait.ge [sflag:s10], $0x2800  }
0xb6: {  	s15 =	sadd.s32 $0xA0, s23;
	s9 =	sadd.s32 $0x0, s22;
	[sflag:s10] =	ssyncset.done $0x0  }
0xb7: {  	s17 =	smov.u32 s5;
	s14 =	simm.s32 $0x14;
	[sflag:s10] =	ssyncadd.s32 $0xFFFFD800  }
.LBB2_4:
0xb8: {  	[tilespmem:s28], [sflag:$0x2] =	stream.linear.gather [hbm4b:s9+s2], $0x50, $0x38;
	[tilespmem:$0x18980] =	vst v63  }
0xb9: {  	s9 =	smov.u32 s14  }
0xba: {  	p1 =	sne.s32 s14, $0x4B0;
	s14 =	sadd.s32 $0x14, s14;
	_ =	swait.ge [sflag:s30], $0x50  }
0xbb: {  	[sflag:s30] =	ssyncset.done $0x0  }
0xbc: {  	[sflag:s30] =	ssyncadd.s32 $0xFFFFFFB0  }
0xbd: {  	[spmem:s1] =	stream.indirect.scatter.add.f32 [tilespmem:s25], [sflag:$0x5], $0x80, s2, s31, $0xb8;
	[tilespmem:$0x18980] =	vst v63  }
0xbe: {  	_ =	swait.ge [sflag:s4], $0x50  }
0xbf: {  	[sflag:s4] =	ssyncset.done $0x0  }
0xc0: {  	[sflag:s4] =	ssyncadd.s32 $0xFFFFFFB0  }
0xc1: {  	[spmem:s1] =	stream.indirect.scatter.add.f32 [tilespmem:s25], [sflag:$0x6], $0x80, s28, s31, $0xb8;
	[tilespmem:$0x18980] =	vst v63  }
0xc2: {  	_ =	swait.ge [sflag:s8], $0x2800  }
0xc3: {  	s16 =	sshrl.u32 s15, $0x3;
	[sflag:s8] =	ssyncset.done $0x0  }
.Ltmp1:
0xc4: {  	s16 =	sadd.s32 s3, s16;
	[sflag:s8] =	ssyncadd.s32 $0xFFFFD800;
	(pc) =	sbr.rel @p1 .LBB2_4-.Ltmp1, $4  }
0xc5: {  	[tilespmem:s2], [sflag:$0x1] =	stream.linear.gather [hbm4b:s16+s2], $0x50, $0x38;
	[tilespmem:$0x18980] =	vst v63  }
0xc6: {  	_ =	swait.ge [sflag:s10], $0x2800  }
0xc7: {  	[sflag:s10] =	ssyncset.done $0x0  }
0xc8: {  	s15 =	sadd.s32 $0xA0, s15;
	s9 =	sadd.s32 s9, s22;
	[sflag:s10] =	ssyncadd.s32 $0xFFFFD800  }
0xc9: {  	[tilespmem:s28], [sflag:$0x2] =	stream.linear.gather [hbm4b:s9+s2], $0x50, $0x38;
	[tilespmem:$0x18980] =	vst v63  }
0xca: {  	_ =	swait.ge [sflag:s30], $0x50  }
0xcb: {  	[sflag:s30] =	ssyncset.done $0x0  }
0xcc: {  	[sflag:s30] =	ssyncadd.s32 $0xFFFFFFB0  }
0xcd: {  	[spmem:s1] =	stream.indirect.scatter.add.f32 [tilespmem:s25], [sflag:$0x5], $0x80, s2, s31, $0xb8;
	[tilespmem:$0x18980] =	vst v63  }
0xce: {  	_ =	swait.ge [sflag:s4], $0x50  }
0xcf: {  	[sflag:s4] =	ssyncset.done $0x0  }
0xd0: {  	[sflag:s4] =	ssyncadd.s32 $0xFFFFFFB0  }
0xd1: {  	[spmem:s1] =	stream.indirect.scatter.add.f32 [tilespmem:s25], [sflag:$0x6], $0x80, s28, s31, $0xb8;
	[tilespmem:$0x18980] =	vst v63  }
0xd2: {  	_ =	swait.ge [sflag:s8], $0x2800  }
0xd3: {  	[sflag:s8] =	ssyncset.done $0x0  }
0xd4: {  	s5 =	rddreg [dreg:$0x10];
	[sflag:s8] =	ssyncadd.s32 $0xFFFFD800  }
0xd5: {  	[tilespmem:s2], [sflag:$0x1] =	stream.linear.gather [hbm4b:s5+s2], $0x50, $0x38;
	[tilespmem:$0x18980] =	vst v63  }
0xd6: {  	_ =	swait.ge [sflag:s10], $0x2800  }
0xd7: {  	[sflag:s10] =	ssyncset.done $0x0  }
0xd8: {  	[sflag:s10] =	ssyncadd.s32 $0xFFFFD800  }
0xd9: {  	_ =	swait.ge [sflag:s30], $0x50  }
0xda: {  	[sflag:s30] =	ssyncset.done $0x0  }
0xdb: {  	[sflag:s30] =	ssyncadd.s32 $0xFFFFFFB0  }
0xdc: {  	[spmem:s1] =	stream.indirect.scatter.add.f32 [tilespmem:s25], [sflag:$0x5], $0x80, s2, s31, $0xb8;
	[tilespmem:$0x18980] =	vst v63  }
0xdd: {  	_ =	swait.ge [sflag:s8], $0x2800  }
0xde: {  	[sflag:s8] =	ssyncset.done $0x0  }
0xdf: {  	[sflag:s8] =	ssyncadd.s32 $0xFFFFD800  }
0xe0: {  	[bflag:$0x0] =	sbarrier.arrive $0xFFFF  }
0xe1: {  	s16 =	rddreg [dreg:$0xa]  }
0xe2: {  	[hbm:s16], [sflag:s7] =	dma.local [spmem:s12], $0x2700  }
0xe3: {  	_ =	swait.ge [sflag:s24], $0x2700  }
0xe4: {  	[sflag:s24] =	ssyncset.done $0x0  }
0xe5: {  	s9 =	rddreg [dreg:$0xb];
	[sflag:s24] =	ssyncadd.s32 $0xFFFFD900  }
0xe6: {  	[hbm:s9], [sflag:s7] =	dma.local @!p0 [spmem:s13], $0x100  }
0xe7: {  	s9 =	simm.s32 @!p0 $0x7  }
0xe8: {  	_ =	swait.ge @!p0 [sflag:s9], $0x100  }
0xe9: {  	s11 =	sadd.s32 $0x1, s11;
	s20 =	rddreg [dreg:$0xf]  }
0xea: {  	p1 =	sne.s32 s11, s20  }
.Ltmp2:
0xeb: {  	_ = 	snop;
	(pc) =	sbr.rel @p1 .LBB2_1-.Ltmp2, $3  }
0xec: {  	_ =	sdelay $0x1  }
0xed: {  	[sflag:s9] =	ssyncset.done @!p0 $0x0  }
0xee: {  	[sflag:s9] =	ssyncadd.s32 @!p0 $0xFFFFFF00  }
0xef: {  	_ =	sfence.sel $0x180000  }
0xf0: {  	[bflag:$0x0] =	sbarrier.arrive $0xFFFF  }
0xf1: {  	_ =	strace $0x90000047  }
0xf2: {  	[bflag:$0x2] =	sbarrier.arrive $0xFFFF  }
0xf3: {  	s0 =	rddreg [dreg:$0x3]  }
0xf4: {  	s0 =	sadd.s32 @!p0 $0x100000, s0  }
0xf5: {  	[sflag:s0] =	ssyncadd.tile.s32 @!p0 $0x1;
	_ =	shalt  }
.Lfunc_end2:
_tile_overlayer_lowered:
.L_overlay_start_2:
0xf6: {  	(tag) =	ssettag $0x2  }
0xf7: {  	s0 =	rddreg [dreg:$0x0];
	s2 =	stileid.u32  }
0xf8: {  	s1 =	rddreg [dreg:$0x1];
	p0 =	sne.s32 s2, $0x0  }
0xf9: {  	s3 =	rddreg [dreg:$0x2];
	[bflag:$0x3] =	sbarrier.arrive $0xFFFF;
	s2 =	simm.s32 @!p0 $0x1C07  }
0xfa: {  	[timem:s3], [sflag:s2] =	dma.local @!p0 [hbm:s0], s1  }
0xfb: {  	s0 =	simm.s32 @!p0 $0x7  }
0xfc: {  	_ =	swait.ge @!p0 [sflag:s0], s1  }
0xfd: {  	s1 =	ssub.s32 @!p0 $0x0, s1;
	[sflag:s0] =	ssyncset.done @!p0 $0x0  }
0xfe: {  	[sflag:s0] =	ssyncadd.s32 @!p0 s1  }
0xff: {  	[bflag:$0x3] =	sbarrier.arrive $0xFFFF  }
0x100: {  	_ =	shalt  }

</sc_bundles>
